<compile_context>
chip_gen: v7x
topology: tpu7x:2x2x1
jax: 0.10.2.dev20260603
libtpu: 0.0.44.dev20260713+nightly
codegen_flags: <defaults>
</compile_context>

<pallas_src>
import functools

import jax
import jax.numpy as jnp
from jax import lax
from jax.experimental import pallas as pl
from jax.experimental.pallas import tpu as pltpu
from jax.experimental.pallas import tpu_sc as plsc

L = 200
B = 10
BP = 16
H = 2
D = 64
N = L * BP
NG = 2048
V8 = 125000


def _sc_gather(ttab, xt):
    info = plsc.get_sparse_core_info()
    nw = info.num_cores * info.num_subcores
    b_per_w = NG // nw
    ck = 8
    mesh = plsc.VectorSubcoreMesh(core_axis_name="c", subcore_axis_name="s")

    nslots = 8
    ngroups = b_per_w // nslots

    @functools.partial(
        pl.kernel,
        mesh=mesh,
        out_type=jax.ShapeDtypeStruct((NG, D), jnp.float32),
        compiler_params=pltpu.CompilerParams(needs_layout_passes=False),
        scratch_types=[
            pltpu.VMEM((B, L), jnp.int32),
            pltpu.VMEM((b_per_w + 16, ), jnp.int32),
            pltpu.VMEM((b_per_w + 16, ), jnp.int32),
            pltpu.VMEM((D, nslots * 128), jnp.float32),
            pltpu.VMEM((b_per_w, D), jnp.float32),
        ] + [pltpu.SemaphoreType.DMA] * nslots,
    )
    def gather_kernel(ttab_hbm, xt_hbm, out_hbm, xt_v, sv_v, cv_v, blocks_v,
                      out_v, *sems):
        wid = lax.axis_index("s") * info.num_cores + lax.axis_index("c")
        base = wid * b_per_w
        dvs = [jnp.arange(16, dtype=jnp.int32) + 16 * m
               for m in range(D // 16)]
        pltpu.sync_copy(xt_hbm, xt_v)
        lane = jnp.arange(16, dtype=jnp.int32)
        for jb in range(0, b_per_w, 16):
            n = base + jb + lane
            t = lax.shift_right_logical(n * 6554, 16)
            bb = n - t * 10
            t = jnp.minimum(t, L - 1)
            iv = plsc.load_gather(xt_v, [bb, t])
            sv_v[pl.ds(jb, 16)] = iv & ~jnp.int32(127)
            cv_v[pl.ds(jb, 16)] = iv & 127

        def issue(g, k, svg):
            st = pl.multiple_of(svg[k], 128)
            return pltpu.async_copy(ttab_hbm.at[:, pl.ds(st, 128)],
                                    blocks_v.at[:, pl.ds(128 * k, 128)],
                                    sems[k])

        def wait_extract(g, k, cvg):
            pltpu.make_async_copy(ttab_hbm.at[:, pl.ds(0, 128)],
                                  blocks_v.at[:, pl.ds(128 * k, 128)],
                                  sems[k]).wait()
            cf = lax.broadcast(cvg[k] + 128 * k, (16,))
            jf = lax.broadcast(g * nslots + k, (16,))
            for dv in dvs:
                vals = plsc.load_gather(blocks_v, [dv, cf])
                plsc.store_scatter(out_v, [jf, dv], vals)

        sv0 = sv_v[pl.ds(0, 16)]
        for k in range(nslots):
            issue(0, k, sv0)

        def ring_body(g, carry):
            svp = sv_v[pl.ds((g - 1) * nslots, 16)]
            cvp = cv_v[pl.ds((g - 1) * nslots, 16)]
            svg = sv_v[pl.ds(g * nslots, 16)]
            for k in range(nslots):
                wait_extract(g - 1, k, cvp)
                issue(g, k, svg)
            _ = svp
            return carry

        lax.fori_loop(1, ngroups, ring_body, 0)
        cvl = cv_v[pl.ds((ngroups - 1) * nslots, 16)]
        for k in range(nslots):
            wait_extract(ngroups - 1, k, cvl)
        pltpu.sync_copy(out_v, out_hbm.at[pl.ds(base, b_per_w)])

    return gather_kernel(ttab, xt)


def _rnn_body(z_ref, wih0_ref, wih1_ref, whh_ref, bias_ref, fcw0_ref,
              fcw1_ref, fcb_ref, out_ref, a0_ref, a1_ref, ps_ref):
    a0_ref[...] = (jnp.dot(z_ref[...], wih0_ref[...],
                           preferred_element_type=jnp.float32)
                   + bias_ref[0, 0])
    a1_ref[...] = (jnp.dot(z_ref[...], wih1_ref[...],
                           preferred_element_type=jnp.float32)
                   + bias_ref[0, 1])
    w00 = whh_ref[0, 0]
    w01 = whh_ref[0, 1]
    w10 = whh_ref[1, 0]
    w11 = whh_ref[1, 1]
    fcw0 = fcw0_ref[...]
    fcw1 = fcw1_ref[...]

    def step(t, carry):
        h0, h1 = carry
        a0 = a0_ref[pl.ds(t * B, BP), :]
        a1 = a1_ref[pl.ds(t * B, BP), :]
        n0 = jnp.tanh(a0 + h0 * w00 + h1 * w01)
        n1 = jnp.tanh(a1 + h0 * w10 + h1 * w11)
        ps_ref[t] = n0 * fcw0 + n1 * fcw1
        return (n0, n1)

    zero = jnp.zeros((BP, 1), jnp.float32)
    lax.fori_loop(0, L, step, (zero, zero))
    s = jnp.sum(jnp.sum(ps_ref[...], axis=2), axis=1)
    out_ref[...] = jax.nn.sigmoid(s + fcb_ref[0, 0])[:, None]


def _rnn_head(z, wih0, wih1, whh, bias, fcw0, fcw1, fcb):
    return pl.pallas_call(
        _rnn_body,
        out_shape=jax.ShapeDtypeStruct((L, 1), jnp.float32),
        in_specs=[
            pl.BlockSpec(memory_space=pltpu.VMEM),
            pl.BlockSpec(memory_space=pltpu.VMEM),
            pl.BlockSpec(memory_space=pltpu.VMEM),
            pl.BlockSpec(memory_space=pltpu.SMEM),
            pl.BlockSpec(memory_space=pltpu.SMEM),
            pl.BlockSpec(memory_space=pltpu.VMEM),
            pl.BlockSpec(memory_space=pltpu.VMEM),
            pl.BlockSpec(memory_space=pltpu.SMEM),
        ],
        out_specs=pl.BlockSpec(memory_space=pltpu.VMEM),
        scratch_shapes=[
            pltpu.VMEM((NG, 1), jnp.float32),
            pltpu.VMEM((NG, 1), jnp.float32),
            pltpu.VMEM((L, BP, 1), jnp.float32),
        ],
    )(z, wih0, wih1, whh, bias, fcw0, fcw1, fcb)


def kernel(x, emb_table, W_ih, W_hh, b_ih, b_hh, fc_W, fc_b):
    z = _sc_gather(emb_table.T, x.astype(jnp.int32).T)

    wih_t = W_ih.astype(jnp.float32).T
    wih0 = wih_t[:, 0:1]
    wih1 = wih_t[:, 1:2]
    bias = (b_ih + b_hh).astype(jnp.float32).reshape(1, H)
    fcw = fc_W.astype(jnp.float32).reshape(B, H)
    fcw0 = jnp.zeros((BP, 1), jnp.float32).at[:B, 0].set(fcw[:, 0])
    fcw1 = jnp.zeros((BP, 1), jnp.float32).at[:B, 0].set(fcw[:, 1])
    whh = W_hh.astype(jnp.float32)
    fcb = fc_b.astype(jnp.float32).reshape(1, 1)

    return _rnn_head(z, wih0, wih1, whh, bias, fcw0, fcw1, fcb)

# --- scband reference (transcript-rebuilt; emitter-appended) ---
"""Pipeline reference for scband-q6-4-48473000903099 (READ-ONLY COPY).

The authoritative reference and input builder live on the scoring server;
editing this copy changes nothing except your own understanding.
"""

import jax, jax.numpy as jnp
import numpy as np

V, D, L, B, H = 1000000, 64, 200, 10, 2

def setup_inputs(seed: int = 0):
    key = jax.random.key(seed)
    ks = jax.random.split(key, 8)
    x = jax.random.randint(ks[0], (L, B), 0, V)
    emb_table = jax.random.normal(ks[1], (V, D), dtype=jnp.float32)
    s = float(1.0 / np.sqrt(H))
    W_ih = jax.random.uniform(ks[2], (H, D), minval=-s, maxval=s, dtype=jnp.float32)
    W_hh = jax.random.uniform(ks[3], (H, H), minval=-s, maxval=s, dtype=jnp.float32)
    b_ih = jax.random.uniform(ks[4], (H,), minval=-s, maxval=s, dtype=jnp.float32)
    b_hh = jax.random.uniform(ks[5], (H,), minval=-s, maxval=s, dtype=jnp.float32)
    sf = float(1.0 / np.sqrt(B * H))
    fc_W = jax.random.uniform(ks[6], (1, B * H), minval=-sf, maxval=sf, dtype=jnp.float32)
    fc_b = jax.random.uniform(ks[7], (1,), minval=-sf, maxval=sf, dtype=jnp.float32)
    return {"x": x, "emb_table": emb_table, "W_ih": W_ih, "W_hh": W_hh, "b_ih": b_ih, "b_hh": b_hh, "fc_W": fc_W, "fc_b": fc_b}

def reference(x, emb_table, W_ih, W_hh, b_ih, b_hh, fc_W, fc_b):
    # embedding lookup: (L, B) -> (L, B, D)
    z = jnp.take(emb_table, x, axis=0)
    h0 = jnp.zeros((z.shape[1], W_hh.shape[0]), dtype=z.dtype)
    def step(h, xt):
        h_new = jnp.tanh(xt @ W_ih.T + b_ih + h @ W_hh.T + b_hh)
        return h_new, h_new
    _, ys = jax.lax.scan(step, h0, z)  # ys: (L, B, H)
    flat = ys.reshape(ys.shape[0], ys.shape[1] * ys.shape[2])  # (L, B*H) = (L, 20)
    out = jax.nn.sigmoid(flat @ fc_W.T + fc_b)  # (L, 1)
    return out

if __name__ == "__main__":
    import jax
    _d = setup_inputs()
    print(jax.jit(kernel)(*tuple(_d.values())))

</pallas_src>

<mosaic_0001>
#map = affine_map<(d0, d1) -> (0, 0)>
module attributes {stable_mosaic.version = 14 : i64} {
  func.func @gather_kernel(%arg0: i32, %arg1: i32, %arg2: memref<64x1000000xf32, #tpu.memory_space<hbm>>, %arg3: memref<10x200xi32, #tpu.memory_space<hbm>>, %arg4: memref<2048x64xf32, #tpu.memory_space<hbm>>, %arg5: memref<10x200xi32, #tpu.memory_space<vmem>>, %arg6: memref<80xi32, #tpu.memory_space<vmem>>, %arg7: memref<80xi32, #tpu.memory_space<vmem>>, %arg8: memref<64x1024xf32, #tpu.memory_space<vmem>>, %arg9: memref<64x64xf32, #tpu.memory_space<vmem>>, %arg10: memref<!tpu.dma_semaphore, #tpu.memory_space<semaphore_mem>>, %arg11: memref<!tpu.dma_semaphore, #tpu.memory_space<semaphore_mem>>, %arg12: memref<!tpu.dma_semaphore, #tpu.memory_space<semaphore_mem>>, %arg13: memref<!tpu.dma_semaphore, #tpu.memory_space<semaphore_mem>>, %arg14: memref<!tpu.dma_semaphore, #tpu.memory_space<semaphore_mem>>, %arg15: memref<!tpu.dma_semaphore, #tpu.memory_space<semaphore_mem>>, %arg16: memref<!tpu.dma_semaphore, #tpu.memory_space<semaphore_mem>>, %arg17: memref<!tpu.dma_semaphore, #tpu.memory_space<semaphore_mem>>) attributes {dimension_semantics = [#tpu.dimension_semantics<core_parallel>, #tpu.dimension_semantics<subcore_parallel>], iteration_bounds = array<i64: 2, 16>, scalar_prefetch = 0 : i64, scratch_operands = 13 : i64, tpu.core_type = #tpu.core_type<sc_vector_subcore>, window_params = [{transform_indices = #map}, {transform_indices = #map}, {transform_indices = #map}]} {
    %mul3A = arith.constant 2 : i32
    %mul3A_0 = arith.muli %arg1, %mul3A : i32
    %add3A = arith.addi %mul3A_0, %arg0 : i32
    %mul3A_1 = arith.constant 64 : i32
    %mul3A_2 = arith.muli %add3A, %mul3A_1 : i32
    %iota3A = tpu.iota {dimensions = array<i32: 0>} : vector<16xi32>
    %add3A_3 = arith.constant 0 : i32
    %add3A_4 = vector.broadcast %add3A_3 : i32 to vector<16xi32>
    %add3A_5 = arith.addi %iota3A, %add3A_4 : vector<16xi32>
    %iota3A_6 = tpu.iota {dimensions = array<i32: 0>} : vector<16xi32>
    %add3A_7 = arith.constant 16 : i32
    %add3A_8 = vector.broadcast %add3A_7 : i32 to vector<16xi32>
    %add3A_9 = arith.addi %iota3A_6, %add3A_8 : vector<16xi32>
    %iota3A_10 = tpu.iota {dimensions = array<i32: 0>} : vector<16xi32>
    %add3A_11 = arith.constant 32 : i32
    %add3A_12 = vector.broadcast %add3A_11 : i32 to vector<16xi32>
    %add3A_13 = arith.addi %iota3A_10, %add3A_12 : vector<16xi32>
    %iota3A_14 = tpu.iota {dimensions = array<i32: 0>} : vector<16xi32>
    %add3A_15 = arith.constant 48 : i32
    %add3A_16 = vector.broadcast %add3A_15 : i32 to vector<16xi32>
    %add3A_17 = arith.addi %iota3A_14, %add3A_16 : vector<16xi32>
    "tpu.region"() ({
      %run_scoped3A = tpu.sem_alloc : memref<!tpu.dma_semaphore, #tpu.memory_space<semaphore_mem>>
      tpu.enqueue_dma source(%arg3 : memref<10x200xi32, #tpu.memory_space<hbm>>) target(%arg5 : memref<10x200xi32, #tpu.memory_space<vmem>>) target_semaphore(%run_scoped3A : memref<!tpu.dma_semaphore, #tpu.memory_space<semaphore_mem>>)
      tpu.wait_dma2 semaphore(%run_scoped3A : memref<!tpu.dma_semaphore, #tpu.memory_space<semaphore_mem>>) src(%arg3 : memref<10x200xi32, #tpu.memory_space<hbm>>) dst(%arg5 : memref<10x200xi32, #tpu.memory_space<vmem>>)
      tpu.yield
    }) : () -> ()
    %iota3A_18 = tpu.iota {dimensions = array<i32: 0>} : vector<16xi32>
    %add3A_19 = arith.constant 0 : i32
    %add3A_20 = arith.addi %mul3A_2, %add3A_19 : i32
    %add3A_21 = vector.broadcast %add3A_20 : i32 to vector<16xi32>
    %add3A_22 = arith.addi %add3A_21, %iota3A_18 : vector<16xi32>
    %mul3A_23 = arith.constant 6554 : i32
    %mul3A_24 = vector.broadcast %mul3A_23 : i32 to vector<16xi32>
    %mul3A_25 = arith.muli %add3A_22, %mul3A_24 : vector<16xi32>
    %shift_right_logical3A = arith.constant 16 : i32
    %shift_right_logical3A_26 = vector.broadcast %shift_right_logical3A : i32 to vector<16xi32>
    %shift_right_logical3A_27 = arith.shrui %mul3A_25, %shift_right_logical3A_26 : vector<16xi32>
    %mul3A_28 = arith.constant 10 : i32
    %mul3A_29 = vector.broadcast %mul3A_28 : i32 to vector<16xi32>
    %mul3A_30 = arith.muli %shift_right_logical3A_27, %mul3A_29 : vector<16xi32>
    %sub3A = arith.subi %add3A_22, %mul3A_30 : vector<16xi32>
    %min3A = arith.constant 199 : i32
    %min3A_31 = vector.broadcast %min3A : i32 to vector<16xi32>
    %min3A_32 = arith.minsi %shift_right_logical3A_27, %min3A_31 : vector<16xi32>
    %gather3A = tpu.vector_load_idx %arg5[%sub3A, %min3A_32] : memref<10x200xi32, #tpu.memory_space<vmem>>[vector<16xi32>, vector<16xi32>], vector<16xi32>,
    %not3A = arith.constant 127 : i32
    %not3A_33 = arith.constant -1 : i32
    %not3A_34 = arith.xori %not3A, %not3A_33 : i32
    %and3A = vector.broadcast %not3A_34 : i32 to vector<16xi32>
    %and3A_35 = arith.andi %gather3A, %and3A : vector<16xi32>
    %swap3A = arith.constant 0 : index
    %swap3A_36 = tpu.vector_load %arg6[%swap3A] {strides = array<i32>} : memref<80xi32, #tpu.memory_space<vmem>>, vector<16xi32>,
    tpu.vector_store %arg6[%swap3A], %and3A_35 {strides = array<i32>} : memref<80xi32, #tpu.memory_space<vmem>>, vector<16xi32>,
    %and3A_37 = arith.constant 127 : i32
    %and3A_38 = vector.broadcast %and3A_37 : i32 to vector<16xi32>
    %and3A_39 = arith.andi %gather3A, %and3A_38 : vector<16xi32>
    %swap3A_40 = arith.constant 0 : index
    %swap3A_41 = tpu.vector_load %arg7[%swap3A_40] {strides = array<i32>} : memref<80xi32, #tpu.memory_space<vmem>>, vector<16xi32>,
    tpu.vector_store %arg7[%swap3A_40], %and3A_39 {strides = array<i32>} : memref<80xi32, #tpu.memory_space<vmem>>, vector<16xi32>,
    %add3A_42 = arith.constant 16 : i32
    %add3A_43 = arith.addi %mul3A_2, %add3A_42 : i32
    %add3A_44 = vector.broadcast %add3A_43 : i32 to vector<16xi32>
    %add3A_45 = arith.addi %add3A_44, %iota3A_18 : vector<16xi32>
    %mul3A_46 = arith.constant 6554 : i32
    %mul3A_47 = vector.broadcast %mul3A_46 : i32 to vector<16xi32>
    %mul3A_48 = arith.muli %add3A_45, %mul3A_47 : vector<16xi32>
    %shift_right_logical3A_49 = arith.constant 16 : i32
    %shift_right_logical3A_50 = vector.broadcast %shift_right_logical3A_49 : i32 to vector<16xi32>
    %shift_right_logical3A_51 = arith.shrui %mul3A_48, %shift_right_logical3A_50 : vector<16xi32>
    %mul3A_52 = arith.constant 10 : i32
    %mul3A_53 = vector.broadcast %mul3A_52 : i32 to vector<16xi32>
    %mul3A_54 = arith.muli %shift_right_logical3A_51, %mul3A_53 : vector<16xi32>
    %sub3A_55 = arith.subi %add3A_45, %mul3A_54 : vector<16xi32>
    %min3A_56 = arith.constant 199 : i32
    %min3A_57 = vector.broadcast %min3A_56 : i32 to vector<16xi32>
    %min3A_58 = arith.minsi %shift_right_logical3A_51, %min3A_57 : vector<16xi32>
    %gather3A_59 = tpu.vector_load_idx %arg5[%sub3A_55, %min3A_58] : memref<10x200xi32, #tpu.memory_space<vmem>>[vector<16xi32>, vector<16xi32>], vector<16xi32>,
    %not3A_60 = arith.constant 127 : i32
    %not3A_61 = arith.constant -1 : i32
    %not3A_62 = arith.xori %not3A_60, %not3A_61 : i32
    %and3A_63 = vector.broadcast %not3A_62 : i32 to vector<16xi32>
    %and3A_64 = arith.andi %gather3A_59, %and3A_63 : vector<16xi32>
    %swap3A_65 = arith.constant 16 : index
    %swap3A_66 = tpu.vector_load %arg6[%swap3A_65] {strides = array<i32>} : memref<80xi32, #tpu.memory_space<vmem>>, vector<16xi32>,
    tpu.vector_store %arg6[%swap3A_65], %and3A_64 {strides = array<i32>} : memref<80xi32, #tpu.memory_space<vmem>>, vector<16xi32>,
    %and3A_67 = arith.constant 127 : i32
    %and3A_68 = vector.broadcast %and3A_67 : i32 to vector<16xi32>
    %and3A_69 = arith.andi %gather3A_59, %and3A_68 : vector<16xi32>
    %swap3A_70 = arith.constant 16 : index
    %swap3A_71 = tpu.vector_load %arg7[%swap3A_70] {strides = array<i32>} : memref<80xi32, #tpu.memory_space<vmem>>, vector<16xi32>,
    tpu.vector_store %arg7[%swap3A_70], %and3A_69 {strides = array<i32>} : memref<80xi32, #tpu.memory_space<vmem>>, vector<16xi32>,
    %add3A_72 = arith.constant 32 : i32
    %add3A_73 = arith.addi %mul3A_2, %add3A_72 : i32
    %add3A_74 = vector.broadcast %add3A_73 : i32 to vector<16xi32>
    %add3A_75 = arith.addi %add3A_74, %iota3A_18 : vector<16xi32>
    %mul3A_76 = arith.constant 6554 : i32
    %mul3A_77 = vector.broadcast %mul3A_76 : i32 to vector<16xi32>
    %mul3A_78 = arith.muli %add3A_75, %mul3A_77 : vector<16xi32>
    %shift_right_logical3A_79 = arith.constant 16 : i32
    %shift_right_logical3A_80 = vector.broadcast %shift_right_logical3A_79 : i32 to vector<16xi32>
    %shift_right_logical3A_81 = arith.shrui %mul3A_78, %shift_right_logical3A_80 : vector<16xi32>
    %mul3A_82 = arith.constant 10 : i32
    %mul3A_83 = vector.broadcast %mul3A_82 : i32 to vector<16xi32>
    %mul3A_84 = arith.muli %shift_right_logical3A_81, %mul3A_83 : vector<16xi32>
    %sub3A_85 = arith.subi %add3A_75, %mul3A_84 : vector<16xi32>
    %min3A_86 = arith.constant 199 : i32
    %min3A_87 = vector.broadcast %min3A_86 : i32 to vector<16xi32>
    %min3A_88 = arith.minsi %shift_right_logical3A_81, %min3A_87 : vector<16xi32>
    %gather3A_89 = tpu.vector_load_idx %arg5[%sub3A_85, %min3A_88] : memref<10x200xi32, #tpu.memory_space<vmem>>[vector<16xi32>, vector<16xi32>], vector<16xi32>,
    %not3A_90 = arith.constant 127 : i32
    %not3A_91 = arith.constant -1 : i32
    %not3A_92 = arith.xori %not3A_90, %not3A_91 : i32
    %and3A_93 = vector.broadcast %not3A_92 : i32 to vector<16xi32>
    %and3A_94 = arith.andi %gather3A_89, %and3A_93 : vector<16xi32>
    %swap3A_95 = arith.constant 32 : index
    %swap3A_96 = tpu.vector_load %arg6[%swap3A_95] {strides = array<i32>} : memref<80xi32, #tpu.memory_space<vmem>>, vector<16xi32>,
    tpu.vector_store %arg6[%swap3A_95], %and3A_94 {strides = array<i32>} : memref<80xi32, #tpu.memory_space<vmem>>, vector<16xi32>,
    %and3A_97 = arith.constant 127 : i32
    %and3A_98 = vector.broadcast %and3A_97 : i32 to vector<16xi32>
    %and3A_99 = arith.andi %gather3A_89, %and3A_98 : vector<16xi32>
    %swap3A_100 = arith.constant 32 : index
    %swap3A_101 = tpu.vector_load %arg7[%swap3A_100] {strides = array<i32>} : memref<80xi32, #tpu.memory_space<vmem>>, vector<16xi32>,
    tpu.vector_store %arg7[%swap3A_100], %and3A_99 {strides = array<i32>} : memref<80xi32, #tpu.memory_space<vmem>>, vector<16xi32>,
    %add3A_102 = arith.constant 48 : i32
    %add3A_103 = arith.addi %mul3A_2, %add3A_102 : i32
    %add3A_104 = vector.broadcast %add3A_103 : i32 to vector<16xi32>
    %add3A_105 = arith.addi %add3A_104, %iota3A_18 : vector<16xi32>
    %mul3A_106 = arith.constant 6554 : i32
    %mul3A_107 = vector.broadcast %mul3A_106 : i32 to vector<16xi32>
    %mul3A_108 = arith.muli %add3A_105, %mul3A_107 : vector<16xi32>
    %shift_right_logical3A_109 = arith.constant 16 : i32
    %shift_right_logical3A_110 = vector.broadcast %shift_right_logical3A_109 : i32 to vector<16xi32>
    %shift_right_logical3A_111 = arith.shrui %mul3A_108, %shift_right_logical3A_110 : vector<16xi32>
    %mul3A_112 = arith.constant 10 : i32
    %mul3A_113 = vector.broadcast %mul3A_112 : i32 to vector<16xi32>
    %mul3A_114 = arith.muli %shift_right_logical3A_111, %mul3A_113 : vector<16xi32>
    %sub3A_115 = arith.subi %add3A_105, %mul3A_114 : vector<16xi32>
    %min3A_116 = arith.constant 199 : i32
    %min3A_117 = vector.broadcast %min3A_116 : i32 to vector<16xi32>
    %min3A_118 = arith.minsi %shift_right_logical3A_111, %min3A_117 : vector<16xi32>
    %gather3A_119 = tpu.vector_load_idx %arg5[%sub3A_115, %min3A_118] : memref<10x200xi32, #tpu.memory_space<vmem>>[vector<16xi32>, vector<16xi32>], vector<16xi32>,
    %not3A_120 = arith.constant 127 : i32
    %not3A_121 = arith.constant -1 : i32
    %not3A_122 = arith.xori %not3A_120, %not3A_121 : i32
    %and3A_123 = vector.broadcast %not3A_122 : i32 to vector<16xi32>
    %and3A_124 = arith.andi %gather3A_119, %and3A_123 : vector<16xi32>
    %swap3A_125 = arith.constant 48 : index
    %swap3A_126 = tpu.vector_load %arg6[%swap3A_125] {strides = array<i32>} : memref<80xi32, #tpu.memory_space<vmem>>, vector<16xi32>,
    tpu.vector_store %arg6[%swap3A_125], %and3A_124 {strides = array<i32>} : memref<80xi32, #tpu.memory_space<vmem>>, vector<16xi32>,
    %and3A_127 = arith.constant 127 : i32
    %and3A_128 = vector.broadcast %and3A_127 : i32 to vector<16xi32>
    %and3A_129 = arith.andi %gather3A_119, %and3A_128 : vector<16xi32>
    %swap3A_130 = arith.constant 48 : index
    %swap3A_131 = tpu.vector_load %arg7[%swap3A_130] {strides = array<i32>} : memref<80xi32, #tpu.memory_space<vmem>>, vector<16xi32>,
    tpu.vector_store %arg7[%swap3A_130], %and3A_129 {strides = array<i32>} : memref<80xi32, #tpu.memory_space<vmem>>, vector<16xi32>,
    %get3A = arith.constant 0 : index
    %get3A_132 = tpu.vector_load %arg6[%get3A] {strides = array<i32>} : memref<80xi32, #tpu.memory_space<vmem>>, vector<16xi32>,
    %slice3A = vector.extract_strided_slice %get3A_132 {offsets = [0], sizes = [1], strides = [1]} : vector<16xi32> to vector<1xi32>
    %squeeze3A = vector.extract %slice3A[0] : i32 from vector<1xi32>
    %multiple_of3A = tpu.assume_multiple %squeeze3A, 128 : i32
    %dma_start3A = arith.constant 0 : i32
    %dma_start3A_133 = arith.constant 0 : i32
    %dma_start3A_134 = tpu.memref_slice %arg8[%dma_start3A, %dma_start3A_133] : memref<64x1024xf32, #tpu.memory_space<vmem>> -> memref<64x128xf32, #tpu.memory_space<vmem>>
    %dma_start3A_135 = arith.constant 0 : i32
    %dma_start3A_136 = tpu.memref_slice %arg2[%dma_start3A_135, %multiple_of3A] : memref<64x1000000xf32, #tpu.memory_space<hbm>> -> memref<64x128xf32, #tpu.memory_space<hbm>>
    %dma_start3A_137 = arith.constant 0 : i32
    %dma_start3A_138 = arith.constant 0 : i32
    %dma_start3A_139 = tpu.memref_slice %arg8[%dma_start3A_137, %dma_start3A_138] : memref<64x1024xf32, #tpu.memory_space<vmem>> -> memref<64x128xf32, #tpu.memory_space<vmem>>
    %dma_start3A_140 = arith.constant 0 : i32
    %dma_start3A_141 = tpu.memref_slice %arg2[%dma_start3A_140, %multiple_of3A] : memref<64x1000000xf32, #tpu.memory_space<hbm>> -> memref<64x128xf32, #tpu.memory_space<hbm>>
    tpu.enqueue_dma source(%dma_start3A_141 : memref<64x128xf32, #tpu.memory_space<hbm>>) target(%dma_start3A_139 : memref<64x128xf32, #tpu.memory_space<vmem>>) target_semaphore(%arg10 : memref<!tpu.dma_semaphore, #tpu.memory_space<semaphore_mem>>)
    %slice3A_142 = vector.extract_strided_slice %get3A_132 {offsets = [1], sizes = [1], strides = [1]} : vector<16xi32> to vector<1xi32>
    %squeeze3A_143 = vector.extract %slice3A_142[0] : i32 from vector<1xi32>
    %multiple_of3A_144 = tpu.assume_multiple %squeeze3A_143, 128 : i32
    %dma_start3A_145 = arith.constant 0 : i32
    %dma_start3A_146 = arith.constant 128 : i32
    %dma_start3A_147 = tpu.memref_slice %arg8[%dma_start3A_145, %dma_start3A_146] : memref<64x1024xf32, #tpu.memory_space<vmem>> -> memref<64x128xf32, #tpu.memory_space<vmem>>
    %dma_start3A_148 = arith.constant 0 : i32
    %dma_start3A_149 = tpu.memref_slice %arg2[%dma_start3A_148, %multiple_of3A_144] : memref<64x1000000xf32, #tpu.memory_space<hbm>> -> memref<64x128xf32, #tpu.memory_space<hbm>>
    %dma_start3A_150 = arith.constant 0 : i32
    %dma_start3A_151 = arith.constant 128 : i32
    %dma_start3A_152 = tpu.memref_slice %arg8[%dma_start3A_150, %dma_start3A_151] : memref<64x1024xf32, #tpu.memory_space<vmem>> -> memref<64x128xf32, #tpu.memory_space<vmem>>
    %dma_start3A_153 = arith.constant 0 : i32
    %dma_start3A_154 = tpu.memref_slice %arg2[%dma_start3A_153, %multiple_of3A_144] : memref<64x1000000xf32, #tpu.memory_space<hbm>> -> memref<64x128xf32, #tpu.memory_space<hbm>>
    tpu.enqueue_dma source(%dma_start3A_154 : memref<64x128xf32, #tpu.memory_space<hbm>>) target(%dma_start3A_152 : memref<64x128xf32, #tpu.memory_space<vmem>>) target_semaphore(%arg11 : memref<!tpu.dma_semaphore, #tpu.memory_space<semaphore_mem>>)
    %slice3A_155 = vector.extract_strided_slice %get3A_132 {offsets = [2], sizes = [1], strides = [1]} : vector<16xi32> to vector<1xi32>
    %squeeze3A_156 = vector.extract %slice3A_155[0] : i32 from vector<1xi32>
    %multiple_of3A_157 = tpu.assume_multiple %squeeze3A_156, 128 : i32
    %dma_start3A_158 = arith.constant 0 : i32
    %dma_start3A_159 = arith.constant 256 : i32
    %dma_start3A_160 = tpu.memref_slice %arg8[%dma_start3A_158, %dma_start3A_159] : memref<64x1024xf32, #tpu.memory_space<vmem>> -> memref<64x128xf32, #tpu.memory_space<vmem>>
    %dma_start3A_161 = arith.constant 0 : i32
    %dma_start3A_162 = tpu.memref_slice %arg2[%dma_start3A_161, %multiple_of3A_157] : memref<64x1000000xf32, #tpu.memory_space<hbm>> -> memref<64x128xf32, #tpu.memory_space<hbm>>
    %dma_start3A_163 = arith.constant 0 : i32
    %dma_start3A_164 = arith.constant 256 : i32
    %dma_start3A_165 = tpu.memref_slice %arg8[%dma_start3A_163, %dma_start3A_164] : memref<64x1024xf32, #tpu.memory_space<vmem>> -> memref<64x128xf32, #tpu.memory_space<vmem>>
    %dma_start3A_166 = arith.constant 0 : i32
    %dma_start3A_167 = tpu.memref_slice %arg2[%dma_start3A_166, %multiple_of3A_157] : memref<64x1000000xf32, #tpu.memory_space<hbm>> -> memref<64x128xf32, #tpu.memory_space<hbm>>
    tpu.enqueue_dma source(%dma_start3A_167 : memref<64x128xf32, #tpu.memory_space<hbm>>) target(%dma_start3A_165 : memref<64x128xf32, #tpu.memory_space<vmem>>) target_semaphore(%arg12 : memref<!tpu.dma_semaphore, #tpu.memory_space<semaphore_mem>>)
    %slice3A_168 = vector.extract_strided_slice %get3A_132 {offsets = [3], sizes = [1], strides = [1]} : vector<16xi32> to vector<1xi32>
    %squeeze3A_169 = vector.extract %slice3A_168[0] : i32 from vector<1xi32>
    %multiple_of3A_170 = tpu.assume_multiple %squeeze3A_169, 128 : i32
    %dma_start3A_171 = arith.constant 0 : i32
    %dma_start3A_172 = arith.constant 384 : i32
    %dma_start3A_173 = tpu.memref_slice %arg8[%dma_start3A_171, %dma_start3A_172] : memref<64x1024xf32, #tpu.memory_space<vmem>> -> memref<64x128xf32, #tpu.memory_space<vmem>>
    %dma_start3A_174 = arith.constant 0 : i32
    %dma_start3A_175 = tpu.memref_slice %arg2[%dma_start3A_174, %multiple_of3A_170] : memref<64x1000000xf32, #tpu.memory_space<hbm>> -> memref<64x128xf32, #tpu.memory_space<hbm>>
    %dma_start3A_176 = arith.constant 0 : i32
    %dma_start3A_177 = arith.constant 384 : i32
    %dma_start3A_178 = tpu.memref_slice %arg8[%dma_start3A_176, %dma_start3A_177] : memref<64x1024xf32, #tpu.memory_space<vmem>> -> memref<64x128xf32, #tpu.memory_space<vmem>>
    %dma_start3A_179 = arith.constant 0 : i32
    %dma_start3A_180 = tpu.memref_slice %arg2[%dma_start3A_179, %multiple_of3A_170] : memref<64x1000000xf32, #tpu.memory_space<hbm>> -> memref<64x128xf32, #tpu.memory_space<hbm>>
    tpu.enqueue_dma source(%dma_start3A_180 : memref<64x128xf32, #tpu.memory_space<hbm>>) target(%dma_start3A_178 : memref<64x128xf32, #tpu.memory_space<vmem>>) target_semaphore(%arg13 : memref<!tpu.dma_semaphore, #tpu.memory_space<semaphore_mem>>)
    %slice3A_181 = vector.extract_strided_slice %get3A_132 {offsets = [4], sizes = [1], strides = [1]} : vector<16xi32> to vector<1xi32>
    %squeeze3A_182 = vector.extract %slice3A_181[0] : i32 from vector<1xi32>
    %multiple_of3A_183 = tpu.assume_multiple %squeeze3A_182, 128 : i32
    %dma_start3A_184 = arith.constant 0 : i32
    %dma_start3A_185 = arith.constant 512 : i32
    %dma_start3A_186 = tpu.memref_slice %arg8[%dma_start3A_184, %dma_start3A_185] : memref<64x1024xf32, #tpu.memory_space<vmem>> -> memref<64x128xf32, #tpu.memory_space<vmem>>
    %dma_start3A_187 = arith.constant 0 : i32
    %dma_start3A_188 = tpu.memref_slice %arg2[%dma_start3A_187, %multiple_of3A_183] : memref<64x1000000xf32, #tpu.memory_space<hbm>> -> memref<64x128xf32, #tpu.memory_space<hbm>>
    %dma_start3A_189 = arith.constant 0 : i32
    %dma_start3A_190 = arith.constant 512 : i32
    %dma_start3A_191 = tpu.memref_slice %arg8[%dma_start3A_189, %dma_start3A_190] : memref<64x1024xf32, #tpu.memory_space<vmem>> -> memref<64x128xf32, #tpu.memory_space<vmem>>
    %dma_start3A_192 = arith.constant 0 : i32
    %dma_start3A_193 = tpu.memref_slice %arg2[%dma_start3A_192, %multiple_of3A_183] : memref<64x1000000xf32, #tpu.memory_space<hbm>> -> memref<64x128xf32, #tpu.memory_space<hbm>>
    tpu.enqueue_dma source(%dma_start3A_193 : memref<64x128xf32, #tpu.memory_space<hbm>>) target(%dma_start3A_191 : memref<64x128xf32, #tpu.memory_space<vmem>>) target_semaphore(%arg14 : memref<!tpu.dma_semaphore, #tpu.memory_space<semaphore_mem>>)
    %slice3A_194 = vector.extract_strided_slice %get3A_132 {offsets = [5], sizes = [1], strides = [1]} : vector<16xi32> to vector<1xi32>
    %squeeze3A_195 = vector.extract %slice3A_194[0] : i32 from vector<1xi32>
    %multiple_of3A_196 = tpu.assume_multiple %squeeze3A_195, 128 : i32
    %dma_start3A_197 = arith.constant 0 : i32
    %dma_start3A_198 = arith.constant 640 : i32
    %dma_start3A_199 = tpu.memref_slice %arg8[%dma_start3A_197, %dma_start3A_198] : memref<64x1024xf32, #tpu.memory_space<vmem>> -> memref<64x128xf32, #tpu.memory_space<vmem>>
    %dma_start3A_200 = arith.constant 0 : i32
    %dma_start3A_201 = tpu.memref_slice %arg2[%dma_start3A_200, %multiple_of3A_196] : memref<64x1000000xf32, #tpu.memory_space<hbm>> -> memref<64x128xf32, #tpu.memory_space<hbm>>
    %dma_start3A_202 = arith.constant 0 : i32
    %dma_start3A_203 = arith.constant 640 : i32
    %dma_start3A_204 = tpu.memref_slice %arg8[%dma_start3A_202, %dma_start3A_203] : memref<64x1024xf32, #tpu.memory_space<vmem>> -> memref<64x128xf32, #tpu.memory_space<vmem>>
    %dma_start3A_205 = arith.constant 0 : i32
    %dma_start3A_206 = tpu.memref_slice %arg2[%dma_start3A_205, %multiple_of3A_196] : memref<64x1000000xf32, #tpu.memory_space<hbm>> -> memref<64x128xf32, #tpu.memory_space<hbm>>
    tpu.enqueue_dma source(%dma_start3A_206 : memref<64x128xf32, #tpu.memory_space<hbm>>) target(%dma_start3A_204 : memref<64x128xf32, #tpu.memory_space<vmem>>) target_semaphore(%arg15 : memref<!tpu.dma_semaphore, #tpu.memory_space<semaphore_mem>>)
    %slice3A_207 = vector.extract_strided_slice %get3A_132 {offsets = [6], sizes = [1], strides = [1]} : vector<16xi32> to vector<1xi32>
    %squeeze3A_208 = vector.extract %slice3A_207[0] : i32 from vector<1xi32>
    %multiple_of3A_209 = tpu.assume_multiple %squeeze3A_208, 128 : i32
    %dma_start3A_210 = arith.constant 0 : i32
    %dma_start3A_211 = arith.constant 768 : i32
    %dma_start3A_212 = tpu.memref_slice %arg8[%dma_start3A_210, %dma_start3A_211] : memref<64x1024xf32, #tpu.memory_space<vmem>> -> memref<64x128xf32, #tpu.memory_space<vmem>>
    %dma_start3A_213 = arith.constant 0 : i32
    %dma_start3A_214 = tpu.memref_slice %arg2[%dma_start3A_213, %multiple_of3A_209] : memref<64x1000000xf32, #tpu.memory_space<hbm>> -> memref<64x128xf32, #tpu.memory_space<hbm>>
    %dma_start3A_215 = arith.constant 0 : i32
    %dma_start3A_216 = arith.constant 768 : i32
    %dma_start3A_217 = tpu.memref_slice %arg8[%dma_start3A_215, %dma_start3A_216] : memref<64x1024xf32, #tpu.memory_space<vmem>> -> memref<64x128xf32, #tpu.memory_space<vmem>>
    %dma_start3A_218 = arith.constant 0 : i32
    %dma_start3A_219 = tpu.memref_slice %arg2[%dma_start3A_218, %multiple_of3A_209] : memref<64x1000000xf32, #tpu.memory_space<hbm>> -> memref<64x128xf32, #tpu.memory_space<hbm>>
    tpu.enqueue_dma source(%dma_start3A_219 : memref<64x128xf32, #tpu.memory_space<hbm>>) target(%dma_start3A_217 : memref<64x128xf32, #tpu.memory_space<vmem>>) target_semaphore(%arg16 : memref<!tpu.dma_semaphore, #tpu.memory_space<semaphore_mem>>)
    %slice3A_220 = vector.extract_strided_slice %get3A_132 {offsets = [7], sizes = [1], strides = [1]} : vector<16xi32> to vector<1xi32>
    %squeeze3A_221 = vector.extract %slice3A_220[0] : i32 from vector<1xi32>
    %multiple_of3A_222 = tpu.assume_multiple %squeeze3A_221, 128 : i32
    %dma_start3A_223 = arith.constant 0 : i32
    %dma_start3A_224 = arith.constant 896 : i32
    %dma_start3A_225 = tpu.memref_slice %arg8[%dma_start3A_223, %dma_start3A_224] : memref<64x1024xf32, #tpu.memory_space<vmem>> -> memref<64x128xf32, #tpu.memory_space<vmem>>
    %dma_start3A_226 = arith.constant 0 : i32
    %dma_start3A_227 = tpu.memref_slice %arg2[%dma_start3A_226, %multiple_of3A_222] : memref<64x1000000xf32, #tpu.memory_space<hbm>> -> memref<64x128xf32, #tpu.memory_space<hbm>>
    %dma_start3A_228 = arith.constant 0 : i32
    %dma_start3A_229 = arith.constant 896 : i32
    %dma_start3A_230 = tpu.memref_slice %arg8[%dma_start3A_228, %dma_start3A_229] : memref<64x1024xf32, #tpu.memory_space<vmem>> -> memref<64x128xf32, #tpu.memory_space<vmem>>
    %dma_start3A_231 = arith.constant 0 : i32
    %dma_start3A_232 = tpu.memref_slice %arg2[%dma_start3A_231, %multiple_of3A_222] : memref<64x1000000xf32, #tpu.memory_space<hbm>> -> memref<64x128xf32, #tpu.memory_space<hbm>>
    tpu.enqueue_dma source(%dma_start3A_232 : memref<64x128xf32, #tpu.memory_space<hbm>>) target(%dma_start3A_230 : memref<64x128xf32, #tpu.memory_space<vmem>>) target_semaphore(%arg17 : memref<!tpu.dma_semaphore, #tpu.memory_space<semaphore_mem>>)
    %scan3A = arith.constant 0 : i32
    %scan3A_233 = arith.constant 1 : i32
    %scan3A_234 = arith.constant 7 : i32
    %scan3A_235 = arith.addi %scan3A_233, %scan3A_234 : i32
    %scan3A_236 = arith.constant 1 : i32
    scf.for %scan3A_422 = %scan3A_233 to %scan3A_235 step %scan3A_236  : i32 {
      %sub3A_423 = arith.constant 1 : i32
      %sub3A_424 = arith.subi %scan3A_422, %sub3A_423 : i32
      %mul3A_425 = arith.constant 8 : i32
      %mul3A_426 = arith.muli %sub3A_424, %mul3A_425 : i32
      %get3A_427 = arith.index_cast %mul3A_426 : i32 to index
      %get3A_428 = tpu.vector_load %arg6[%get3A_427] {strides = array<i32>} : memref<80xi32, #tpu.memory_space<vmem>>, vector<16xi32>,
      %sub3A_429 = arith.constant 1 : i32
      %sub3A_430 = arith.subi %scan3A_422, %sub3A_429 : i32
      %mul3A_431 = arith.constant 8 : i32
      %mul3A_432 = arith.muli %sub3A_430, %mul3A_431 : i32
      %get3A_433 = arith.index_cast %mul3A_432 : i32 to index
      %get3A_434 = tpu.vector_load %arg7[%get3A_433] {strides = array<i32>} : memref<80xi32, #tpu.memory_space<vmem>>, vector<16xi32>,
      %mul3A_435 = arith.constant 8 : i32
      %mul3A_436 = arith.muli %scan3A_422, %mul3A_435 : i32
      %get3A_437 = arith.index_cast %mul3A_436 : i32 to index
      %get3A_438 = tpu.vector_load %arg6[%get3A_437] {strides = array<i32>} : memref<80xi32, #tpu.memory_space<vmem>>, vector<16xi32>,
      %sub3A_439 = arith.constant 1 : i32
      %sub3A_440 = arith.subi %scan3A_422, %sub3A_439 : i32
      %dma_wait3A_441 = arith.constant 0 : i32
      %dma_wait3A_442 = arith.constant 0 : i32
      %dma_wait3A_443 = tpu.memref_slice %arg8[%dma_wait3A_441, %dma_wait3A_442] : memref<64x1024xf32, #tpu.memory_space<vmem>> -> memref<64x128xf32, #tpu.memory_space<vmem>>
      %dma_wait3A_444 = arith.constant 0 : i32
      %dma_wait3A_445 = arith.constant 0 : i32
      %dma_wait3A_446 = tpu.memref_slice %arg2[%dma_wait3A_444, %dma_wait3A_445] : memref<64x1000000xf32, #tpu.memory_space<hbm>> -> memref<64x128xf32, #tpu.memory_space<hbm>>
      %dma_wait3A_447 = arith.constant 0 : i32
      %dma_wait3A_448 = arith.constant 0 : i32
      %dma_wait3A_449 = tpu.memref_slice %arg8[%dma_wait3A_447, %dma_wait3A_448] : memref<64x1024xf32, #tpu.memory_space<vmem>> -> memref<64x128xf32, #tpu.memory_space<vmem>>
      %dma_wait3A_450 = arith.constant 0 : i32
      %dma_wait3A_451 = arith.constant 0 : i32
      %dma_wait3A_452 = tpu.memref_slice %arg2[%dma_wait3A_450, %dma_wait3A_451] : memref<64x1000000xf32, #tpu.memory_space<hbm>> -> memref<64x128xf32, #tpu.memory_space<hbm>>
      tpu.wait_dma2 semaphore(%arg10 : memref<!tpu.dma_semaphore, #tpu.memory_space<semaphore_mem>>) src(%dma_wait3A_452 : memref<64x128xf32, #tpu.memory_space<hbm>>) dst(%dma_wait3A_449 : memref<64x128xf32, #tpu.memory_space<vmem>>)
      %slice3A_453 = vector.extract_strided_slice %get3A_434 {offsets = [0], sizes = [1], strides = [1]} : vector<16xi32> to vector<1xi32>
      %squeeze3A_454 = vector.extract %slice3A_453[0] : i32 from vector<1xi32>
      %add3A_455 = arith.constant 0 : i32
      %add3A_456 = arith.addi %squeeze3A_454, %add3A_455 : i32
      %broadcast_in_dim3A_457 = vector.broadcast %add3A_456 : i32 to vector<16xi32>
      %mul3A_458 = arith.constant 8 : i32
      %mul3A_459 = arith.muli %sub3A_440, %mul3A_458 : i32
      %add3A_460 = arith.constant 0 : i32
      %add3A_461 = arith.addi %mul3A_459, %add3A_460 : i32
      %broadcast_in_dim3A_462 = vector.broadcast %add3A_461 : i32 to vector<16xi32>
      %gather3A_463 = tpu.vector_load_idx %arg8[%add3A_5, %broadcast_in_dim3A_457] : memref<64x1024xf32, #tpu.memory_space<vmem>>[vector<16xi32>, vector<16xi32>], vector<16xf32>,
      tpu.vector_store_idx %arg9[%broadcast_in_dim3A_462, %add3A_5], %gather3A_463 : memref<64x64xf32, #tpu.memory_space<vmem>>[vector<16xi32>, vector<16xi32>], vector<16xf32>,
      %gather3A_464 = tpu.vector_load_idx %arg8[%add3A_9, %broadcast_in_dim3A_457] : memref<64x1024xf32, #tpu.memory_space<vmem>>[vector<16xi32>, vector<16xi32>], vector<16xf32>,
      tpu.vector_store_idx %arg9[%broadcast_in_dim3A_462, %add3A_9], %gather3A_464 : memref<64x64xf32, #tpu.memory_space<vmem>>[vector<16xi32>, vector<16xi32>], vector<16xf32>,
      %gather3A_465 = tpu.vector_load_idx %arg8[%add3A_13, %broadcast_in_dim3A_457] : memref<64x1024xf32, #tpu.memory_space<vmem>>[vector<16xi32>, vector<16xi32>], vector<16xf32>,
      tpu.vector_store_idx %arg9[%broadcast_in_dim3A_462, %add3A_13], %gather3A_465 : memref<64x64xf32, #tpu.memory_space<vmem>>[vector<16xi32>, vector<16xi32>], vector<16xf32>,
      %gather3A_466 = tpu.vector_load_idx %arg8[%add3A_17, %broadcast_in_dim3A_457] : memref<64x1024xf32, #tpu.memory_space<vmem>>[vector<16xi32>, vector<16xi32>], vector<16xf32>,
      tpu.vector_store_idx %arg9[%broadcast_in_dim3A_462, %add3A_17], %gather3A_466 : memref<64x64xf32, #tpu.memory_space<vmem>>[vector<16xi32>, vector<16xi32>], vector<16xf32>,
      %slice3A_467 = vector.extract_strided_slice %get3A_438 {offsets = [0], sizes = [1], strides = [1]} : vector<16xi32> to vector<1xi32>
      %squeeze3A_468 = vector.extract %slice3A_467[0] : i32 from vector<1xi32>
      %multiple_of3A_469 = tpu.assume_multiple %squeeze3A_468, 128 : i32
      %dma_start3A_470 = arith.constant 0 : i32
      %dma_start3A_471 = arith.constant 0 : i32
      %dma_start3A_472 = tpu.memref_slice %arg8[%dma_start3A_470, %dma_start3A_471] : memref<64x1024xf32, #tpu.memory_space<vmem>> -> memref<64x128xf32, #tpu.memory_space<vmem>>
      %dma_start3A_473 = arith.constant 0 : i32
      %dma_start3A_474 = tpu.memref_slice %arg2[%dma_start3A_473, %multiple_of3A_469] : memref<64x1000000xf32, #tpu.memory_space<hbm>> -> memref<64x128xf32, #tpu.memory_space<hbm>>
      %dma_start3A_475 = arith.constant 0 : i32
      %dma_start3A_476 = arith.constant 0 : i32
      %dma_start3A_477 = tpu.memref_slice %arg8[%dma_start3A_475, %dma_start3A_476] : memref<64x1024xf32, #tpu.memory_space<vmem>> -> memref<64x128xf32, #tpu.memory_space<vmem>>
      %dma_start3A_478 = arith.constant 0 : i32
      %dma_start3A_479 = tpu.memref_slice %arg2[%dma_start3A_478, %multiple_of3A_469] : memref<64x1000000xf32, #tpu.memory_space<hbm>> -> memref<64x128xf32, #tpu.memory_space<hbm>>
      tpu.enqueue_dma source(%dma_start3A_479 : memref<64x128xf32, #tpu.memory_space<hbm>>) target(%dma_start3A_477 : memref<64x128xf32, #tpu.memory_space<vmem>>) target_semaphore(%arg10 : memref<!tpu.dma_semaphore, #tpu.memory_space<semaphore_mem>>)
      %sub3A_480 = arith.constant 1 : i32
      %sub3A_481 = arith.subi %scan3A_422, %sub3A_480 : i32
      %dma_wait3A_482 = arith.constant 0 : i32
      %dma_wait3A_483 = arith.constant 128 : i32
      %dma_wait3A_484 = tpu.memref_slice %arg8[%dma_wait3A_482, %dma_wait3A_483] : memref<64x1024xf32, #tpu.memory_space<vmem>> -> memref<64x128xf32, #tpu.memory_space<vmem>>
      %dma_wait3A_485 = arith.constant 0 : i32
      %dma_wait3A_486 = arith.constant 0 : i32
      %dma_wait3A_487 = tpu.memref_slice %arg2[%dma_wait3A_485, %dma_wait3A_486] : memref<64x1000000xf32, #tpu.memory_space<hbm>> -> memref<64x128xf32, #tpu.memory_space<hbm>>
      %dma_wait3A_488 = arith.constant 0 : i32
      %dma_wait3A_489 = arith.constant 128 : i32
      %dma_wait3A_490 = tpu.memref_slice %arg8[%dma_wait3A_488, %dma_wait3A_489] : memref<64x1024xf32, #tpu.memory_space<vmem>> -> memref<64x128xf32, #tpu.memory_space<vmem>>
      %dma_wait3A_491 = arith.constant 0 : i32
      %dma_wait3A_492 = arith.constant 0 : i32
      %dma_wait3A_493 = tpu.memref_slice %arg2[%dma_wait3A_491, %dma_wait3A_492] : memref<64x1000000xf32, #tpu.memory_space<hbm>> -> memref<64x128xf32, #tpu.memory_space<hbm>>
      tpu.wait_dma2 semaphore(%arg11 : memref<!tpu.dma_semaphore, #tpu.memory_space<semaphore_mem>>) src(%dma_wait3A_493 : memref<64x128xf32, #tpu.memory_space<hbm>>) dst(%dma_wait3A_490 : memref<64x128xf32, #tpu.memory_space<vmem>>)
      %slice3A_494 = vector.extract_strided_slice %get3A_434 {offsets = [1], sizes = [1], strides = [1]} : vector<16xi32> to vector<1xi32>
      %squeeze3A_495 = vector.extract %slice3A_494[0] : i32 from vector<1xi32>
      %add3A_496 = arith.constant 128 : i32
      %add3A_497 = arith.addi %squeeze3A_495, %add3A_496 : i32
      %broadcast_in_dim3A_498 = vector.broadcast %add3A_497 : i32 to vector<16xi32>
      %mul3A_499 = arith.constant 8 : i32
      %mul3A_500 = arith.muli %sub3A_481, %mul3A_499 : i32
      %add3A_501 = arith.constant 1 : i32
      %add3A_502 = arith.addi %mul3A_500, %add3A_501 : i32
      %broadcast_in_dim3A_503 = vector.broadcast %add3A_502 : i32 to vector<16xi32>
      %gather3A_504 = tpu.vector_load_idx %arg8[%add3A_5, %broadcast_in_dim3A_498] : memref<64x1024xf32, #tpu.memory_space<vmem>>[vector<16xi32>, vector<16xi32>], vector<16xf32>,
      tpu.vector_store_idx %arg9[%broadcast_in_dim3A_503, %add3A_5], %gather3A_504 : memref<64x64xf32, #tpu.memory_space<vmem>>[vector<16xi32>, vector<16xi32>], vector<16xf32>,
      %gather3A_505 = tpu.vector_load_idx %arg8[%add3A_9, %broadcast_in_dim3A_498] : memref<64x1024xf32, #tpu.memory_space<vmem>>[vector<16xi32>, vector<16xi32>], vector<16xf32>,
      tpu.vector_store_idx %arg9[%broadcast_in_dim3A_503, %add3A_9], %gather3A_505 : memref<64x64xf32, #tpu.memory_space<vmem>>[vector<16xi32>, vector<16xi32>], vector<16xf32>,
      %gather3A_506 = tpu.vector_load_idx %arg8[%add3A_13, %broadcast_in_dim3A_498] : memref<64x1024xf32, #tpu.memory_space<vmem>>[vector<16xi32>, vector<16xi32>], vector<16xf32>,
      tpu.vector_store_idx %arg9[%broadcast_in_dim3A_503, %add3A_13], %gather3A_506 : memref<64x64xf32, #tpu.memory_space<vmem>>[vector<16xi32>, vector<16xi32>], vector<16xf32>,
      %gather3A_507 = tpu.vector_load_idx %arg8[%add3A_17, %broadcast_in_dim3A_498] : memref<64x1024xf32, #tpu.memory_space<vmem>>[vector<16xi32>, vector<16xi32>], vector<16xf32>,
      tpu.vector_store_idx %arg9[%broadcast_in_dim3A_503, %add3A_17], %gather3A_507 : memref<64x64xf32, #tpu.memory_space<vmem>>[vector<16xi32>, vector<16xi32>], vector<16xf32>,
      %slice3A_508 = vector.extract_strided_slice %get3A_438 {offsets = [1], sizes = [1], strides = [1]} : vector<16xi32> to vector<1xi32>
      %squeeze3A_509 = vector.extract %slice3A_508[0] : i32 from vector<1xi32>
      %multiple_of3A_510 = tpu.assume_multiple %squeeze3A_509, 128 : i32
      %dma_start3A_511 = arith.constant 0 : i32
      %dma_start3A_512 = arith.constant 128 : i32
      %dma_start3A_513 = tpu.memref_slice %arg8[%dma_start3A_511, %dma_start3A_512] : memref<64x1024xf32, #tpu.memory_space<vmem>> -> memref<64x128xf32, #tpu.memory_space<vmem>>
      %dma_start3A_514 = arith.constant 0 : i32
      %dma_start3A_515 = tpu.memref_slice %arg2[%dma_start3A_514, %multiple_of3A_510] : memref<64x1000000xf32, #tpu.memory_space<hbm>> -> memref<64x128xf32, #tpu.memory_space<hbm>>
      %dma_start3A_516 = arith.constant 0 : i32
      %dma_start3A_517 = arith.constant 128 : i32
      %dma_start3A_518 = tpu.memref_slice %arg8[%dma_start3A_516, %dma_start3A_517] : memref<64x1024xf32, #tpu.memory_space<vmem>> -> memref<64x128xf32, #tpu.memory_space<vmem>>
      %dma_start3A_519 = arith.constant 0 : i32
      %dma_start3A_520 = tpu.memref_slice %arg2[%dma_start3A_519, %multiple_of3A_510] : memref<64x1000000xf32, #tpu.memory_space<hbm>> -> memref<64x128xf32, #tpu.memory_space<hbm>>
      tpu.enqueue_dma source(%dma_start3A_520 : memref<64x128xf32, #tpu.memory_space<hbm>>) target(%dma_start3A_518 : memref<64x128xf32, #tpu.memory_space<vmem>>) target_semaphore(%arg11 : memref<!tpu.dma_semaphore, #tpu.memory_space<semaphore_mem>>)
      %sub3A_521 = arith.constant 1 : i32
      %sub3A_522 = arith.subi %scan3A_422, %sub3A_521 : i32
      %dma_wait3A_523 = arith.constant 0 : i32
      %dma_wait3A_524 = arith.constant 256 : i32
      %dma_wait3A_525 = tpu.memref_slice %arg8[%dma_wait3A_523, %dma_wait3A_524] : memref<64x1024xf32, #tpu.memory_space<vmem>> -> memref<64x128xf32, #tpu.memory_space<vmem>>
      %dma_wait3A_526 = arith.constant 0 : i32
      %dma_wait3A_527 = arith.constant 0 : i32
      %dma_wait3A_528 = tpu.memref_slice %arg2[%dma_wait3A_526, %dma_wait3A_527] : memref<64x1000000xf32, #tpu.memory_space<hbm>> -> memref<64x128xf32, #tpu.memory_space<hbm>>
      %dma_wait3A_529 = arith.constant 0 : i32
      %dma_wait3A_530 = arith.constant 256 : i32
      %dma_wait3A_531 = tpu.memref_slice %arg8[%dma_wait3A_529, %dma_wait3A_530] : memref<64x1024xf32, #tpu.memory_space<vmem>> -> memref<64x128xf32, #tpu.memory_space<vmem>>
      %dma_wait3A_532 = arith.constant 0 : i32
      %dma_wait3A_533 = arith.constant 0 : i32
      %dma_wait3A_534 = tpu.memref_slice %arg2[%dma_wait3A_532, %dma_wait3A_533] : memref<64x1000000xf32, #tpu.memory_space<hbm>> -> memref<64x128xf32, #tpu.memory_space<hbm>>
      tpu.wait_dma2 semaphore(%arg12 : memref<!tpu.dma_semaphore, #tpu.memory_space<semaphore_mem>>) src(%dma_wait3A_534 : memref<64x128xf32, #tpu.memory_space<hbm>>) dst(%dma_wait3A_531 : memref<64x128xf32, #tpu.memory_space<vmem>>)
      %slice3A_535 = vector.extract_strided_slice %get3A_434 {offsets = [2], sizes = [1], strides = [1]} : vector<16xi32> to vector<1xi32>
      %squeeze3A_536 = vector.extract %slice3A_535[0] : i32 from vector<1xi32>
      %add3A_537 = arith.constant 256 : i32
      %add3A_538 = arith.addi %squeeze3A_536, %add3A_537 : i32
      %broadcast_in_dim3A_539 = vector.broadcast %add3A_538 : i32 to vector<16xi32>
      %mul3A_540 = arith.constant 8 : i32
      %mul3A_541 = arith.muli %sub3A_522, %mul3A_540 : i32
      %add3A_542 = arith.constant 2 : i32
      %add3A_543 = arith.addi %mul3A_541, %add3A_542 : i32
      %broadcast_in_dim3A_544 = vector.broadcast %add3A_543 : i32 to vector<16xi32>
      %gather3A_545 = tpu.vector_load_idx %arg8[%add3A_5, %broadcast_in_dim3A_539] : memref<64x1024xf32, #tpu.memory_space<vmem>>[vector<16xi32>, vector<16xi32>], vector<16xf32>,
      tpu.vector_store_idx %arg9[%broadcast_in_dim3A_544, %add3A_5], %gather3A_545 : memref<64x64xf32, #tpu.memory_space<vmem>>[vector<16xi32>, vector<16xi32>], vector<16xf32>,
      %gather3A_546 = tpu.vector_load_idx %arg8[%add3A_9, %broadcast_in_dim3A_539] : memref<64x1024xf32, #tpu.memory_space<vmem>>[vector<16xi32>, vector<16xi32>], vector<16xf32>,
      tpu.vector_store_idx %arg9[%broadcast_in_dim3A_544, %add3A_9], %gather3A_546 : memref<64x64xf32, #tpu.memory_space<vmem>>[vector<16xi32>, vector<16xi32>], vector<16xf32>,
      %gather3A_547 = tpu.vector_load_idx %arg8[%add3A_13, %broadcast_in_dim3A_539] : memref<64x1024xf32, #tpu.memory_space<vmem>>[vector<16xi32>, vector<16xi32>], vector<16xf32>,
      tpu.vector_store_idx %arg9[%broadcast_in_dim3A_544, %add3A_13], %gather3A_547 : memref<64x64xf32, #tpu.memory_space<vmem>>[vector<16xi32>, vector<16xi32>], vector<16xf32>,
      %gather3A_548 = tpu.vector_load_idx %arg8[%add3A_17, %broadcast_in_dim3A_539] : memref<64x1024xf32, #tpu.memory_space<vmem>>[vector<16xi32>, vector<16xi32>], vector<16xf32>,
      tpu.vector_store_idx %arg9[%broadcast_in_dim3A_544, %add3A_17], %gather3A_548 : memref<64x64xf32, #tpu.memory_space<vmem>>[vector<16xi32>, vector<16xi32>], vector<16xf32>,
      %slice3A_549 = vector.extract_strided_slice %get3A_438 {offsets = [2], sizes = [1], strides = [1]} : vector<16xi32> to vector<1xi32>
      %squeeze3A_550 = vector.extract %slice3A_549[0] : i32 from vector<1xi32>
      %multiple_of3A_551 = tpu.assume_multiple %squeeze3A_550, 128 : i32
      %dma_start3A_552 = arith.constant 0 : i32
      %dma_start3A_553 = arith.constant 256 : i32
      %dma_start3A_554 = tpu.memref_slice %arg8[%dma_start3A_552, %dma_start3A_553] : memref<64x1024xf32, #tpu.memory_space<vmem>> -> memref<64x128xf32, #tpu.memory_space<vmem>>
      %dma_start3A_555 = arith.constant 0 : i32
      %dma_start3A_556 = tpu.memref_slice %arg2[%dma_start3A_555, %multiple_of3A_551] : memref<64x1000000xf32, #tpu.memory_space<hbm>> -> memref<64x128xf32, #tpu.memory_space<hbm>>
      %dma_start3A_557 = arith.constant 0 : i32
      %dma_start3A_558 = arith.constant 256 : i32
      %dma_start3A_559 = tpu.memref_slice %arg8[%dma_start3A_557, %dma_start3A_558] : memref<64x1024xf32, #tpu.memory_space<vmem>> -> memref<64x128xf32, #tpu.memory_space<vmem>>
      %dma_start3A_560 = arith.constant 0 : i32
      %dma_start3A_561 = tpu.memref_slice %arg2[%dma_start3A_560, %multiple_of3A_551] : memref<64x1000000xf32, #tpu.memory_space<hbm>> -> memref<64x128xf32, #tpu.memory_space<hbm>>
      tpu.enqueue_dma source(%dma_start3A_561 : memref<64x128xf32, #tpu.memory_space<hbm>>) target(%dma_start3A_559 : memref<64x128xf32, #tpu.memory_space<vmem>>) target_semaphore(%arg12 : memref<!tpu.dma_semaphore, #tpu.memory_space<semaphore_mem>>)
      %sub3A_562 = arith.constant 1 : i32
      %sub3A_563 = arith.subi %scan3A_422, %sub3A_562 : i32
      %dma_wait3A_564 = arith.constant 0 : i32
      %dma_wait3A_565 = arith.constant 384 : i32
      %dma_wait3A_566 = tpu.memref_slice %arg8[%dma_wait3A_564, %dma_wait3A_565] : memref<64x1024xf32, #tpu.memory_space<vmem>> -> memref<64x128xf32, #tpu.memory_space<vmem>>
      %dma_wait3A_567 = arith.constant 0 : i32
      %dma_wait3A_568 = arith.constant 0 : i32
      %dma_wait3A_569 = tpu.memref_slice %arg2[%dma_wait3A_567, %dma_wait3A_568] : memref<64x1000000xf32, #tpu.memory_space<hbm>> -> memref<64x128xf32, #tpu.memory_space<hbm>>
      %dma_wait3A_570 = arith.constant 0 : i32
      %dma_wait3A_571 = arith.constant 384 : i32
      %dma_wait3A_572 = tpu.memref_slice %arg8[%dma_wait3A_570, %dma_wait3A_571] : memref<64x1024xf32, #tpu.memory_space<vmem>> -> memref<64x128xf32, #tpu.memory_space<vmem>>
      %dma_wait3A_573 = arith.constant 0 : i32
      %dma_wait3A_574 = arith.constant 0 : i32
      %dma_wait3A_575 = tpu.memref_slice %arg2[%dma_wait3A_573, %dma_wait3A_574] : memref<64x1000000xf32, #tpu.memory_space<hbm>> -> memref<64x128xf32, #tpu.memory_space<hbm>>
      tpu.wait_dma2 semaphore(%arg13 : memref<!tpu.dma_semaphore, #tpu.memory_space<semaphore_mem>>) src(%dma_wait3A_575 : memref<64x128xf32, #tpu.memory_space<hbm>>) dst(%dma_wait3A_572 : memref<64x128xf32, #tpu.memory_space<vmem>>)
      %slice3A_576 = vector.extract_strided_slice %get3A_434 {offsets = [3], sizes = [1], strides = [1]} : vector<16xi32> to vector<1xi32>
      %squeeze3A_577 = vector.extract %slice3A_576[0] : i32 from vector<1xi32>
      %add3A_578 = arith.constant 384 : i32
      %add3A_579 = arith.addi %squeeze3A_577, %add3A_578 : i32
      %broadcast_in_dim3A_580 = vector.broadcast %add3A_579 : i32 to vector<16xi32>
      %mul3A_581 = arith.constant 8 : i32
      %mul3A_582 = arith.muli %sub3A_563, %mul3A_581 : i32
      %add3A_583 = arith.constant 3 : i32
      %add3A_584 = arith.addi %mul3A_582, %add3A_583 : i32
      %broadcast_in_dim3A_585 = vector.broadcast %add3A_584 : i32 to vector<16xi32>
      %gather3A_586 = tpu.vector_load_idx %arg8[%add3A_5, %broadcast_in_dim3A_580] : memref<64x1024xf32, #tpu.memory_space<vmem>>[vector<16xi32>, vector<16xi32>], vector<16xf32>,
      tpu.vector_store_idx %arg9[%broadcast_in_dim3A_585, %add3A_5], %gather3A_586 : memref<64x64xf32, #tpu.memory_space<vmem>>[vector<16xi32>, vector<16xi32>], vector<16xf32>,
      %gather3A_587 = tpu.vector_load_idx %arg8[%add3A_9, %broadcast_in_dim3A_580] : memref<64x1024xf32, #tpu.memory_space<vmem>>[vector<16xi32>, vector<16xi32>], vector<16xf32>,
      tpu.vector_store_idx %arg9[%broadcast_in_dim3A_585, %add3A_9], %gather3A_587 : memref<64x64xf32, #tpu.memory_space<vmem>>[vector<16xi32>, vector<16xi32>], vector<16xf32>,
      %gather3A_588 = tpu.vector_load_idx %arg8[%add3A_13, %broadcast_in_dim3A_580] : memref<64x1024xf32, #tpu.memory_space<vmem>>[vector<16xi32>, vector<16xi32>], vector<16xf32>,
      tpu.vector_store_idx %arg9[%broadcast_in_dim3A_585, %add3A_13], %gather3A_588 : memref<64x64xf32, #tpu.memory_space<vmem>>[vector<16xi32>, vector<16xi32>], vector<16xf32>,
      %gather3A_589 = tpu.vector_load_idx %arg8[%add3A_17, %broadcast_in_dim3A_580] : memref<64x1024xf32, #tpu.memory_space<vmem>>[vector<16xi32>, vector<16xi32>], vector<16xf32>,
      tpu.vector_store_idx %arg9[%broadcast_in_dim3A_585, %add3A_17], %gather3A_589 : memref<64x64xf32, #tpu.memory_space<vmem>>[vector<16xi32>, vector<16xi32>], vector<16xf32>,
      %slice3A_590 = vector.extract_strided_slice %get3A_438 {offsets = [3], sizes = [1], strides = [1]} : vector<16xi32> to vector<1xi32>
      %squeeze3A_591 = vector.extract %slice3A_590[0] : i32 from vector<1xi32>
      %multiple_of3A_592 = tpu.assume_multiple %squeeze3A_591, 128 : i32
      %dma_start3A_593 = arith.constant 0 : i32
      %dma_start3A_594 = arith.constant 384 : i32
      %dma_start3A_595 = tpu.memref_slice %arg8[%dma_start3A_593, %dma_start3A_594] : memref<64x1024xf32, #tpu.memory_space<vmem>> -> memref<64x128xf32, #tpu.memory_space<vmem>>
      %dma_start3A_596 = arith.constant 0 : i32
      %dma_start3A_597 = tpu.memref_slice %arg2[%dma_start3A_596, %multiple_of3A_592] : memref<64x1000000xf32, #tpu.memory_space<hbm>> -> memref<64x128xf32, #tpu.memory_space<hbm>>
      %dma_start3A_598 = arith.constant 0 : i32
      %dma_start3A_599 = arith.constant 384 : i32
      %dma_start3A_600 = tpu.memref_slice %arg8[%dma_start3A_598, %dma_start3A_599] : memref<64x1024xf32, #tpu.memory_space<vmem>> -> memref<64x128xf32, #tpu.memory_space<vmem>>
      %dma_start3A_601 = arith.constant 0 : i32
      %dma_start3A_602 = tpu.memref_slice %arg2[%dma_start3A_601, %multiple_of3A_592] : memref<64x1000000xf32, #tpu.memory_space<hbm>> -> memref<64x128xf32, #tpu.memory_space<hbm>>
      tpu.enqueue_dma source(%dma_start3A_602 : memref<64x128xf32, #tpu.memory_space<hbm>>) target(%dma_start3A_600 : memref<64x128xf32, #tpu.memory_space<vmem>>) target_semaphore(%arg13 : memref<!tpu.dma_semaphore, #tpu.memory_space<semaphore_mem>>)
      %sub3A_603 = arith.constant 1 : i32
      %sub3A_604 = arith.subi %scan3A_422, %sub3A_603 : i32
      %dma_wait3A_605 = arith.constant 0 : i32
      %dma_wait3A_606 = arith.constant 512 : i32
      %dma_wait3A_607 = tpu.memref_slice %arg8[%dma_wait3A_605, %dma_wait3A_606] : memref<64x1024xf32, #tpu.memory_space<vmem>> -> memref<64x128xf32, #tpu.memory_space<vmem>>
      %dma_wait3A_608 = arith.constant 0 : i32
      %dma_wait3A_609 = arith.constant 0 : i32
      %dma_wait3A_610 = tpu.memref_slice %arg2[%dma_wait3A_608, %dma_wait3A_609] : memref<64x1000000xf32, #tpu.memory_space<hbm>> -> memref<64x128xf32, #tpu.memory_space<hbm>>
      %dma_wait3A_611 = arith.constant 0 : i32
      %dma_wait3A_612 = arith.constant 512 : i32
      %dma_wait3A_613 = tpu.memref_slice %arg8[%dma_wait3A_611, %dma_wait3A_612] : memref<64x1024xf32, #tpu.memory_space<vmem>> -> memref<64x128xf32, #tpu.memory_space<vmem>>
      %dma_wait3A_614 = arith.constant 0 : i32
      %dma_wait3A_615 = arith.constant 0 : i32
      %dma_wait3A_616 = tpu.memref_slice %arg2[%dma_wait3A_614, %dma_wait3A_615] : memref<64x1000000xf32, #tpu.memory_space<hbm>> -> memref<64x128xf32, #tpu.memory_space<hbm>>
      tpu.wait_dma2 semaphore(%arg14 : memref<!tpu.dma_semaphore, #tpu.memory_space<semaphore_mem>>) src(%dma_wait3A_616 : memref<64x128xf32, #tpu.memory_space<hbm>>) dst(%dma_wait3A_613 : memref<64x128xf32, #tpu.memory_space<vmem>>)
      %slice3A_617 = vector.extract_strided_slice %get3A_434 {offsets = [4], sizes = [1], strides = [1]} : vector<16xi32> to vector<1xi32>
      %squeeze3A_618 = vector.extract %slice3A_617[0] : i32 from vector<1xi32>
      %add3A_619 = arith.constant 512 : i32
      %add3A_620 = arith.addi %squeeze3A_618, %add3A_619 : i32
      %broadcast_in_dim3A_621 = vector.broadcast %add3A_620 : i32 to vector<16xi32>
      %mul3A_622 = arith.constant 8 : i32
      %mul3A_623 = arith.muli %sub3A_604, %mul3A_622 : i32
      %add3A_624 = arith.constant 4 : i32
      %add3A_625 = arith.addi %mul3A_623, %add3A_624 : i32
      %broadcast_in_dim3A_626 = vector.broadcast %add3A_625 : i32 to vector<16xi32>
      %gather3A_627 = tpu.vector_load_idx %arg8[%add3A_5, %broadcast_in_dim3A_621] : memref<64x1024xf32, #tpu.memory_space<vmem>>[vector<16xi32>, vector<16xi32>], vector<16xf32>,
      tpu.vector_store_idx %arg9[%broadcast_in_dim3A_626, %add3A_5], %gather3A_627 : memref<64x64xf32, #tpu.memory_space<vmem>>[vector<16xi32>, vector<16xi32>], vector<16xf32>,
      %gather3A_628 = tpu.vector_load_idx %arg8[%add3A_9, %broadcast_in_dim3A_621] : memref<64x1024xf32, #tpu.memory_space<vmem>>[vector<16xi32>, vector<16xi32>], vector<16xf32>,
      tpu.vector_store_idx %arg9[%broadcast_in_dim3A_626, %add3A_9], %gather3A_628 : memref<64x64xf32, #tpu.memory_space<vmem>>[vector<16xi32>, vector<16xi32>], vector<16xf32>,
      %gather3A_629 = tpu.vector_load_idx %arg8[%add3A_13, %broadcast_in_dim3A_621] : memref<64x1024xf32, #tpu.memory_space<vmem>>[vector<16xi32>, vector<16xi32>], vector<16xf32>,
      tpu.vector_store_idx %arg9[%broadcast_in_dim3A_626, %add3A_13], %gather3A_629 : memref<64x64xf32, #tpu.memory_space<vmem>>[vector<16xi32>, vector<16xi32>], vector<16xf32>,
      %gather3A_630 = tpu.vector_load_idx %arg8[%add3A_17, %broadcast_in_dim3A_621] : memref<64x1024xf32, #tpu.memory_space<vmem>>[vector<16xi32>, vector<16xi32>], vector<16xf32>,
      tpu.vector_store_idx %arg9[%broadcast_in_dim3A_626, %add3A_17], %gather3A_630 : memref<64x64xf32, #tpu.memory_space<vmem>>[vector<16xi32>, vector<16xi32>], vector<16xf32>,
      %slice3A_631 = vector.extract_strided_slice %get3A_438 {offsets = [4], sizes = [1], strides = [1]} : vector<16xi32> to vector<1xi32>
      %squeeze3A_632 = vector.extract %slice3A_631[0] : i32 from vector<1xi32>
      %multiple_of3A_633 = tpu.assume_multiple %squeeze3A_632, 128 : i32
      %dma_start3A_634 = arith.constant 0 : i32
      %dma_start3A_635 = arith.constant 512 : i32
      %dma_start3A_636 = tpu.memref_slice %arg8[%dma_start3A_634, %dma_start3A_635] : memref<64x1024xf32, #tpu.memory_space<vmem>> -> memref<64x128xf32, #tpu.memory_space<vmem>>
      %dma_start3A_637 = arith.constant 0 : i32
      %dma_start3A_638 = tpu.memref_slice %arg2[%dma_start3A_637, %multiple_of3A_633] : memref<64x1000000xf32, #tpu.memory_space<hbm>> -> memref<64x128xf32, #tpu.memory_space<hbm>>
      %dma_start3A_639 = arith.constant 0 : i32
      %dma_start3A_640 = arith.constant 512 : i32
      %dma_start3A_641 = tpu.memref_slice %arg8[%dma_start3A_639, %dma_start3A_640] : memref<64x1024xf32, #tpu.memory_space<vmem>> -> memref<64x128xf32, #tpu.memory_space<vmem>>
      %dma_start3A_642 = arith.constant 0 : i32
      %dma_start3A_643 = tpu.memref_slice %arg2[%dma_start3A_642, %multiple_of3A_633] : memref<64x1000000xf32, #tpu.memory_space<hbm>> -> memref<64x128xf32, #tpu.memory_space<hbm>>
      tpu.enqueue_dma source(%dma_start3A_643 : memref<64x128xf32, #tpu.memory_space<hbm>>) target(%dma_start3A_641 : memref<64x128xf32, #tpu.memory_space<vmem>>) target_semaphore(%arg14 : memref<!tpu.dma_semaphore, #tpu.memory_space<semaphore_mem>>)
      %sub3A_644 = arith.constant 1 : i32
      %sub3A_645 = arith.subi %scan3A_422, %sub3A_644 : i32
      %dma_wait3A_646 = arith.constant 0 : i32
      %dma_wait3A_647 = arith.constant 640 : i32
      %dma_wait3A_648 = tpu.memref_slice %arg8[%dma_wait3A_646, %dma_wait3A_647] : memref<64x1024xf32, #tpu.memory_space<vmem>> -> memref<64x128xf32, #tpu.memory_space<vmem>>
      %dma_wait3A_649 = arith.constant 0 : i32
      %dma_wait3A_650 = arith.constant 0 : i32
      %dma_wait3A_651 = tpu.memref_slice %arg2[%dma_wait3A_649, %dma_wait3A_650] : memref<64x1000000xf32, #tpu.memory_space<hbm>> -> memref<64x128xf32, #tpu.memory_space<hbm>>
      %dma_wait3A_652 = arith.constant 0 : i32
      %dma_wait3A_653 = arith.constant 640 : i32
      %dma_wait3A_654 = tpu.memref_slice %arg8[%dma_wait3A_652, %dma_wait3A_653] : memref<64x1024xf32, #tpu.memory_space<vmem>> -> memref<64x128xf32, #tpu.memory_space<vmem>>
      %dma_wait3A_655 = arith.constant 0 : i32
      %dma_wait3A_656 = arith.constant 0 : i32
      %dma_wait3A_657 = tpu.memref_slice %arg2[%dma_wait3A_655, %dma_wait3A_656] : memref<64x1000000xf32, #tpu.memory_space<hbm>> -> memref<64x128xf32, #tpu.memory_space<hbm>>
      tpu.wait_dma2 semaphore(%arg15 : memref<!tpu.dma_semaphore, #tpu.memory_space<semaphore_mem>>) src(%dma_wait3A_657 : memref<64x128xf32, #tpu.memory_space<hbm>>) dst(%dma_wait3A_654 : memref<64x128xf32, #tpu.memory_space<vmem>>)
      %slice3A_658 = vector.extract_strided_slice %get3A_434 {offsets = [5], sizes = [1], strides = [1]} : vector<16xi32> to vector<1xi32>
      %squeeze3A_659 = vector.extract %slice3A_658[0] : i32 from vector<1xi32>
      %add3A_660 = arith.constant 640 : i32
      %add3A_661 = arith.addi %squeeze3A_659, %add3A_660 : i32
      %broadcast_in_dim3A_662 = vector.broadcast %add3A_661 : i32 to vector<16xi32>
      %mul3A_663 = arith.constant 8 : i32
      %mul3A_664 = arith.muli %sub3A_645, %mul3A_663 : i32
      %add3A_665 = arith.constant 5 : i32
      %add3A_666 = arith.addi %mul3A_664, %add3A_665 : i32
      %broadcast_in_dim3A_667 = vector.broadcast %add3A_666 : i32 to vector<16xi32>
      %gather3A_668 = tpu.vector_load_idx %arg8[%add3A_5, %broadcast_in_dim3A_662] : memref<64x1024xf32, #tpu.memory_space<vmem>>[vector<16xi32>, vector<16xi32>], vector<16xf32>,
      tpu.vector_store_idx %arg9[%broadcast_in_dim3A_667, %add3A_5], %gather3A_668 : memref<64x64xf32, #tpu.memory_space<vmem>>[vector<16xi32>, vector<16xi32>], vector<16xf32>,
      %gather3A_669 = tpu.vector_load_idx %arg8[%add3A_9, %broadcast_in_dim3A_662] : memref<64x1024xf32, #tpu.memory_space<vmem>>[vector<16xi32>, vector<16xi32>], vector<16xf32>,
      tpu.vector_store_idx %arg9[%broadcast_in_dim3A_667, %add3A_9], %gather3A_669 : memref<64x64xf32, #tpu.memory_space<vmem>>[vector<16xi32>, vector<16xi32>], vector<16xf32>,
      %gather3A_670 = tpu.vector_load_idx %arg8[%add3A_13, %broadcast_in_dim3A_662] : memref<64x1024xf32, #tpu.memory_space<vmem>>[vector<16xi32>, vector<16xi32>], vector<16xf32>,
      tpu.vector_store_idx %arg9[%broadcast_in_dim3A_667, %add3A_13], %gather3A_670 : memref<64x64xf32, #tpu.memory_space<vmem>>[vector<16xi32>, vector<16xi32>], vector<16xf32>,
      %gather3A_671 = tpu.vector_load_idx %arg8[%add3A_17, %broadcast_in_dim3A_662] : memref<64x1024xf32, #tpu.memory_space<vmem>>[vector<16xi32>, vector<16xi32>], vector<16xf32>,
      tpu.vector_store_idx %arg9[%broadcast_in_dim3A_667, %add3A_17], %gather3A_671 : memref<64x64xf32, #tpu.memory_space<vmem>>[vector<16xi32>, vector<16xi32>], vector<16xf32>,
      %slice3A_672 = vector.extract_strided_slice %get3A_438 {offsets = [5], sizes = [1], strides = [1]} : vector<16xi32> to vector<1xi32>
      %squeeze3A_673 = vector.extract %slice3A_672[0] : i32 from vector<1xi32>
      %multiple_of3A_674 = tpu.assume_multiple %squeeze3A_673, 128 : i32
      %dma_start3A_675 = arith.constant 0 : i32
      %dma_start3A_676 = arith.constant 640 : i32
      %dma_start3A_677 = tpu.memref_slice %arg8[%dma_start3A_675, %dma_start3A_676] : memref<64x1024xf32, #tpu.memory_space<vmem>> -> memref<64x128xf32, #tpu.memory_space<vmem>>
      %dma_start3A_678 = arith.constant 0 : i32
      %dma_start3A_679 = tpu.memref_slice %arg2[%dma_start3A_678, %multiple_of3A_674] : memref<64x1000000xf32, #tpu.memory_space<hbm>> -> memref<64x128xf32, #tpu.memory_space<hbm>>
      %dma_start3A_680 = arith.constant 0 : i32
      %dma_start3A_681 = arith.constant 640 : i32
      %dma_start3A_682 = tpu.memref_slice %arg8[%dma_start3A_680, %dma_start3A_681] : memref<64x1024xf32, #tpu.memory_space<vmem>> -> memref<64x128xf32, #tpu.memory_space<vmem>>
      %dma_start3A_683 = arith.constant 0 : i32
      %dma_start3A_684 = tpu.memref_slice %arg2[%dma_start3A_683, %multiple_of3A_674] : memref<64x1000000xf32, #tpu.memory_space<hbm>> -> memref<64x128xf32, #tpu.memory_space<hbm>>
      tpu.enqueue_dma source(%dma_start3A_684 : memref<64x128xf32, #tpu.memory_space<hbm>>) target(%dma_start3A_682 : memref<64x128xf32, #tpu.memory_space<vmem>>) target_semaphore(%arg15 : memref<!tpu.dma_semaphore, #tpu.memory_space<semaphore_mem>>)
      %sub3A_685 = arith.constant 1 : i32
      %sub3A_686 = arith.subi %scan3A_422, %sub3A_685 : i32
      %dma_wait3A_687 = arith.constant 0 : i32
      %dma_wait3A_688 = arith.constant 768 : i32
      %dma_wait3A_689 = tpu.memref_slice %arg8[%dma_wait3A_687, %dma_wait3A_688] : memref<64x1024xf32, #tpu.memory_space<vmem>> -> memref<64x128xf32, #tpu.memory_space<vmem>>
      %dma_wait3A_690 = arith.constant 0 : i32
      %dma_wait3A_691 = arith.constant 0 : i32
      %dma_wait3A_692 = tpu.memref_slice %arg2[%dma_wait3A_690, %dma_wait3A_691] : memref<64x1000000xf32, #tpu.memory_space<hbm>> -> memref<64x128xf32, #tpu.memory_space<hbm>>
      %dma_wait3A_693 = arith.constant 0 : i32
      %dma_wait3A_694 = arith.constant 768 : i32
      %dma_wait3A_695 = tpu.memref_slice %arg8[%dma_wait3A_693, %dma_wait3A_694] : memref<64x1024xf32, #tpu.memory_space<vmem>> -> memref<64x128xf32, #tpu.memory_space<vmem>>
      %dma_wait3A_696 = arith.constant 0 : i32
      %dma_wait3A_697 = arith.constant 0 : i32
      %dma_wait3A_698 = tpu.memref_slice %arg2[%dma_wait3A_696, %dma_wait3A_697] : memref<64x1000000xf32, #tpu.memory_space<hbm>> -> memref<64x128xf32, #tpu.memory_space<hbm>>
      tpu.wait_dma2 semaphore(%arg16 : memref<!tpu.dma_semaphore, #tpu.memory_space<semaphore_mem>>) src(%dma_wait3A_698 : memref<64x128xf32, #tpu.memory_space<hbm>>) dst(%dma_wait3A_695 : memref<64x128xf32, #tpu.memory_space<vmem>>)
      %slice3A_699 = vector.extract_strided_slice %get3A_434 {offsets = [6], sizes = [1], strides = [1]} : vector<16xi32> to vector<1xi32>
      %squeeze3A_700 = vector.extract %slice3A_699[0] : i32 from vector<1xi32>
      %add3A_701 = arith.constant 768 : i32
      %add3A_702 = arith.addi %squeeze3A_700, %add3A_701 : i32
      %broadcast_in_dim3A_703 = vector.broadcast %add3A_702 : i32 to vector<16xi32>
      %mul3A_704 = arith.constant 8 : i32
      %mul3A_705 = arith.muli %sub3A_686, %mul3A_704 : i32
      %add3A_706 = arith.constant 6 : i32
      %add3A_707 = arith.addi %mul3A_705, %add3A_706 : i32
      %broadcast_in_dim3A_708 = vector.broadcast %add3A_707 : i32 to vector<16xi32>
      %gather3A_709 = tpu.vector_load_idx %arg8[%add3A_5, %broadcast_in_dim3A_703] : memref<64x1024xf32, #tpu.memory_space<vmem>>[vector<16xi32>, vector<16xi32>], vector<16xf32>,
      tpu.vector_store_idx %arg9[%broadcast_in_dim3A_708, %add3A_5], %gather3A_709 : memref<64x64xf32, #tpu.memory_space<vmem>>[vector<16xi32>, vector<16xi32>], vector<16xf32>,
      %gather3A_710 = tpu.vector_load_idx %arg8[%add3A_9, %broadcast_in_dim3A_703] : memref<64x1024xf32, #tpu.memory_space<vmem>>[vector<16xi32>, vector<16xi32>], vector<16xf32>,
      tpu.vector_store_idx %arg9[%broadcast_in_dim3A_708, %add3A_9], %gather3A_710 : memref<64x64xf32, #tpu.memory_space<vmem>>[vector<16xi32>, vector<16xi32>], vector<16xf32>,
      %gather3A_711 = tpu.vector_load_idx %arg8[%add3A_13, %broadcast_in_dim3A_703] : memref<64x1024xf32, #tpu.memory_space<vmem>>[vector<16xi32>, vector<16xi32>], vector<16xf32>,
      tpu.vector_store_idx %arg9[%broadcast_in_dim3A_708, %add3A_13], %gather3A_711 : memref<64x64xf32, #tpu.memory_space<vmem>>[vector<16xi32>, vector<16xi32>], vector<16xf32>,
      %gather3A_712 = tpu.vector_load_idx %arg8[%add3A_17, %broadcast_in_dim3A_703] : memref<64x1024xf32, #tpu.memory_space<vmem>>[vector<16xi32>, vector<16xi32>], vector<16xf32>,
      tpu.vector_store_idx %arg9[%broadcast_in_dim3A_708, %add3A_17], %gather3A_712 : memref<64x64xf32, #tpu.memory_space<vmem>>[vector<16xi32>, vector<16xi32>], vector<16xf32>,
      %slice3A_713 = vector.extract_strided_slice %get3A_438 {offsets = [6], sizes = [1], strides = [1]} : vector<16xi32> to vector<1xi32>
      %squeeze3A_714 = vector.extract %slice3A_713[0] : i32 from vector<1xi32>
      %multiple_of3A_715 = tpu.assume_multiple %squeeze3A_714, 128 : i32
      %dma_start3A_716 = arith.constant 0 : i32
      %dma_start3A_717 = arith.constant 768 : i32
      %dma_start3A_718 = tpu.memref_slice %arg8[%dma_start3A_716, %dma_start3A_717] : memref<64x1024xf32, #tpu.memory_space<vmem>> -> memref<64x128xf32, #tpu.memory_space<vmem>>
      %dma_start3A_719 = arith.constant 0 : i32
      %dma_start3A_720 = tpu.memref_slice %arg2[%dma_start3A_719, %multiple_of3A_715] : memref<64x1000000xf32, #tpu.memory_space<hbm>> -> memref<64x128xf32, #tpu.memory_space<hbm>>
      %dma_start3A_721 = arith.constant 0 : i32
      %dma_start3A_722 = arith.constant 768 : i32
      %dma_start3A_723 = tpu.memref_slice %arg8[%dma_start3A_721, %dma_start3A_722] : memref<64x1024xf32, #tpu.memory_space<vmem>> -> memref<64x128xf32, #tpu.memory_space<vmem>>
      %dma_start3A_724 = arith.constant 0 : i32
      %dma_start3A_725 = tpu.memref_slice %arg2[%dma_start3A_724, %multiple_of3A_715] : memref<64x1000000xf32, #tpu.memory_space<hbm>> -> memref<64x128xf32, #tpu.memory_space<hbm>>
      tpu.enqueue_dma source(%dma_start3A_725 : memref<64x128xf32, #tpu.memory_space<hbm>>) target(%dma_start3A_723 : memref<64x128xf32, #tpu.memory_space<vmem>>) target_semaphore(%arg16 : memref<!tpu.dma_semaphore, #tpu.memory_space<semaphore_mem>>)
      %sub3A_726 = arith.constant 1 : i32
      %sub3A_727 = arith.subi %scan3A_422, %sub3A_726 : i32
      %dma_wait3A_728 = arith.constant 0 : i32
      %dma_wait3A_729 = arith.constant 896 : i32
      %dma_wait3A_730 = tpu.memref_slice %arg8[%dma_wait3A_728, %dma_wait3A_729] : memref<64x1024xf32, #tpu.memory_space<vmem>> -> memref<64x128xf32, #tpu.memory_space<vmem>>
      %dma_wait3A_731 = arith.constant 0 : i32
      %dma_wait3A_732 = arith.constant 0 : i32
      %dma_wait3A_733 = tpu.memref_slice %arg2[%dma_wait3A_731, %dma_wait3A_732] : memref<64x1000000xf32, #tpu.memory_space<hbm>> -> memref<64x128xf32, #tpu.memory_space<hbm>>
      %dma_wait3A_734 = arith.constant 0 : i32
      %dma_wait3A_735 = arith.constant 896 : i32
      %dma_wait3A_736 = tpu.memref_slice %arg8[%dma_wait3A_734, %dma_wait3A_735] : memref<64x1024xf32, #tpu.memory_space<vmem>> -> memref<64x128xf32, #tpu.memory_space<vmem>>
      %dma_wait3A_737 = arith.constant 0 : i32
      %dma_wait3A_738 = arith.constant 0 : i32
      %dma_wait3A_739 = tpu.memref_slice %arg2[%dma_wait3A_737, %dma_wait3A_738] : memref<64x1000000xf32, #tpu.memory_space<hbm>> -> memref<64x128xf32, #tpu.memory_space<hbm>>
      tpu.wait_dma2 semaphore(%arg17 : memref<!tpu.dma_semaphore, #tpu.memory_space<semaphore_mem>>) src(%dma_wait3A_739 : memref<64x128xf32, #tpu.memory_space<hbm>>) dst(%dma_wait3A_736 : memref<64x128xf32, #tpu.memory_space<vmem>>)
      %slice3A_740 = vector.extract_strided_slice %get3A_434 {offsets = [7], sizes = [1], strides = [1]} : vector<16xi32> to vector<1xi32>
      %squeeze3A_741 = vector.extract %slice3A_740[0] : i32 from vector<1xi32>
      %add3A_742 = arith.constant 896 : i32
      %add3A_743 = arith.addi %squeeze3A_741, %add3A_742 : i32
      %broadcast_in_dim3A_744 = vector.broadcast %add3A_743 : i32 to vector<16xi32>
      %mul3A_745 = arith.constant 8 : i32
      %mul3A_746 = arith.muli %sub3A_727, %mul3A_745 : i32
      %add3A_747 = arith.constant 7 : i32
      %add3A_748 = arith.addi %mul3A_746, %add3A_747 : i32
      %broadcast_in_dim3A_749 = vector.broadcast %add3A_748 : i32 to vector<16xi32>
      %gather3A_750 = tpu.vector_load_idx %arg8[%add3A_5, %broadcast_in_dim3A_744] : memref<64x1024xf32, #tpu.memory_space<vmem>>[vector<16xi32>, vector<16xi32>], vector<16xf32>,
      tpu.vector_store_idx %arg9[%broadcast_in_dim3A_749, %add3A_5], %gather3A_750 : memref<64x64xf32, #tpu.memory_space<vmem>>[vector<16xi32>, vector<16xi32>], vector<16xf32>,
      %gather3A_751 = tpu.vector_load_idx %arg8[%add3A_9, %broadcast_in_dim3A_744] : memref<64x1024xf32, #tpu.memory_space<vmem>>[vector<16xi32>, vector<16xi32>], vector<16xf32>,
      tpu.vector_store_idx %arg9[%broadcast_in_dim3A_749, %add3A_9], %gather3A_751 : memref<64x64xf32, #tpu.memory_space<vmem>>[vector<16xi32>, vector<16xi32>], vector<16xf32>,
      %gather3A_752 = tpu.vector_load_idx %arg8[%add3A_13, %broadcast_in_dim3A_744] : memref<64x1024xf32, #tpu.memory_space<vmem>>[vector<16xi32>, vector<16xi32>], vector<16xf32>,
      tpu.vector_store_idx %arg9[%broadcast_in_dim3A_749, %add3A_13], %gather3A_752 : memref<64x64xf32, #tpu.memory_space<vmem>>[vector<16xi32>, vector<16xi32>], vector<16xf32>,
      %gather3A_753 = tpu.vector_load_idx %arg8[%add3A_17, %broadcast_in_dim3A_744] : memref<64x1024xf32, #tpu.memory_space<vmem>>[vector<16xi32>, vector<16xi32>], vector<16xf32>,
      tpu.vector_store_idx %arg9[%broadcast_in_dim3A_749, %add3A_17], %gather3A_753 : memref<64x64xf32, #tpu.memory_space<vmem>>[vector<16xi32>, vector<16xi32>], vector<16xf32>,
      %slice3A_754 = vector.extract_strided_slice %get3A_438 {offsets = [7], sizes = [1], strides = [1]} : vector<16xi32> to vector<1xi32>
      %squeeze3A_755 = vector.extract %slice3A_754[0] : i32 from vector<1xi32>
      %multiple_of3A_756 = tpu.assume_multiple %squeeze3A_755, 128 : i32
      %dma_start3A_757 = arith.constant 0 : i32
      %dma_start3A_758 = arith.constant 896 : i32
      %dma_start3A_759 = tpu.memref_slice %arg8[%dma_start3A_757, %dma_start3A_758] : memref<64x1024xf32, #tpu.memory_space<vmem>> -> memref<64x128xf32, #tpu.memory_space<vmem>>
      %dma_start3A_760 = arith.constant 0 : i32
      %dma_start3A_761 = tpu.memref_slice %arg2[%dma_start3A_760, %multiple_of3A_756] : memref<64x1000000xf32, #tpu.memory_space<hbm>> -> memref<64x128xf32, #tpu.memory_space<hbm>>
      %dma_start3A_762 = arith.constant 0 : i32
      %dma_start3A_763 = arith.constant 896 : i32
      %dma_start3A_764 = tpu.memref_slice %arg8[%dma_start3A_762, %dma_start3A_763] : memref<64x1024xf32, #tpu.memory_space<vmem>> -> memref<64x128xf32, #tpu.memory_space<vmem>>
      %dma_start3A_765 = arith.constant 0 : i32
      %dma_start3A_766 = tpu.memref_slice %arg2[%dma_start3A_765, %multiple_of3A_756] : memref<64x1000000xf32, #tpu.memory_space<hbm>> -> memref<64x128xf32, #tpu.memory_space<hbm>>
      tpu.enqueue_dma source(%dma_start3A_766 : memref<64x128xf32, #tpu.memory_space<hbm>>) target(%dma_start3A_764 : memref<64x128xf32, #tpu.memory_space<vmem>>) target_semaphore(%arg17 : memref<!tpu.dma_semaphore, #tpu.memory_space<semaphore_mem>>)
    }
    %scan3A_237 = arith.constant 7 : i32
    %get3A_238 = arith.constant 56 : index
    %get3A_239 = tpu.vector_load %arg7[%get3A_238] {strides = array<i32>} : memref<80xi32, #tpu.memory_space<vmem>>, vector<16xi32>,
    %dma_wait3A = arith.constant 0 : i32
    %dma_wait3A_240 = arith.constant 0 : i32
    %dma_wait3A_241 = tpu.memref_slice %arg8[%dma_wait3A, %dma_wait3A_240] : memref<64x1024xf32, #tpu.memory_space<vmem>> -> memref<64x128xf32, #tpu.memory_space<vmem>>
    %dma_wait3A_242 = arith.constant 0 : i32
    %dma_wait3A_243 = arith.constant 0 : i32
    %dma_wait3A_244 = tpu.memref_slice %arg2[%dma_wait3A_242, %dma_wait3A_243] : memref<64x1000000xf32, #tpu.memory_space<hbm>> -> memref<64x128xf32, #tpu.memory_space<hbm>>
    %dma_wait3A_245 = arith.constant 0 : i32
    %dma_wait3A_246 = arith.constant 0 : i32
    %dma_wait3A_247 = tpu.memref_slice %arg8[%dma_wait3A_245, %dma_wait3A_246] : memref<64x1024xf32, #tpu.memory_space<vmem>> -> memref<64x128xf32, #tpu.memory_space<vmem>>
    %dma_wait3A_248 = arith.constant 0 : i32
    %dma_wait3A_249 = arith.constant 0 : i32
    %dma_wait3A_250 = tpu.memref_slice %arg2[%dma_wait3A_248, %dma_wait3A_249] : memref<64x1000000xf32, #tpu.memory_space<hbm>> -> memref<64x128xf32, #tpu.memory_space<hbm>>
    tpu.wait_dma2 semaphore(%arg10 : memref<!tpu.dma_semaphore, #tpu.memory_space<semaphore_mem>>) src(%dma_wait3A_250 : memref<64x128xf32, #tpu.memory_space<hbm>>) dst(%dma_wait3A_247 : memref<64x128xf32, #tpu.memory_space<vmem>>)
    %slice3A_251 = vector.extract_strided_slice %get3A_239 {offsets = [0], sizes = [1], strides = [1]} : vector<16xi32> to vector<1xi32>
    %squeeze3A_252 = vector.extract %slice3A_251[0] : i32 from vector<1xi32>
    %add3A_253 = arith.constant 0 : i32
    %add3A_254 = arith.addi %squeeze3A_252, %add3A_253 : i32
    %broadcast_in_dim3A = vector.broadcast %add3A_254 : i32 to vector<16xi32>
    %broadcast_in_dim3A_255 = arith.constant 56 : i32
    %broadcast_in_dim3A_256 = vector.broadcast %broadcast_in_dim3A_255 : i32 to vector<16xi32>
    %gather3A_257 = tpu.vector_load_idx %arg8[%add3A_5, %broadcast_in_dim3A] : memref<64x1024xf32, #tpu.memory_space<vmem>>[vector<16xi32>, vector<16xi32>], vector<16xf32>,
    tpu.vector_store_idx %arg9[%broadcast_in_dim3A_256, %add3A_5], %gather3A_257 : memref<64x64xf32, #tpu.memory_space<vmem>>[vector<16xi32>, vector<16xi32>], vector<16xf32>,
    %gather3A_258 = tpu.vector_load_idx %arg8[%add3A_9, %broadcast_in_dim3A] : memref<64x1024xf32, #tpu.memory_space<vmem>>[vector<16xi32>, vector<16xi32>], vector<16xf32>,
    tpu.vector_store_idx %arg9[%broadcast_in_dim3A_256, %add3A_9], %gather3A_258 : memref<64x64xf32, #tpu.memory_space<vmem>>[vector<16xi32>, vector<16xi32>], vector<16xf32>,
    %gather3A_259 = tpu.vector_load_idx %arg8[%add3A_13, %broadcast_in_dim3A] : memref<64x1024xf32, #tpu.memory_space<vmem>>[vector<16xi32>, vector<16xi32>], vector<16xf32>,
    tpu.vector_store_idx %arg9[%broadcast_in_dim3A_256, %add3A_13], %gather3A_259 : memref<64x64xf32, #tpu.memory_space<vmem>>[vector<16xi32>, vector<16xi32>], vector<16xf32>,
    %gather3A_260 = tpu.vector_load_idx %arg8[%add3A_17, %broadcast_in_dim3A] : memref<64x1024xf32, #tpu.memory_space<vmem>>[vector<16xi32>, vector<16xi32>], vector<16xf32>,
    tpu.vector_store_idx %arg9[%broadcast_in_dim3A_256, %add3A_17], %gather3A_260 : memref<64x64xf32, #tpu.memory_space<vmem>>[vector<16xi32>, vector<16xi32>], vector<16xf32>,
    %dma_wait3A_261 = arith.constant 0 : i32
    %dma_wait3A_262 = arith.constant 128 : i32
    %dma_wait3A_263 = tpu.memref_slice %arg8[%dma_wait3A_261, %dma_wait3A_262] : memref<64x1024xf32, #tpu.memory_space<vmem>> -> memref<64x128xf32, #tpu.memory_space<vmem>>
    %dma_wait3A_264 = arith.constant 0 : i32
    %dma_wait3A_265 = arith.constant 0 : i32
    %dma_wait3A_266 = tpu.memref_slice %arg2[%dma_wait3A_264, %dma_wait3A_265] : memref<64x1000000xf32, #tpu.memory_space<hbm>> -> memref<64x128xf32, #tpu.memory_space<hbm>>
    %dma_wait3A_267 = arith.constant 0 : i32
    %dma_wait3A_268 = arith.constant 128 : i32
    %dma_wait3A_269 = tpu.memref_slice %arg8[%dma_wait3A_267, %dma_wait3A_268] : memref<64x1024xf32, #tpu.memory_space<vmem>> -> memref<64x128xf32, #tpu.memory_space<vmem>>
    %dma_wait3A_270 = arith.constant 0 : i32
    %dma_wait3A_271 = arith.constant 0 : i32
    %dma_wait3A_272 = tpu.memref_slice %arg2[%dma_wait3A_270, %dma_wait3A_271] : memref<64x1000000xf32, #tpu.memory_space<hbm>> -> memref<64x128xf32, #tpu.memory_space<hbm>>
    tpu.wait_dma2 semaphore(%arg11 : memref<!tpu.dma_semaphore, #tpu.memory_space<semaphore_mem>>) src(%dma_wait3A_272 : memref<64x128xf32, #tpu.memory_space<hbm>>) dst(%dma_wait3A_269 : memref<64x128xf32, #tpu.memory_space<vmem>>)
    %slice3A_273 = vector.extract_strided_slice %get3A_239 {offsets = [1], sizes = [1], strides = [1]} : vector<16xi32> to vector<1xi32>
    %squeeze3A_274 = vector.extract %slice3A_273[0] : i32 from vector<1xi32>
    %add3A_275 = arith.constant 128 : i32
    %add3A_276 = arith.addi %squeeze3A_274, %add3A_275 : i32
    %broadcast_in_dim3A_277 = vector.broadcast %add3A_276 : i32 to vector<16xi32>
    %broadcast_in_dim3A_278 = arith.constant 57 : i32
    %broadcast_in_dim3A_279 = vector.broadcast %broadcast_in_dim3A_278 : i32 to vector<16xi32>
    %gather3A_280 = tpu.vector_load_idx %arg8[%add3A_5, %broadcast_in_dim3A_277] : memref<64x1024xf32, #tpu.memory_space<vmem>>[vector<16xi32>, vector<16xi32>], vector<16xf32>,
    tpu.vector_store_idx %arg9[%broadcast_in_dim3A_279, %add3A_5], %gather3A_280 : memref<64x64xf32, #tpu.memory_space<vmem>>[vector<16xi32>, vector<16xi32>], vector<16xf32>,
    %gather3A_281 = tpu.vector_load_idx %arg8[%add3A_9, %broadcast_in_dim3A_277] : memref<64x1024xf32, #tpu.memory_space<vmem>>[vector<16xi32>, vector<16xi32>], vector<16xf32>,
    tpu.vector_store_idx %arg9[%broadcast_in_dim3A_279, %add3A_9], %gather3A_281 : memref<64x64xf32, #tpu.memory_space<vmem>>[vector<16xi32>, vector<16xi32>], vector<16xf32>,
    %gather3A_282 = tpu.vector_load_idx %arg8[%add3A_13, %broadcast_in_dim3A_277] : memref<64x1024xf32, #tpu.memory_space<vmem>>[vector<16xi32>, vector<16xi32>], vector<16xf32>,
    tpu.vector_store_idx %arg9[%broadcast_in_dim3A_279, %add3A_13], %gather3A_282 : memref<64x64xf32, #tpu.memory_space<vmem>>[vector<16xi32>, vector<16xi32>], vector<16xf32>,
    %gather3A_283 = tpu.vector_load_idx %arg8[%add3A_17, %broadcast_in_dim3A_277] : memref<64x1024xf32, #tpu.memory_space<vmem>>[vector<16xi32>, vector<16xi32>], vector<16xf32>,
    tpu.vector_store_idx %arg9[%broadcast_in_dim3A_279, %add3A_17], %gather3A_283 : memref<64x64xf32, #tpu.memory_space<vmem>>[vector<16xi32>, vector<16xi32>], vector<16xf32>,
    %dma_wait3A_284 = arith.constant 0 : i32
    %dma_wait3A_285 = arith.constant 256 : i32
    %dma_wait3A_286 = tpu.memref_slice %arg8[%dma_wait3A_284, %dma_wait3A_285] : memref<64x1024xf32, #tpu.memory_space<vmem>> -> memref<64x128xf32, #tpu.memory_space<vmem>>
    %dma_wait3A_287 = arith.constant 0 : i32
    %dma_wait3A_288 = arith.constant 0 : i32
    %dma_wait3A_289 = tpu.memref_slice %arg2[%dma_wait3A_287, %dma_wait3A_288] : memref<64x1000000xf32, #tpu.memory_space<hbm>> -> memref<64x128xf32, #tpu.memory_space<hbm>>
    %dma_wait3A_290 = arith.constant 0 : i32
    %dma_wait3A_291 = arith.constant 256 : i32
    %dma_wait3A_292 = tpu.memref_slice %arg8[%dma_wait3A_290, %dma_wait3A_291] : memref<64x1024xf32, #tpu.memory_space<vmem>> -> memref<64x128xf32, #tpu.memory_space<vmem>>
    %dma_wait3A_293 = arith.constant 0 : i32
    %dma_wait3A_294 = arith.constant 0 : i32
    %dma_wait3A_295 = tpu.memref_slice %arg2[%dma_wait3A_293, %dma_wait3A_294] : memref<64x1000000xf32, #tpu.memory_space<hbm>> -> memref<64x128xf32, #tpu.memory_space<hbm>>
    tpu.wait_dma2 semaphore(%arg12 : memref<!tpu.dma_semaphore, #tpu.memory_space<semaphore_mem>>) src(%dma_wait3A_295 : memref<64x128xf32, #tpu.memory_space<hbm>>) dst(%dma_wait3A_292 : memref<64x128xf32, #tpu.memory_space<vmem>>)
    %slice3A_296 = vector.extract_strided_slice %get3A_239 {offsets = [2], sizes = [1], strides = [1]} : vector<16xi32> to vector<1xi32>
    %squeeze3A_297 = vector.extract %slice3A_296[0] : i32 from vector<1xi32>
    %add3A_298 = arith.constant 256 : i32
    %add3A_299 = arith.addi %squeeze3A_297, %add3A_298 : i32
    %broadcast_in_dim3A_300 = vector.broadcast %add3A_299 : i32 to vector<16xi32>
    %broadcast_in_dim3A_301 = arith.constant 58 : i32
    %broadcast_in_dim3A_302 = vector.broadcast %broadcast_in_dim3A_301 : i32 to vector<16xi32>
    %gather3A_303 = tpu.vector_load_idx %arg8[%add3A_5, %broadcast_in_dim3A_300] : memref<64x1024xf32, #tpu.memory_space<vmem>>[vector<16xi32>, vector<16xi32>], vector<16xf32>,
    tpu.vector_store_idx %arg9[%broadcast_in_dim3A_302, %add3A_5], %gather3A_303 : memref<64x64xf32, #tpu.memory_space<vmem>>[vector<16xi32>, vector<16xi32>], vector<16xf32>,
    %gather3A_304 = tpu.vector_load_idx %arg8[%add3A_9, %broadcast_in_dim3A_300] : memref<64x1024xf32, #tpu.memory_space<vmem>>[vector<16xi32>, vector<16xi32>], vector<16xf32>,
    tpu.vector_store_idx %arg9[%broadcast_in_dim3A_302, %add3A_9], %gather3A_304 : memref<64x64xf32, #tpu.memory_space<vmem>>[vector<16xi32>, vector<16xi32>], vector<16xf32>,
    %gather3A_305 = tpu.vector_load_idx %arg8[%add3A_13, %broadcast_in_dim3A_300] : memref<64x1024xf32, #tpu.memory_space<vmem>>[vector<16xi32>, vector<16xi32>], vector<16xf32>,
    tpu.vector_store_idx %arg9[%broadcast_in_dim3A_302, %add3A_13], %gather3A_305 : memref<64x64xf32, #tpu.memory_space<vmem>>[vector<16xi32>, vector<16xi32>], vector<16xf32>,
    %gather3A_306 = tpu.vector_load_idx %arg8[%add3A_17, %broadcast_in_dim3A_300] : memref<64x1024xf32, #tpu.memory_space<vmem>>[vector<16xi32>, vector<16xi32>], vector<16xf32>,
    tpu.vector_store_idx %arg9[%broadcast_in_dim3A_302, %add3A_17], %gather3A_306 : memref<64x64xf32, #tpu.memory_space<vmem>>[vector<16xi32>, vector<16xi32>], vector<16xf32>,
    %dma_wait3A_307 = arith.constant 0 : i32
    %dma_wait3A_308 = arith.constant 384 : i32
    %dma_wait3A_309 = tpu.memref_slice %arg8[%dma_wait3A_307, %dma_wait3A_308] : memref<64x1024xf32, #tpu.memory_space<vmem>> -> memref<64x128xf32, #tpu.memory_space<vmem>>
    %dma_wait3A_310 = arith.constant 0 : i32
    %dma_wait3A_311 = arith.constant 0 : i32
    %dma_wait3A_312 = tpu.memref_slice %arg2[%dma_wait3A_310, %dma_wait3A_311] : memref<64x1000000xf32, #tpu.memory_space<hbm>> -> memref<64x128xf32, #tpu.memory_space<hbm>>
    %dma_wait3A_313 = arith.constant 0 : i32
    %dma_wait3A_314 = arith.constant 384 : i32
    %dma_wait3A_315 = tpu.memref_slice %arg8[%dma_wait3A_313, %dma_wait3A_314] : memref<64x1024xf32, #tpu.memory_space<vmem>> -> memref<64x128xf32, #tpu.memory_space<vmem>>
    %dma_wait3A_316 = arith.constant 0 : i32
    %dma_wait3A_317 = arith.constant 0 : i32
    %dma_wait3A_318 = tpu.memref_slice %arg2[%dma_wait3A_316, %dma_wait3A_317] : memref<64x1000000xf32, #tpu.memory_space<hbm>> -> memref<64x128xf32, #tpu.memory_space<hbm>>
    tpu.wait_dma2 semaphore(%arg13 : memref<!tpu.dma_semaphore, #tpu.memory_space<semaphore_mem>>) src(%dma_wait3A_318 : memref<64x128xf32, #tpu.memory_space<hbm>>) dst(%dma_wait3A_315 : memref<64x128xf32, #tpu.memory_space<vmem>>)
    %slice3A_319 = vector.extract_strided_slice %get3A_239 {offsets = [3], sizes = [1], strides = [1]} : vector<16xi32> to vector<1xi32>
    %squeeze3A_320 = vector.extract %slice3A_319[0] : i32 from vector<1xi32>
    %add3A_321 = arith.constant 384 : i32
    %add3A_322 = arith.addi %squeeze3A_320, %add3A_321 : i32
    %broadcast_in_dim3A_323 = vector.broadcast %add3A_322 : i32 to vector<16xi32>
    %broadcast_in_dim3A_324 = arith.constant 59 : i32
    %broadcast_in_dim3A_325 = vector.broadcast %broadcast_in_dim3A_324 : i32 to vector<16xi32>
    %gather3A_326 = tpu.vector_load_idx %arg8[%add3A_5, %broadcast_in_dim3A_323] : memref<64x1024xf32, #tpu.memory_space<vmem>>[vector<16xi32>, vector<16xi32>], vector<16xf32>,
    tpu.vector_store_idx %arg9[%broadcast_in_dim3A_325, %add3A_5], %gather3A_326 : memref<64x64xf32, #tpu.memory_space<vmem>>[vector<16xi32>, vector<16xi32>], vector<16xf32>,
    %gather3A_327 = tpu.vector_load_idx %arg8[%add3A_9, %broadcast_in_dim3A_323] : memref<64x1024xf32, #tpu.memory_space<vmem>>[vector<16xi32>, vector<16xi32>], vector<16xf32>,
    tpu.vector_store_idx %arg9[%broadcast_in_dim3A_325, %add3A_9], %gather3A_327 : memref<64x64xf32, #tpu.memory_space<vmem>>[vector<16xi32>, vector<16xi32>], vector<16xf32>,
    %gather3A_328 = tpu.vector_load_idx %arg8[%add3A_13, %broadcast_in_dim3A_323] : memref<64x1024xf32, #tpu.memory_space<vmem>>[vector<16xi32>, vector<16xi32>], vector<16xf32>,
    tpu.vector_store_idx %arg9[%broadcast_in_dim3A_325, %add3A_13], %gather3A_328 : memref<64x64xf32, #tpu.memory_space<vmem>>[vector<16xi32>, vector<16xi32>], vector<16xf32>,
    %gather3A_329 = tpu.vector_load_idx %arg8[%add3A_17, %broadcast_in_dim3A_323] : memref<64x1024xf32, #tpu.memory_space<vmem>>[vector<16xi32>, vector<16xi32>], vector<16xf32>,
    tpu.vector_store_idx %arg9[%broadcast_in_dim3A_325, %add3A_17], %gather3A_329 : memref<64x64xf32, #tpu.memory_space<vmem>>[vector<16xi32>, vector<16xi32>], vector<16xf32>,
    %dma_wait3A_330 = arith.constant 0 : i32
    %dma_wait3A_331 = arith.constant 512 : i32
    %dma_wait3A_332 = tpu.memref_slice %arg8[%dma_wait3A_330, %dma_wait3A_331] : memref<64x1024xf32, #tpu.memory_space<vmem>> -> memref<64x128xf32, #tpu.memory_space<vmem>>
    %dma_wait3A_333 = arith.constant 0 : i32
    %dma_wait3A_334 = arith.constant 0 : i32
    %dma_wait3A_335 = tpu.memref_slice %arg2[%dma_wait3A_333, %dma_wait3A_334] : memref<64x1000000xf32, #tpu.memory_space<hbm>> -> memref<64x128xf32, #tpu.memory_space<hbm>>
    %dma_wait3A_336 = arith.constant 0 : i32
    %dma_wait3A_337 = arith.constant 512 : i32
    %dma_wait3A_338 = tpu.memref_slice %arg8[%dma_wait3A_336, %dma_wait3A_337] : memref<64x1024xf32, #tpu.memory_space<vmem>> -> memref<64x128xf32, #tpu.memory_space<vmem>>
    %dma_wait3A_339 = arith.constant 0 : i32
    %dma_wait3A_340 = arith.constant 0 : i32
    %dma_wait3A_341 = tpu.memref_slice %arg2[%dma_wait3A_339, %dma_wait3A_340] : memref<64x1000000xf32, #tpu.memory_space<hbm>> -> memref<64x128xf32, #tpu.memory_space<hbm>>
    tpu.wait_dma2 semaphore(%arg14 : memref<!tpu.dma_semaphore, #tpu.memory_space<semaphore_mem>>) src(%dma_wait3A_341 : memref<64x128xf32, #tpu.memory_space<hbm>>) dst(%dma_wait3A_338 : memref<64x128xf32, #tpu.memory_space<vmem>>)
    %slice3A_342 = vector.extract_strided_slice %get3A_239 {offsets = [4], sizes = [1], strides = [1]} : vector<16xi32> to vector<1xi32>
    %squeeze3A_343 = vector.extract %slice3A_342[0] : i32 from vector<1xi32>
    %add3A_344 = arith.constant 512 : i32
    %add3A_345 = arith.addi %squeeze3A_343, %add3A_344 : i32
    %broadcast_in_dim3A_346 = vector.broadcast %add3A_345 : i32 to vector<16xi32>
    %broadcast_in_dim3A_347 = arith.constant 60 : i32
    %broadcast_in_dim3A_348 = vector.broadcast %broadcast_in_dim3A_347 : i32 to vector<16xi32>
    %gather3A_349 = tpu.vector_load_idx %arg8[%add3A_5, %broadcast_in_dim3A_346] : memref<64x1024xf32, #tpu.memory_space<vmem>>[vector<16xi32>, vector<16xi32>], vector<16xf32>,
    tpu.vector_store_idx %arg9[%broadcast_in_dim3A_348, %add3A_5], %gather3A_349 : memref<64x64xf32, #tpu.memory_space<vmem>>[vector<16xi32>, vector<16xi32>], vector<16xf32>,
    %gather3A_350 = tpu.vector_load_idx %arg8[%add3A_9, %broadcast_in_dim3A_346] : memref<64x1024xf32, #tpu.memory_space<vmem>>[vector<16xi32>, vector<16xi32>], vector<16xf32>,
    tpu.vector_store_idx %arg9[%broadcast_in_dim3A_348, %add3A_9], %gather3A_350 : memref<64x64xf32, #tpu.memory_space<vmem>>[vector<16xi32>, vector<16xi32>], vector<16xf32>,
    %gather3A_351 = tpu.vector_load_idx %arg8[%add3A_13, %broadcast_in_dim3A_346] : memref<64x1024xf32, #tpu.memory_space<vmem>>[vector<16xi32>, vector<16xi32>], vector<16xf32>,
    tpu.vector_store_idx %arg9[%broadcast_in_dim3A_348, %add3A_13], %gather3A_351 : memref<64x64xf32, #tpu.memory_space<vmem>>[vector<16xi32>, vector<16xi32>], vector<16xf32>,
    %gather3A_352 = tpu.vector_load_idx %arg8[%add3A_17, %broadcast_in_dim3A_346] : memref<64x1024xf32, #tpu.memory_space<vmem>>[vector<16xi32>, vector<16xi32>], vector<16xf32>,
    tpu.vector_store_idx %arg9[%broadcast_in_dim3A_348, %add3A_17], %gather3A_352 : memref<64x64xf32, #tpu.memory_space<vmem>>[vector<16xi32>, vector<16xi32>], vector<16xf32>,
    %dma_wait3A_353 = arith.constant 0 : i32
    %dma_wait3A_354 = arith.constant 640 : i32
    %dma_wait3A_355 = tpu.memref_slice %arg8[%dma_wait3A_353, %dma_wait3A_354] : memref<64x1024xf32, #tpu.memory_space<vmem>> -> memref<64x128xf32, #tpu.memory_space<vmem>>
    %dma_wait3A_356 = arith.constant 0 : i32
    %dma_wait3A_357 = arith.constant 0 : i32
    %dma_wait3A_358 = tpu.memref_slice %arg2[%dma_wait3A_356, %dma_wait3A_357] : memref<64x1000000xf32, #tpu.memory_space<hbm>> -> memref<64x128xf32, #tpu.memory_space<hbm>>
    %dma_wait3A_359 = arith.constant 0 : i32
    %dma_wait3A_360 = arith.constant 640 : i32
    %dma_wait3A_361 = tpu.memref_slice %arg8[%dma_wait3A_359, %dma_wait3A_360] : memref<64x1024xf32, #tpu.memory_space<vmem>> -> memref<64x128xf32, #tpu.memory_space<vmem>>
    %dma_wait3A_362 = arith.constant 0 : i32
    %dma_wait3A_363 = arith.constant 0 : i32
    %dma_wait3A_364 = tpu.memref_slice %arg2[%dma_wait3A_362, %dma_wait3A_363] : memref<64x1000000xf32, #tpu.memory_space<hbm>> -> memref<64x128xf32, #tpu.memory_space<hbm>>
    tpu.wait_dma2 semaphore(%arg15 : memref<!tpu.dma_semaphore, #tpu.memory_space<semaphore_mem>>) src(%dma_wait3A_364 : memref<64x128xf32, #tpu.memory_space<hbm>>) dst(%dma_wait3A_361 : memref<64x128xf32, #tpu.memory_space<vmem>>)
    %slice3A_365 = vector.extract_strided_slice %get3A_239 {offsets = [5], sizes = [1], strides = [1]} : vector<16xi32> to vector<1xi32>
    %squeeze3A_366 = vector.extract %slice3A_365[0] : i32 from vector<1xi32>
    %add3A_367 = arith.constant 640 : i32
    %add3A_368 = arith.addi %squeeze3A_366, %add3A_367 : i32
    %broadcast_in_dim3A_369 = vector.broadcast %add3A_368 : i32 to vector<16xi32>
    %broadcast_in_dim3A_370 = arith.constant 61 : i32
    %broadcast_in_dim3A_371 = vector.broadcast %broadcast_in_dim3A_370 : i32 to vector<16xi32>
    %gather3A_372 = tpu.vector_load_idx %arg8[%add3A_5, %broadcast_in_dim3A_369] : memref<64x1024xf32, #tpu.memory_space<vmem>>[vector<16xi32>, vector<16xi32>], vector<16xf32>,
    tpu.vector_store_idx %arg9[%broadcast_in_dim3A_371, %add3A_5], %gather3A_372 : memref<64x64xf32, #tpu.memory_space<vmem>>[vector<16xi32>, vector<16xi32>], vector<16xf32>,
    %gather3A_373 = tpu.vector_load_idx %arg8[%add3A_9, %broadcast_in_dim3A_369] : memref<64x1024xf32, #tpu.memory_space<vmem>>[vector<16xi32>, vector<16xi32>], vector<16xf32>,
    tpu.vector_store_idx %arg9[%broadcast_in_dim3A_371, %add3A_9], %gather3A_373 : memref<64x64xf32, #tpu.memory_space<vmem>>[vector<16xi32>, vector<16xi32>], vector<16xf32>,
    %gather3A_374 = tpu.vector_load_idx %arg8[%add3A_13, %broadcast_in_dim3A_369] : memref<64x1024xf32, #tpu.memory_space<vmem>>[vector<16xi32>, vector<16xi32>], vector<16xf32>,
    tpu.vector_store_idx %arg9[%broadcast_in_dim3A_371, %add3A_13], %gather3A_374 : memref<64x64xf32, #tpu.memory_space<vmem>>[vector<16xi32>, vector<16xi32>], vector<16xf32>,
    %gather3A_375 = tpu.vector_load_idx %arg8[%add3A_17, %broadcast_in_dim3A_369] : memref<64x1024xf32, #tpu.memory_space<vmem>>[vector<16xi32>, vector<16xi32>], vector<16xf32>,
    tpu.vector_store_idx %arg9[%broadcast_in_dim3A_371, %add3A_17], %gather3A_375 : memref<64x64xf32, #tpu.memory_space<vmem>>[vector<16xi32>, vector<16xi32>], vector<16xf32>,
    %dma_wait3A_376 = arith.constant 0 : i32
    %dma_wait3A_377 = arith.constant 768 : i32
    %dma_wait3A_378 = tpu.memref_slice %arg8[%dma_wait3A_376, %dma_wait3A_377] : memref<64x1024xf32, #tpu.memory_space<vmem>> -> memref<64x128xf32, #tpu.memory_space<vmem>>
    %dma_wait3A_379 = arith.constant 0 : i32
    %dma_wait3A_380 = arith.constant 0 : i32
    %dma_wait3A_381 = tpu.memref_slice %arg2[%dma_wait3A_379, %dma_wait3A_380] : memref<64x1000000xf32, #tpu.memory_space<hbm>> -> memref<64x128xf32, #tpu.memory_space<hbm>>
    %dma_wait3A_382 = arith.constant 0 : i32
    %dma_wait3A_383 = arith.constant 768 : i32
    %dma_wait3A_384 = tpu.memref_slice %arg8[%dma_wait3A_382, %dma_wait3A_383] : memref<64x1024xf32, #tpu.memory_space<vmem>> -> memref<64x128xf32, #tpu.memory_space<vmem>>
    %dma_wait3A_385 = arith.constant 0 : i32
    %dma_wait3A_386 = arith.constant 0 : i32
    %dma_wait3A_387 = tpu.memref_slice %arg2[%dma_wait3A_385, %dma_wait3A_386] : memref<64x1000000xf32, #tpu.memory_space<hbm>> -> memref<64x128xf32, #tpu.memory_space<hbm>>
    tpu.wait_dma2 semaphore(%arg16 : memref<!tpu.dma_semaphore, #tpu.memory_space<semaphore_mem>>) src(%dma_wait3A_387 : memref<64x128xf32, #tpu.memory_space<hbm>>) dst(%dma_wait3A_384 : memref<64x128xf32, #tpu.memory_space<vmem>>)
    %slice3A_388 = vector.extract_strided_slice %get3A_239 {offsets = [6], sizes = [1], strides = [1]} : vector<16xi32> to vector<1xi32>
    %squeeze3A_389 = vector.extract %slice3A_388[0] : i32 from vector<1xi32>
    %add3A_390 = arith.constant 768 : i32
    %add3A_391 = arith.addi %squeeze3A_389, %add3A_390 : i32
    %broadcast_in_dim3A_392 = vector.broadcast %add3A_391 : i32 to vector<16xi32>
    %broadcast_in_dim3A_393 = arith.constant 62 : i32
    %broadcast_in_dim3A_394 = vector.broadcast %broadcast_in_dim3A_393 : i32 to vector<16xi32>
    %gather3A_395 = tpu.vector_load_idx %arg8[%add3A_5, %broadcast_in_dim3A_392] : memref<64x1024xf32, #tpu.memory_space<vmem>>[vector<16xi32>, vector<16xi32>], vector<16xf32>,
    tpu.vector_store_idx %arg9[%broadcast_in_dim3A_394, %add3A_5], %gather3A_395 : memref<64x64xf32, #tpu.memory_space<vmem>>[vector<16xi32>, vector<16xi32>], vector<16xf32>,
    %gather3A_396 = tpu.vector_load_idx %arg8[%add3A_9, %broadcast_in_dim3A_392] : memref<64x1024xf32, #tpu.memory_space<vmem>>[vector<16xi32>, vector<16xi32>], vector<16xf32>,
    tpu.vector_store_idx %arg9[%broadcast_in_dim3A_394, %add3A_9], %gather3A_396 : memref<64x64xf32, #tpu.memory_space<vmem>>[vector<16xi32>, vector<16xi32>], vector<16xf32>,
    %gather3A_397 = tpu.vector_load_idx %arg8[%add3A_13, %broadcast_in_dim3A_392] : memref<64x1024xf32, #tpu.memory_space<vmem>>[vector<16xi32>, vector<16xi32>], vector<16xf32>,
    tpu.vector_store_idx %arg9[%broadcast_in_dim3A_394, %add3A_13], %gather3A_397 : memref<64x64xf32, #tpu.memory_space<vmem>>[vector<16xi32>, vector<16xi32>], vector<16xf32>,
    %gather3A_398 = tpu.vector_load_idx %arg8[%add3A_17, %broadcast_in_dim3A_392] : memref<64x1024xf32, #tpu.memory_space<vmem>>[vector<16xi32>, vector<16xi32>], vector<16xf32>,
    tpu.vector_store_idx %arg9[%broadcast_in_dim3A_394, %add3A_17], %gather3A_398 : memref<64x64xf32, #tpu.memory_space<vmem>>[vector<16xi32>, vector<16xi32>], vector<16xf32>,
    %dma_wait3A_399 = arith.constant 0 : i32
    %dma_wait3A_400 = arith.constant 896 : i32
    %dma_wait3A_401 = tpu.memref_slice %arg8[%dma_wait3A_399, %dma_wait3A_400] : memref<64x1024xf32, #tpu.memory_space<vmem>> -> memref<64x128xf32, #tpu.memory_space<vmem>>
    %dma_wait3A_402 = arith.constant 0 : i32
    %dma_wait3A_403 = arith.constant 0 : i32
    %dma_wait3A_404 = tpu.memref_slice %arg2[%dma_wait3A_402, %dma_wait3A_403] : memref<64x1000000xf32, #tpu.memory_space<hbm>> -> memref<64x128xf32, #tpu.memory_space<hbm>>
    %dma_wait3A_405 = arith.constant 0 : i32
    %dma_wait3A_406 = arith.constant 896 : i32
    %dma_wait3A_407 = tpu.memref_slice %arg8[%dma_wait3A_405, %dma_wait3A_406] : memref<64x1024xf32, #tpu.memory_space<vmem>> -> memref<64x128xf32, #tpu.memory_space<vmem>>
    %dma_wait3A_408 = arith.constant 0 : i32
    %dma_wait3A_409 = arith.constant 0 : i32
    %dma_wait3A_410 = tpu.memref_slice %arg2[%dma_wait3A_408, %dma_wait3A_409] : memref<64x1000000xf32, #tpu.memory_space<hbm>> -> memref<64x128xf32, #tpu.memory_space<hbm>>
    tpu.wait_dma2 semaphore(%arg17 : memref<!tpu.dma_semaphore, #tpu.memory_space<semaphore_mem>>) src(%dma_wait3A_410 : memref<64x128xf32, #tpu.memory_space<hbm>>) dst(%dma_wait3A_407 : memref<64x128xf32, #tpu.memory_space<vmem>>)
    %slice3A_411 = vector.extract_strided_slice %get3A_239 {offsets = [7], sizes = [1], strides = [1]} : vector<16xi32> to vector<1xi32>
    %squeeze3A_412 = vector.extract %slice3A_411[0] : i32 from vector<1xi32>
    %add3A_413 = arith.constant 896 : i32
    %add3A_414 = arith.addi %squeeze3A_412, %add3A_413 : i32
    %broadcast_in_dim3A_415 = vector.broadcast %add3A_414 : i32 to vector<16xi32>
    %broadcast_in_dim3A_416 = arith.constant 63 : i32
    %broadcast_in_dim3A_417 = vector.broadcast %broadcast_in_dim3A_416 : i32 to vector<16xi32>
    %gather3A_418 = tpu.vector_load_idx %arg8[%add3A_5, %broadcast_in_dim3A_415] : memref<64x1024xf32, #tpu.memory_space<vmem>>[vector<16xi32>, vector<16xi32>], vector<16xf32>,
    tpu.vector_store_idx %arg9[%broadcast_in_dim3A_417, %add3A_5], %gather3A_418 : memref<64x64xf32, #tpu.memory_space<vmem>>[vector<16xi32>, vector<16xi32>], vector<16xf32>,
    %gather3A_419 = tpu.vector_load_idx %arg8[%add3A_9, %broadcast_in_dim3A_415] : memref<64x1024xf32, #tpu.memory_space<vmem>>[vector<16xi32>, vector<16xi32>], vector<16xf32>,
    tpu.vector_store_idx %arg9[%broadcast_in_dim3A_417, %add3A_9], %gather3A_419 : memref<64x64xf32, #tpu.memory_space<vmem>>[vector<16xi32>, vector<16xi32>], vector<16xf32>,
    %gather3A_420 = tpu.vector_load_idx %arg8[%add3A_13, %broadcast_in_dim3A_415] : memref<64x1024xf32, #tpu.memory_space<vmem>>[vector<16xi32>, vector<16xi32>], vector<16xf32>,
    tpu.vector_store_idx %arg9[%broadcast_in_dim3A_417, %add3A_13], %gather3A_420 : memref<64x64xf32, #tpu.memory_space<vmem>>[vector<16xi32>, vector<16xi32>], vector<16xf32>,
    %gather3A_421 = tpu.vector_load_idx %arg8[%add3A_17, %broadcast_in_dim3A_415] : memref<64x1024xf32, #tpu.memory_space<vmem>>[vector<16xi32>, vector<16xi32>], vector<16xf32>,
    tpu.vector_store_idx %arg9[%broadcast_in_dim3A_417, %add3A_17], %gather3A_421 : memref<64x64xf32, #tpu.memory_space<vmem>>[vector<16xi32>, vector<16xi32>], vector<16xf32>,
    "tpu.region"() ({
      %run_scoped3A = tpu.sem_alloc : memref<!tpu.dma_semaphore, #tpu.memory_space<semaphore_mem>>
      %dma_start3A_422 = arith.constant 0 : i32
      %dma_start3A_423 = tpu.memref_slice %arg4[%mul3A_2, %dma_start3A_422] : memref<2048x64xf32, #tpu.memory_space<hbm>> -> memref<64x64xf32, #tpu.memory_space<hbm>>
      %dma_start3A_424 = arith.constant 0 : i32
      %dma_start3A_425 = tpu.memref_slice %arg4[%mul3A_2, %dma_start3A_424] : memref<2048x64xf32, #tpu.memory_space<hbm>> -> memref<64x64xf32, #tpu.memory_space<hbm>>
      tpu.enqueue_dma source(%arg9 : memref<64x64xf32, #tpu.memory_space<vmem>>) target(%dma_start3A_425 : memref<64x64xf32, #tpu.memory_space<hbm>>) target_semaphore(%run_scoped3A : memref<!tpu.dma_semaphore, #tpu.memory_space<semaphore_mem>>)
      %dma_wait3A_426 = arith.constant 0 : i32
      %dma_wait3A_427 = tpu.memref_slice %arg4[%mul3A_2, %dma_wait3A_426] : memref<2048x64xf32, #tpu.memory_space<hbm>> -> memref<64x64xf32, #tpu.memory_space<hbm>>
      %dma_wait3A_428 = arith.constant 0 : i32
      %dma_wait3A_429 = tpu.memref_slice %arg4[%mul3A_2, %dma_wait3A_428] : memref<2048x64xf32, #tpu.memory_space<hbm>> -> memref<64x64xf32, #tpu.memory_space<hbm>>
      tpu.wait_dma2 semaphore(%run_scoped3A : memref<!tpu.dma_semaphore, #tpu.memory_space<semaphore_mem>>) src(%arg9 : memref<64x64xf32, #tpu.memory_space<vmem>>) dst(%dma_wait3A_429 : memref<64x64xf32, #tpu.memory_space<hbm>>)
      tpu.yield
    }) : () -> ()
    return
  }
}

module attributes {stable_mosaic.version = 14 : i64} {
  func.func @_rnn_body(%arg0: memref<2048x64xf32, #tpu.memory_space<vmem>>, %arg1: memref<64x1xf32, #tpu.memory_space<vmem>>, %arg2: memref<64x1xf32, #tpu.memory_space<vmem>>, %arg3: memref<2x2xf32, #tpu.memory_space<smem>>, %arg4: memref<1x2xf32, #tpu.memory_space<smem>>, %arg5: memref<16x1xf32, #tpu.memory_space<vmem>>, %arg6: memref<16x1xf32, #tpu.memory_space<vmem>>, %arg7: memref<1x1xf32, #tpu.memory_space<smem>>, %arg8: memref<200x1xf32, #tpu.memory_space<vmem>>, %arg9: memref<2048x1xf32, #tpu.memory_space<vmem>>, %arg10: memref<2048x1xf32, #tpu.memory_space<vmem>>, %arg11: memref<200x16x1xf32, #tpu.memory_space<vmem>>) attributes {dimension_semantics = [], scalar_prefetch = 0 : i64, scratch_operands = 3 : i64, tpu.core_type = #tpu.core_type<tc>} {
    %get3A = arith.constant 0 : index
    %get3A_0 = arith.constant 0 : index
    %get3A_1 = vector.load %arg0[%get3A, %get3A_0] : memref<2048x64xf32, #tpu.memory_space<vmem>>, vector<2048x64xf32>
    %get3A_2 = arith.constant 0 : index
    %get3A_3 = arith.constant 0 : index
    %get3A_4 = vector.load %arg1[%get3A_2, %get3A_3] : memref<64x1xf32, #tpu.memory_space<vmem>>, vector<64x1xf32>
    %dot_general3A = arith.constant dense<0.000000e+00> : vector<2048x1xf32>
    %dot_general3A_5 = tpu.matmul %get3A_1, %get3A_4, %dot_general3A {dimension_numbers = #tpu.dot_dimension_numbers<[1], [0], [0], [1], [0, 0, 1, 1], [], []>, transpose_lhs_hint = false} : vector<2048x64xf32>, vector<64x1xf32>, vector<2048x1xf32> -> vector<2048x1xf32>
    %get3A_6 = arith.constant 0 : index
    %get3A_7 = arith.constant 0 : index
    %get3A_8 = memref.load %arg4[%get3A_6, %get3A_7] : memref<1x2xf32, #tpu.memory_space<smem>>
    %add3A = vector.broadcast %get3A_8 : f32 to vector<2048x1xf32>
    %add3A_9 = arith.addf %dot_general3A_5, %add3A : vector<2048x1xf32>
    %swap3A = arith.constant 0 : index
    %swap3A_10 = arith.constant 0 : index
    %swap3A_11 = vector.load %arg9[%swap3A, %swap3A_10] : memref<2048x1xf32, #tpu.memory_space<vmem>>, vector<2048x1xf32>
    tpu.vector_store %arg9[%swap3A, %swap3A_10], %add3A_9 {strides = array<i32>} : memref<2048x1xf32, #tpu.memory_space<vmem>>, vector<2048x1xf32>,
    %get3A_12 = arith.constant 0 : index
    %get3A_13 = arith.constant 0 : index
    %get3A_14 = vector.load %arg0[%get3A_12, %get3A_13] : memref<2048x64xf32, #tpu.memory_space<vmem>>, vector<2048x64xf32>
    %get3A_15 = arith.constant 0 : index
    %get3A_16 = arith.constant 0 : index
    %get3A_17 = vector.load %arg2[%get3A_15, %get3A_16] : memref<64x1xf32, #tpu.memory_space<vmem>>, vector<64x1xf32>
    %dot_general3A_18 = arith.constant dense<0.000000e+00> : vector<2048x1xf32>
    %dot_general3A_19 = tpu.matmul %get3A_14, %get3A_17, %dot_general3A_18 {dimension_numbers = #tpu.dot_dimension_numbers<[1], [0], [0], [1], [0, 0, 1, 1], [], []>, transpose_lhs_hint = false} : vector<2048x64xf32>, vector<64x1xf32>, vector<2048x1xf32> -> vector<2048x1xf32>
    %get3A_20 = arith.constant 0 : index
    %get3A_21 = arith.constant 1 : index
    %get3A_22 = memref.load %arg4[%get3A_20, %get3A_21] : memref<1x2xf32, #tpu.memory_space<smem>>
    %add3A_23 = vector.broadcast %get3A_22 : f32 to vector<2048x1xf32>
    %add3A_24 = arith.addf %dot_general3A_19, %add3A_23 : vector<2048x1xf32>
    %swap3A_25 = arith.constant 0 : index
    %swap3A_26 = arith.constant 0 : index
    %swap3A_27 = vector.load %arg10[%swap3A_25, %swap3A_26] : memref<2048x1xf32, #tpu.memory_space<vmem>>, vector<2048x1xf32>
    tpu.vector_store %arg10[%swap3A_25, %swap3A_26], %add3A_24 {strides = array<i32>} : memref<2048x1xf32, #tpu.memory_space<vmem>>, vector<2048x1xf32>,
    %get3A_28 = arith.constant 0 : index
    %get3A_29 = arith.constant 0 : index
    %get3A_30 = memref.load %arg3[%get3A_28, %get3A_29] : memref<2x2xf32, #tpu.memory_space<smem>>
    %get3A_31 = arith.constant 0 : index
    %get3A_32 = arith.constant 1 : index
    %get3A_33 = memref.load %arg3[%get3A_31, %get3A_32] : memref<2x2xf32, #tpu.memory_space<smem>>
    %get3A_34 = arith.constant 1 : index
    %get3A_35 = arith.constant 0 : index
    %get3A_36 = memref.load %arg3[%get3A_34, %get3A_35] : memref<2x2xf32, #tpu.memory_space<smem>>
    %get3A_37 = arith.constant 1 : index
    %get3A_38 = arith.constant 1 : index
    %get3A_39 = memref.load %arg3[%get3A_37, %get3A_38] : memref<2x2xf32, #tpu.memory_space<smem>>
    %get3A_40 = arith.constant 0 : index
    %get3A_41 = arith.constant 0 : index
    %get3A_42 = vector.load %arg5[%get3A_40, %get3A_41] : memref<16x1xf32, #tpu.memory_space<vmem>>, vector<16x1xf32>
    %get3A_43 = arith.constant 0 : index
    %get3A_44 = arith.constant 0 : index
    %get3A_45 = vector.load %arg6[%get3A_43, %get3A_44] : memref<16x1xf32, #tpu.memory_space<vmem>>, vector<16x1xf32>
    %broadcast_in_dim3A = arith.constant 0.000000e+00 : f32
    %broadcast_in_dim3A_46 = vector.broadcast %broadcast_in_dim3A : f32 to vector<16x1xf32>
    %scan3A = arith.constant 0 : i32
    %scan3A_47 = arith.constant 200 : i32
    %scan3A_48 = arith.addi %scan3A, %scan3A_47 : i32
    %scan3A_49 = arith.constant 1 : i32
    %scan3A_50:2 = scf.for %scan3A_73 = %scan3A to %scan3A_48 step %scan3A_49 iter_args(%scan3A_74 = %broadcast_in_dim3A_46, %scan3A_75 = %broadcast_in_dim3A_46) -> (vector<16x1xf32>, vector<16x1xf32>)  : i32 {
      %mul3A = arith.constant 10 : i32
      %mul3A_76 = arith.muli %scan3A_73, %mul3A : i32
      %get3A_77 = arith.index_cast %mul3A_76 : i32 to index
      %get3A_78 = arith.constant 0 : index
      %get3A_79 = vector.load %arg9[%get3A_77, %get3A_78] : memref<2048x1xf32, #tpu.memory_space<vmem>>, vector<16x1xf32>
      %mul3A_80 = arith.constant 10 : i32
      %mul3A_81 = arith.muli %scan3A_73, %mul3A_80 : i32
      %get3A_82 = arith.index_cast %mul3A_81 : i32 to index
      %get3A_83 = arith.constant 0 : index
      %get3A_84 = vector.load %arg10[%get3A_82, %get3A_83] : memref<2048x1xf32, #tpu.memory_space<vmem>>, vector<16x1xf32>
      %mul3A_85 = vector.broadcast %get3A_30 : f32 to vector<16x1xf32>
      %mul3A_86 = arith.mulf %scan3A_74, %mul3A_85 : vector<16x1xf32>
      %add3A_87 = arith.addf %get3A_79, %mul3A_86 : vector<16x1xf32>
      %mul3A_88 = vector.broadcast %get3A_33 : f32 to vector<16x1xf32>
      %mul3A_89 = arith.mulf %scan3A_75, %mul3A_88 : vector<16x1xf32>
      %add3A_90 = arith.addf %add3A_87, %mul3A_89 : vector<16x1xf32>
      %tanh3A = math.tanh %add3A_90 : vector<16x1xf32>
      %mul3A_91 = vector.broadcast %get3A_36 : f32 to vector<16x1xf32>
      %mul3A_92 = arith.mulf %scan3A_74, %mul3A_91 : vector<16x1xf32>
      %add3A_93 = arith.addf %get3A_84, %mul3A_92 : vector<16x1xf32>
      %mul3A_94 = vector.broadcast %get3A_39 : f32 to vector<16x1xf32>
      %mul3A_95 = arith.mulf %scan3A_75, %mul3A_94 : vector<16x1xf32>
      %add3A_96 = arith.addf %add3A_93, %mul3A_95 : vector<16x1xf32>
      %tanh3A_97 = math.tanh %add3A_96 : vector<16x1xf32>
      %mul3A_98 = arith.mulf %tanh3A, %get3A_42 : vector<16x1xf32>
      %mul3A_99 = arith.mulf %tanh3A_97, %get3A_45 : vector<16x1xf32>
      %add3A_100 = arith.addf %mul3A_98, %mul3A_99 : vector<16x1xf32>
      %swap3A_101 = arith.index_cast %scan3A_73 : i32 to index
      %swap3A_102 = arith.constant 0 : index
      %swap3A_103 = arith.constant 0 : index
      %swap3A_104 = vector.load %arg11[%swap3A_101, %swap3A_102, %swap3A_103] : memref<200x16x1xf32, #tpu.memory_space<vmem>>, vector<1x16x1xf32>
      %swap3A_105 = vector.shape_cast %swap3A_104 : vector<1x16x1xf32> to vector<16x1xf32>
      %swap3A_106 = vector.shape_cast %add3A_100 : vector<16x1xf32> to vector<1x16x1xf32>
      tpu.vector_store %arg11[%swap3A_101, %swap3A_102, %swap3A_103], %swap3A_106 {strides = array<i32>} : memref<200x16x1xf32, #tpu.memory_space<vmem>>, vector<1x16x1xf32>,
      scf.yield %tanh3A, %tanh3A_97 : vector<16x1xf32>, vector<16x1xf32>
    }
    %scan3A_51 = arith.constant 200 : i32
    %get3A_52 = arith.constant 0 : index
    %get3A_53 = arith.constant 0 : index
    %get3A_54 = arith.constant 0 : index
    %get3A_55 = vector.load %arg11[%get3A_52, %get3A_53, %get3A_54] : memref<200x16x1xf32, #tpu.memory_space<vmem>>, vector<200x16x1xf32>
    %reduce_sum3A = arith.constant dense<0.000000e+00> : vector<200x16xf32>
    %reduce_sum3A_56 = vector.multi_reduction <add>, %get3A_55, %reduce_sum3A [2] : vector<200x16x1xf32> to vector<200x16xf32>
    %reduce_sum3A_57 = arith.constant dense<0.000000e+00> : vector<200xf32>
    %reduce_sum3A_58 = vector.multi_reduction <add>, %reduce_sum3A_56, %reduce_sum3A_57 [1] : vector<200x16xf32> to vector<200xf32>
    %get3A_59 = arith.constant 0 : index
    %get3A_60 = arith.constant 0 : index
    %get3A_61 = memref.load %arg7[%get3A_59, %get3A_60] : memref<1x1xf32, #tpu.memory_space<smem>>
    %add3A_62 = vector.broadcast %get3A_61 : f32 to vector<200xf32>
    %add3A_63 = arith.addf %reduce_sum3A_58, %add3A_62 : vector<200xf32>
    %logistic3A = arith.negf %add3A_63 : vector<200xf32>
    %logistic3A_64 = math.exp %logistic3A : vector<200xf32>
    %logistic3A_65 = arith.constant 1.000000e+00 : f32
    %logistic3A_66 = vector.broadcast %logistic3A_65 : f32 to vector<200xf32>
    %logistic3A_67 = arith.addf %logistic3A_66, %logistic3A_64 : vector<200xf32>
    %logistic3A_68 = arith.divf %logistic3A_66, %logistic3A_67 : vector<200xf32>
    %broadcast_in_dim3A_69 = vector.shape_cast %logistic3A_68 : vector<200xf32> to vector<200x1xf32>
    %swap3A_70 = arith.constant 0 : index
    %swap3A_71 = arith.constant 0 : index
    %swap3A_72 = vector.load %arg8[%swap3A_70, %swap3A_71] : memref<200x1xf32, #tpu.memory_space<vmem>>, vector<200x1xf32>
    tpu.vector_store %arg8[%swap3A_70, %swap3A_71], %broadcast_in_dim3A_69 {strides = array<i32>} : memref<200x1xf32, #tpu.memory_space<vmem>>, vector<200x1xf32>,
    return
  }
}

</mosaic_0001>

<sc_bundles>
// kernel: kernel.4.cloned.1.call-start
scs
__scs_entry_jumppad:
0x0: {  	(pc) =	sbr.rel $0x88, $3  }
0x1: {  	(tag) =	ssettag $0x0;
	lr =	simm.s32 $0x1  }
0x2: {  	[smem:$0x3F99] =	sst lr;
	_ =	strace $0xD0000000  }
0x3: {  	_ = 	snop  }
0x4: {  	_ = 	snop  }
0x5: {  	_ = 	snop  }
0x6: {  	_ = 	snop  }
0x7: {  	_ = 	snop  }
__scs_overlays_trampoline_lowered:
0x8: {  	[smem:$0x3FA8] =	sst s0  }
0x9: {  	[smem:$0x3FA9] =	sst s1  }
0xa: {  	[smem:$0x3FAA] =	sst s2  }
0xb: {  	[smem:$0x3FAB] =	sst s3  }
0xc: {  	[smem:$0x3FAC] =	sst s4  }
0xd: {  	[smem:$0x3FAD] =	sst s5  }
0xe: {  	[smem:$0x3FAE] =	sst s6  }
0xf: {  	[smem:$0x3FAF] =	sst s7  }
0x10: {  	[smem:$0x3FB0] =	sst s8  }
0x11: {  	[smem:$0x3FB1] =	sst s9;
	s0 =	simm.s32 @!p0 $0x0  }
0x12: {  	s1 =	sld [smem:$0x3F97];
	s0 =	simm.s32 @p0 $0x1  }
0x13: {  	[smem:$0x3FB2] =	sst s0;
	s0 =	simm.s32 @!p1 $0x0  }
0x14: {  	s2 =	sld [smem:$0x3F96];
	s0 =	simm.s32 @p1 $0x1  }
0x15: {  	[smem:$0x3FB3] =	sst s0;
	s0 =	simm.s32 @!p2 $0x0  }
0x16: {  	s3 =	sld [smem:$0x3FDB];
	s0 =	simm.s32 @p2 $0x1  }
0x17: {  	s4 =	simm.s32 $0x1BF5;
	[smem:$0x3FB5] =	sst s0  }
0x18: {  	s0 =	sld [smem:$0x3F98];
	_ =	swait.ge [sflag:s4], $0x0  }
0x19: {  	s7 =	sld [smem:$0x3F99]  }
0x1a: {  	s8 =	sadd.s32 $0xFFFFE003, lr  }
0x1b: {  	s9 =	sadd.s32 $0xFFFFFEF7, lr;
	s5 =	simm.s32 $0xFFFFFFFF;
	p2 =	slt.u32 s8, $0xFFFFF086  }
0x1c: {  	p1 =	slt.u32 s9, $0xF7A;
	s5 =	simm.s32 @!p2 $0x0  }
0x1d: {  	s5 =	simm.s32 @p1 $0x1;
	p0 =	seq.s32 s7, s2  }
0x1e: {  	s7 =	smul.u32 @!p0 $0xF7A, s2;
	p2 =	seq.s32 @!p0 s5, $0x0  }
0x1f: {  	s9 =	smul.u32 $0xF7A, s1;
	s8 =	simm.s32 @!p0 $0x1BF5;
	p2 =	por !p2, p0  }
0x20: {  	[sflag:s8] =	ssyncset.s32 @!p0 $0xFFFFF086;
	s6 =	sadd.s32 @!p0 s3, s7;
	s7 =	simm.s32 @!p0 $0x108  }
0x21: {  	s3 =	sadd.s32 s3, s9;
	s6 =	sadd.s32 @!p0 $0x88, s6;
	s7 =	simm.s32 @p2 $0x1082  }
0x22: {  	[simem:s7], [sflag:s8] =	dma.local @!p0 [hbm:s6], $0xF7A  }
0x23: {  	s9 =	sor.u32 $0xD0000000, s2;
	s6 =	simm.s32 $0x108;
	_ =	swait.ge @!p0 [sflag:s8], $0x0  }
0x24: {  	s3 =	sadd.s32 $0x88, s3;
	s6 =	simm.s32 @!p1 $0x1082;
	[sflag:s4] =	ssyncset.s32 $0xFFFFF086  }
0x25: {  	[simem:s6], [sflag:s4] =	dma.local [hbm:s3], $0xF7A  }
0x26: {  	[smem:$0x3F99] =	sst s1;
	(tag) =	ssettag s2;
	_ =	strace s9  }
0x27: {  	s1 =	sld [smem:$0x3FA9]  }
0x28: {  	s2 =	sld [smem:$0x3FAA]  }
0x29: {  	s4 =	sld [smem:$0x3FAC]  }
0x2a: {  	p0 =	seq.s32 s5, $0x0;
	s5 =	sld [smem:$0x3FAD]  }
0x2b: {  	s6 =	sld [smem:$0x3FAE]  }
0x2c: {  	s7 =	sld [smem:$0x3FAF]  }
0x2d: {  	s3 =	simm.s32 $0x108;
	s8 =	sld [smem:$0x3FB0]  }
0x2e: {  	s3 =	simm.s32 @!p0 $0x1082;
	s9 =	sld [smem:$0x3FB1]  }
0x2f: {  	lr =	sadd.s32 s0, s3;
	s0 =	sld [smem:$0x3FA8]  }
0x30: {  	s3 =	sld [smem:$0x3FAB]  }
0x31: {  	[smem:$0x3FB4] =	sst s10  }
0x32: {  	s10 =	sld [smem:$0x3FB2];
	_ =	sdelay $0x3  }
0x33: {  	p0 =	seq.s32 s10, $0x1;
	s10 =	sld [smem:$0x3FB4];
	_ =	sdelay $0x3  }
0x34: {  	[smem:$0x3FB4] =	sst s10  }
0x35: {  	s10 =	sld [smem:$0x3FB3];
	_ =	sdelay $0x3  }
0x36: {  	p1 =	seq.s32 s10, $0x1;
	s10 =	sld [smem:$0x3FB4];
	_ =	sdelay $0x3  }
0x37: {  	[smem:$0x3FB4] =	sst s10  }
0x38: {  	s10 =	sld [smem:$0x3FB5]  }
0x39: {  	_ = 	snop;
	(pc) =	sbr.ind lr, $3  }
0x3a: {  	_ = 	snop  }
0x3b: {  	_ = 	snop  }
0x3c: {  	p2 =	seq.s32 s10, $0x1;
	s10 =	sld [smem:$0x3FB4]  }
0x3d: {  	_ =	shalt  }
0x3e: {  	_ =	shalt  }
0x3f: {  	_ =	shalt  }
0x40: {  	_ =	shalt  }
0x41: {  	_ =	shalt  }
0x42: {  	_ =	shalt  }
0x43: {  	_ =	shalt  }
0x44: {  	_ =	shalt  }
0x45: {  	_ =	shalt  }
0x46: {  	_ =	shalt  }
0x47: {  	_ =	shalt  }
0x48: {  	_ =	shalt  }
0x49: {  	_ =	shalt  }
0x4a: {  	_ =	shalt  }
0x4b: {  	_ =	shalt  }
0x4c: {  	_ =	shalt  }
0x4d: {  	_ =	shalt  }
0x4e: {  	_ =	shalt  }
0x4f: {  	_ =	shalt  }
0x50: {  	_ =	shalt  }
0x51: {  	_ =	shalt  }
0x52: {  	_ =	shalt  }
0x53: {  	_ =	shalt  }
0x54: {  	_ =	shalt  }
0x55: {  	_ =	shalt  }
0x56: {  	_ =	shalt  }
0x57: {  	_ =	shalt  }
0x58: {  	_ =	shalt  }
0x59: {  	_ =	shalt  }
0x5a: {  	_ =	shalt  }
0x5b: {  	_ =	shalt  }
0x5c: {  	_ =	shalt  }
0x5d: {  	_ =	shalt  }
0x5e: {  	_ =	shalt  }
0x5f: {  	_ =	shalt  }
0x60: {  	_ =	shalt  }
0x61: {  	_ =	shalt  }
0x62: {  	_ =	shalt  }
0x63: {  	_ =	shalt  }
0x64: {  	_ =	shalt  }
0x65: {  	_ =	shalt  }
0x66: {  	_ =	shalt  }
0x67: {  	_ =	shalt  }
0x68: {  	_ =	shalt  }
0x69: {  	_ =	shalt  }
0x6a: {  	_ =	shalt  }
0x6b: {  	_ =	shalt  }
0x6c: {  	_ =	shalt  }
0x6d: {  	_ =	shalt  }
0x6e: {  	_ =	shalt  }
0x6f: {  	_ =	shalt  }
0x70: {  	_ =	shalt  }
0x71: {  	_ =	shalt  }
0x72: {  	_ =	shalt  }
0x73: {  	_ =	shalt  }
0x74: {  	_ =	shalt  }
0x75: {  	_ =	shalt  }
0x76: {  	_ =	shalt  }
0x77: {  	_ =	shalt  }
0x78: {  	_ =	shalt  }
0x79: {  	_ =	shalt  }
0x7a: {  	_ =	shalt  }
0x7b: {  	_ =	shalt  }
0x7c: {  	_ =	shalt  }
0x7d: {  	_ =	shalt  }
0x7e: {  	_ =	shalt  }
0x7f: {  	_ =	shalt  }
0x80: {  	_ =	shalt  }
0x81: {  	_ =	shalt  }
0x82: {  	_ =	shalt  }
0x83: {  	_ =	shalt  }
0x84: {  	_ =	shalt  }
0x85: {  	_ =	shalt  }
0x86: {  	_ =	shalt  }
0x87: {  	_ =	shalt  }
.Lfunc_end0:
.L_simem_size_0:
called_computation_lowered:
.L_overlay_start_0:
0x88: {  	s2 =	sld [smem:$0x3FD9]  }
0x89: {  	s3 =	sld [smem:$0x3FFE];
	_ =	sdelay $0x1  }
0x8a: {  	s1 =	srdreg.scid  }
0x8b: {  	s0 =	sand.u32 $0x1, s1  }
0x8c: {  	s17 =	sshll.u32 s0, $0xA;
	s2 =	sadd.s32 s3, s2  }
0x8d: {  	s2 =	sadd.s32 s2, s17  }
0x8e: {  	[smem:$0x3FC0] =	sst s2  }
0x8f: {  	_ = 	snop  }
0x90: {  	s2 =	sld [smem:$0x3FC9]  }
0x91: {  	s18 =	sld [smem:$0x3FC8];
	(tm) =	ssettm $0x1  }
0x92: {  	s4 =	sld [smem:$0x3FFB];
	_ =	sdelay $0x3  }
0x93: {  	_ =	strace s4  }
0x94: {  	s4 =	sld [smem:$0x3FFC];
	_ =	sdelay $0x3  }
0x95: {  	_ =	strace s4  }
0x96: {  	s4 =	sld [smem:$0x3FFD];
	_ =	sdelay $0x3  }
0x97: {  	_ =	strace s4  }
0x98: {  	_ =	strace $0x8FFFFFFF  }
0x99: {  	s19 =	sld [smem:$0x3FDB];
	_ =	sdelay $0x1  }
0x9a: {  	s5 =	simm.s32 $_scs_section_size  }
0x9b: {  	s6 =	simm.s32 $_size__tile_overlayer_lowered;
	s7 =	simm.s32 $_tile_overlayer_lowered  }
0x9c: {  	s22 =	simm.s32 $0x1BFF;
	s21 =	sshll.u32 s7, $0x1;
	s4 =	sadd.s32 s5, s19  }
0x9d: {  	s8 =	simm.s32 $0x0;
	s20 =	sshll.u32 s6, $0x1;
	s6 =	sadd.s32 s21, s4  }
0x9e: {  	[timem:s8], [sflag:s22] =	dma.local [hbm:s6], s20  }
0x9f: {  	_ =	swait.ge [sflag:s22], s20  }
0xa0: {  	s5 =	ssub.s32 $0x0, s20;
	[sflag:s22] =	ssyncset.done $0x0  }
0xa1: {  	[sflag:s22] =	ssyncadd.s32 s5;
	_ =	sdelay $0x1  }
0xa2: {  	s23 =	simm.s32 $0x1B8B  }
0xa3: {  	_ =	swait.ge [sflag:s23], $0x1  }
0xa4: {  	[sflag:s23] =	ssyncset.done $0x0  }
0xa5: {  	s25 =	simm.s32 $0x1B8E;
	s24 =	sld [smem:$0x3FFE];
	[sflag:s23] =	ssyncadd.s32 $0xFFFFFFFF  }
0xa6: {  	s26 =	simm.s32 $execute0_lowered;
	[smem:$0x3FD2] =	sst s25  }
0xa7: {  	s6 =	sshll.u32 s26, $0x1;
	_ =	strace $0x80000046;
	[dreg:$0x1] =	wrdreg $0xFFFFFFFF  }
0xa8: {  	s28 =	simm.s32 $_size_execute0_lowered;
	s4 =	sadd.s32 s4, s6;
	[dreg:$0x0] =	wrdreg $0x0  }
0xa9: {  	s6 =	sshll.u32 s28, $0x1;
	[dreg:$0x2] =	wrdreg s4  }
0xaa: {  	[dreg:$0x3] =	wrdreg s6  }
0xab: {  	[dreg:$0x4] =	wrdreg $0xC0  }
0xac: {  	_ =	task [dreg:s8], $0x5FFFF  }
0xad: {  	[dreg:$0x1] =	wrdreg $0xFFFFFFFF  }
0xae: {  	[dreg:$0x0] =	wrdreg $0x60  }
0xaf: {  	[dreg:$0x2] =	wrdreg s18  }
0xb0: {  	[dreg:$0x3] =	wrdreg s2  }
0xb1: {  	[dreg:$0x4] =	wrdreg s24  }
0xb2: {  	[dreg:$0x5] =	wrdreg $0x9  }
0xb3: {  	_ =	task.clear_ibuf [dreg:s8], $0x6FFFF;
	_ =	strace $0x90000046  }
0xb4: {  	s29 =	simm.s32 $0x9;
	_ =	strace $0x80000048  }
0xb5: {  	_ =	swait.ge [sflag:s29], $0x1  }
0xb6: {  	[sflag:s29] =	ssyncadd.s32 $0xFFFFFFFF  }
0xb7: {  	_ =	strace $0x90000048  }
0xb8: {  	_ =	sfence  }
0xb9: {  	s30 =	sld [smem:$0x0];
	_ =	sdelay $0x2  }
0xba: {  	s31 =	sshll.u32 s1, $0xD;
	s1 =	sshrl.u32 s1, $0x2  }
0xbb: {  	s3 =	sand.u32 $0x4000, s31;
	s1 =	sadd.s32 s1, s30  }
0xbc: {  	s0 =	sor.u32 s3, s0;
	s1 =	sshll.u32 s1, $0x11  }
0xbd: {  	s0 =	sor.u32 s1, s0  }
0xbe: {  	s0 =	sadd.s32 $0x8F2B, s0  }
0xbf: {  	[sflag:s0] =	ssyncadd.remote.s32 $0x1  }
0xc0: {  	_ =	sfence.sel $0xFFFF  }
0xc1: {  	[dreg:$0x0] =	wrdreg $0xFFFFFFFF;
	(pc) =	sbr.abs _section_cstart, $3  }
0xc2: {  	[dreg:$0x1] =	wrdreg $0xFFFFFFFF  }
0xc3: {  	_ =	task.clear_ibuf [dreg:s8], $0x2FFFF;
	_ =	strace $0x9FFFFFFF  }
0xc4: {  	(tm) =	ssettm $0x7FFFFFFF  }
0xc5: {  	_ =	shalt  }
tec
execute0_lowered:
.L_overlay_start_1:
0x0: {  	(tag) =	ssettag $0x1  }
0x1: {  	s0 =	srdreg.scid  }
0x2: {  	s1 =	stileid.u32;
	s2 =	sand.u32 $0x1, s0  }
0x3: {  	v0 =	vlaneseq.u32;
	vm14 =	vcmask $0x300;
	s22 =	sshll.u32 s1, $0x7;
	s23 =	sshll.u32 s2, $0x6  }
0x4: {  	vm13 =	vcmask $0x704;
	vm12 =	vcmask $0xB08;
	vm11 =	vcmask $0xF0C;
	s0 =	sor.u32 s23, s22  }
0x5: {  	vm10 =	vcmask $0x1310;
	vm9 =	vcmask $0x1714;
	v1 =	vor.u32 s0, v0  }
0x6: {  	vm8 =	vcmask $0x1B18;
	vm7 =	vcmask $0x1F1C;
	v2 =	vmul.u32 $0x199A, v1  }
0x7: {  	vm6 =	vcmask $0x2320;
	vm1 =	vcmask $0x2724;
	vm2 =	vcmask $0x2B28  }
0x8: {  	vm3 =	vcmask $0x2F2C;
	vm4 =	vcmask $0x3330;
	v2 =	vshrl.u32 v2, $0x10  }
0x9: {  	vm5 =	vcmask $0x3734;
	vm0 =	vcmask $0x3B38;
	v3 =	vmul.u32 $0xFFFFFFF6, v2  }
0xa: {  	v11 =	vor.u32 $0x30, v0;
	v12 =	vor.u32 $0x1C00, v0;
	v13 =	vor.u32 $0x1C10, v0;
	s1 =	sor.u32 $0x10, s0  }
0xb: {  	v2 =	vmin.u32 v2, $0xC7;
	v1 =	vadd.s32 v1, v3;
	v3 =	vor.u32 s1, v0  }
0xc: {  	s24 =	sor.u32 $0x20, s0;
	v4 =	vand.u32 $0x7F, v2;
	v2 =	vshll.u32 v2, $0x3;
	v6 =	vmul.u32 $0x199A, v3  }
0xd: {  	v7 =	vor.u32 s24, v0;
	v2 =	vand.u32 $0x400, v2;
	v5 =	vshll.u32 v1, $0x8  }
0xe: {  	v1 =	vshll.u32 v1, $0x7;
	v2 =	vor.u32 v4, v2;
	v6 =	vshrl.u32 v6, $0x10  }
0xf: {  	v5 =	vand.u32 $0xFFFFF800, v5;
	v1 =	vand.u32 $0x380, v1;
	v4 =	vmul.u32 $0xFFFFFFF6, v6  }
0x10: {  	v2 =	vor.u32 v5, v2;
	v5 =	vmin.u32 v6, $0xC7;
	v6 =	vmul.u32 $0x199A, v7  }
0x11: {  	v14 =	vor.u32 $0x1C20, v0;
	v1 =	vor.u32 v1, v2;
	v2 =	vadd.s32 v3, v4  }
0x12: {  	v3 =	vand.u32 $0x7F, v5;
	v5 =	vshll.u32 v5, $0x3;
	v6 =	vshrl.u32 v6, $0x10  }
0x13: {  	v4 =	vshll.u32 v2, $0x8;
	v5 =	vand.u32 $0x400, v5;
	v2 =	vshll.u32 v2, $0x7  }
0x14: {  	v8 =	vmul.u32 $0xFFFFFFF6, v6;
	v4 =	vand.u32 $0xFFFFF800, v4;
	v3 =	vor.u32 v3, v5  }
0x15: {  	v2 =	vand.u32 $0x380, v2;
	v5 =	vmin.u32 v6, $0xC7;
	v3 =	vor.u32 v4, v3  }
0x16: {  	s25 =	sor.u32 $0x30, s0;
	v4 =	vadd.s32 v7, v8;
	v6 =	vand.u32 $0x7F, v5;
	v5 =	vshll.u32 v5, $0x3  }
0x17: {  	v8 =	vor.u32 s25, v0;
	v7 =	vshll.u32 v4, $0x8;
	v5 =	vand.u32 $0x400, v5  }
0x18: {  	v4 =	vshll.u32 v4, $0x7;
	v5 =	vor.u32 v6, v5;
	v6 =	vmul.u32 $0x199A, v8  }
0x19: {  	v2 =	vor.u32 v2, v3;
	v7 =	vand.u32 $0xFFFFF800, v7;
	v3 =	vand.u32 $0x380, v4  }
0x1a: {  	v4 =	vor.u32 v7, v5;
	v5 =	vshrl.u32 v6, $0x10;
	v6 =	vimm.s32 $0x2380  }
0x1b: {  	v15 =	vor.u32 $0x1C30, v0;
	v16 =	vor.u32 $0x1C80, v0;
	v6 =	vsel vm14, $0x0, v6  }
0x1c: {  	v17 =	vor.u32 $0x1C90, v0;
	v3 =	vor.u32 v3, v4;
	v4 =	vsel vm13, $0x80, v6  }
0x1d: {  	v18 =	vor.u32 $0x1CA0, v0;
	v19 =	vor.u32 $0x1CB0, v0;
	v4 =	vsel vm12, $0x100, v4  }
0x1e: {  	v20 =	vor.u32 $0x1D00, v0;
	v21 =	vor.u32 $0x1D10, v0;
	v4 =	vsel vm11, $0x180, v4  }
0x1f: {  	v22 =	vor.u32 $0x1D20, v0;
	v23 =	vor.u32 $0x1D30, v0;
	v4 =	vsel vm10, $0x200, v4  }
0x20: {  	v24 =	vor.u32 $0x1D80, v0;
	v25 =	vor.u32 $0x1D90, v0;
	v4 =	vsel vm9, $0x280, v4  }
0x21: {  	v26 =	vor.u32 $0x1DA0, v0;
	v7 =	vmul.u32 $0xFFFFFFF6, v5;
	v4 =	vsel vm8, $0x300, v4  }
0x22: {  	v27 =	vor.u32 $0x1DB0, v0;
	v28 =	vor.u32 $0x1E00, v0;
	v4 =	vsel vm7, $0x380, v4  }
0x23: {  	v5 =	vmin.u32 v5, $0xC7;
	v6 =	vadd.s32 v8, v7;
	v4 =	vsel vm6, $0x2000, v4  }
0x24: {  	v7 =	vand.u32 $0x7F, v5;
	v5 =	vshll.u32 v5, $0x3;
	v4 =	vsel vm1, $0x2080, v4  }
0x25: {  	v8 =	vshll.u32 v6, $0x8;
	v5 =	vand.u32 $0x400, v5;
	v4 =	vsel vm2, $0x2100, v4  }
0x26: {  	v6 =	vshll.u32 v6, $0x7;
	v8 =	vand.u32 $0xFFFFF800, v8;
	v4 =	vsel vm3, $0x2180, v4  }
0x27: {  	v6 =	vand.u32 $0x380, v6;
	v5 =	vor.u32 v7, v5;
	v4 =	vsel vm4, $0x2200, v4  }
0x28: {  	v5 =	vor.u32 v8, v5;
	v8 =	vimm.s32 $0x6380;
	v7 =	vsel vm5, $0x2280, v4  }
0x29: {  	v4 =	vor.u32 v6, v5;
	v6 =	vsel vm14, $0x4000, v8;
	v8 =	vimm.s32 $0xE380  }
0x2a: {  	v5 =	vsel vm0, $0x2300, v7;
	v6 =	vsel vm13, $0x4080, v6;
	v7 =	vimm.s32 $0xA380  }
0x2b: {  	s3 =	rddreg [dreg:$0x2];
	v8 =	vsel vm14, $0xC000, v8;
	v6 =	vsel vm12, $0x4100, v6;
	v7 =	vsel vm14, $0x8000, v7  }
0x2c: {  	s4 =	simm.s32 $0x0;
	s8 =	simm.s32 $0x1100;
	s16 =	simm.s32 $0x3100;
	v8 =	vsel vm13, $0xC080, v8;
	v6 =	vsel vm11, $0x4180, v6;
	v7 =	vsel vm13, $0x8080, v7  }
0x2d: {  	s29 =	simm.s32 $0x9100;
	s28 =	simm.s32 $0xB100;
	s30 =	simm.s32 $0xD100;
	v8 =	vsel vm12, $0xC100, v8;
	v6 =	vsel vm10, $0x4200, v6;
	v7 =	vsel vm12, $0x8100, v7  }
0x2e: {  	s18 =	simm.s32 $0xF100;
	s6 =	simm.s32 $0x3500;
	s7 =	simm.s32 $0x5500;
	v8 =	vsel vm11, $0xC180, v8;
	v6 =	vsel vm9, $0x4280, v6;
	v7 =	vsel vm11, $0x8180, v7  }
0x2f: {  	s9 =	simm.s32 $0x7500;
	s10 =	simm.s32 $0x9500;
	s11 =	simm.s32 $0xB500;
	v8 =	vsel vm10, $0xC200, v8;
	v6 =	vsel vm8, $0x4300, v6;
	v7 =	vsel vm10, $0x8200, v7  }
0x30: {  	s12 =	simm.s32 $0xD500;
	s15 =	simm.s32 $0xF500;
	s13 =	simm.s32 $0x1900;
	v8 =	vsel vm9, $0xC280, v8;
	v6 =	vsel vm7, $0x4380, v6;
	v7 =	vsel vm9, $0x8280, v7  }
0x31: {  	s14 =	simm.s32 $0x3900;
	s17 =	simm.s32 $0x11100;
	s19 =	simm.s32 $0x3;
	v8 =	vsel vm8, $0xC300, v8;
	v6 =	vsel vm6, $0x6000, v6;
	v7 =	vsel vm8, $0x8300, v7  }
0x32: {  	s20 =	simm.s32 $0x4;
	s21 =	simm.s32 $0x5;
	s2 =	ssub.s32 $0x2, s2;
	v8 =	vsel vm7, $0xC380, v8;
	v6 =	vsel vm1, $0x6080, v6;
	v7 =	vsel vm7, $0x8380, v7  }
0x33: {  	s31 =	simm.s32 $0x0;
	[smem:$0x7FF] =	sst s4;
	s5 =	sshrl.u32 s2, $0x1;
	v8 =	vsel vm6, $0xE000, v8;
	v6 =	vsel vm2, $0x6100, v6;
	v7 =	vsel vm6, $0xA000, v7  }
0x34: {  	s22 =	simm.s32 $0x6;
	s23 =	simm.s32 $0x7;
	s0 =	sshll.u32 s0, $0x4;
	v8 =	vsel vm1, $0xE080, v8;
	v6 =	vsel vm3, $0x6180, v6;
	v7 =	vsel vm1, $0xA080, v7  }
0x35: {  	s2 =	ssub.s32 s2, s5;
	s5 =	simm.s32 $0x7100;
	s0 =	sadd.s32 s0, s3;
	v8 =	vsel vm2, $0xE100, v8;
	v6 =	vsel vm4, $0x6200, v6;
	v7 =	vsel vm2, $0xA100, v7  }
0x36: {  	s26 =	smax.u32 s2, $0x1;
	s0 =	sadd.s32 $0x1000, s0;
	s1 =	rddreg [dreg:$0x0];
	v8 =	vsel vm3, $0xE180, v8;
	v6 =	vsel vm5, $0x6280, v6;
	v7 =	vsel vm3, $0xA180, v7  }
0x37: {  	s2 =	simm.s32 $0x9;
	_ =	strace $0x80000047;
	[dreg:$0x4] =	wrdreg s0;
	v8 =	vsel vm4, $0xE200, v8;
	v6 =	vsel vm0, $0x6300, v6;
	v9 =	vsel vm4, $0xA200, v7  }
0x38: {  	s3 =	simm.s32 $0x1500;
	s24 =	simm.s32 $0x8;
	[dreg:$0x5] =	wrdreg s26;
	v7 =	vor.u32 $0x10, v0;
	v10 =	vsel vm5, $0xE280, v8;
	v9 =	vsel vm5, $0xA280, v9  }
0x39: {  	s26 =	simm.s32 $0x5100;
	[dreg:$0x6] =	wrdreg s31;
	s25 =	simm.s32 $0x5900;
	v10 =	vsel vm0, $0xE300, v10;
	v8 =	vsel vm0, $0xA300, v9;
	v9 =	vor.u32 $0x20, v0  }
.LBB2_1:
0x3a: {  	s0 =	rddreg [dreg:$0x1]  }
0x3b: {  	[tilespmem:s4], [sflag:$0x9] =	stream.linear.gather [hbm4b:s0+s4], $0x1000, $0x38;
	[tilespmem:$0x13100] =	vst v63  }
0x3c: {  	_ =	swait.ge [sflag:s2], $0x1000  }
0x3d: {  	[sflag:s2] =	ssyncset.done $0x0  }
0x3e: {  	[sflag:s2] =	ssyncadd.s32 $0xFFFFF000  }
0x3f: {  	v29 =	vld.idx.msk [tilespmem:v1+s4+$0x0], $0xffff;
	_ =	sdelay $0x4  }
0x40: {  	v30 =	vand.u32 $0xFFFFFF80, v29  }
0x41: {  	v29 =	vand.u32 $0x7F, v29;
	[tilespmem:$0x1000] =	vst v30  }
0x42: {  	[tilespmem:$0x1080] =	vst v29  }
0x43: {  	v30 =	vld.idx.msk [tilespmem:v2+s4+$0x0], $0xffff  }
0x44: {  	v29 =	vld [tilespmem:$0x1000];
	_ =	sdelay $0x3  }
0x45: {  	v31 =	vand.u32 $0xFFFFFF80, v30  }
0x46: {  	v30 =	vand.u32 $0x7F, v30;
	(v2sf) =	vpush v29, $0x0;
	[tilespmem:$0x1010] =	vst v31  }
0x47: {  	[tilespmem:$0x1090] =	vst v30  }
0x48: {  	v30 =	vld.idx.msk [tilespmem:v3+s4+$0x0], $0xffff;
	_ =	sdelay $0x4  }
0x49: {  	v31 =	vand.u32 $0xFFFFFF80, v30  }
0x4a: {  	v30 =	vand.u32 $0x7F, v30;
	[tilespmem:$0x1020] =	vst v31  }
0x4b: {  	[tilespmem:$0x10A0] =	vst v30  }
0x4c: {  	v30 =	vld.idx.msk [tilespmem:v4+s4+$0x0], $0xffff;
	_ =	sdelay $0x4  }
0x4d: {  	v31 =	vand.u32 $0xFFFFFF80, v30;
	s2 =	spop (v2sf)  }
0x4e: {  	(v2sf) =	vpush v29, $0x1;
	v30 =	vand.u32 $0x7F, v30;
	[tilespmem:$0x1030] =	vst v31;
	s0 =	sand.u32 $0xFFFFF80, s2  }
0x4f: {  	[tilespmem:$0x10B0] =	vst v30;
	s0 =	sadd.s32 s1, s0  }
0x50: {  	[tilespmem:s8], [sflag:$0x1] =	stream.linear.gather [hbm4b:s0+s4], $0x400, $0x38;
	[tilespmem:$0x13100] =	vst v63  }
0x51: {  	s31 =	sadd.s32 $0xF4280, s0  }
0x52: {  	[tilespmem:s16], [sflag:$0x1] =	stream.linear.gather [hbm4b:s31+s4], $0x400, $0x38;
	[tilespmem:$0x13100] =	vst v63  }
0x53: {  	s31 =	sadd.s32 $0x1E8500, s0  }
0x54: {  	[tilespmem:s26], [sflag:$0x1] =	stream.linear.gather [hbm4b:s31+s4], $0x400, $0x38;
	[tilespmem:$0x13100] =	vst v63  }
0x55: {  	s31 =	sadd.s32 $0x2DC780, s0  }
0x56: {  	[tilespmem:s5], [sflag:$0x1] =	stream.linear.gather [hbm4b:s31+s4], $0x400, $0x38;
	[tilespmem:$0x13100] =	vst v63  }
0x57: {  	s31 =	sadd.s32 $0x3D0A00, s0  }
0x58: {  	[tilespmem:s29], [sflag:$0x1] =	stream.linear.gather [hbm4b:s31+s4], $0x400, $0x38;
	[tilespmem:$0x13100] =	vst v63  }
0x59: {  	s5 =	sadd.s32 $0x4C4C80, s0  }
0x5a: {  	[tilespmem:s28], [sflag:$0x1] =	stream.linear.gather [hbm4b:s5+s4], $0x400, $0x38;
	[tilespmem:$0x13100] =	vst v63  }
0x5b: {  	s29 =	sadd.s32 $0x5B8F00, s0  }
0x5c: {  	[tilespmem:s30], [sflag:$0x1] =	stream.linear.gather [hbm4b:s29+s4], $0x400, $0x38;
	[tilespmem:$0x13100] =	vst v63  }
0x5d: {  	s0 =	sadd.s32 $0x6AD180, s0;
	s30 =	spop (v2sf)  }
0x5e: {  	[tilespmem:s18], [sflag:$0x1] =	stream.linear.gather [hbm4b:s0+s4], $0x400, $0x38;
	[tilespmem:$0x13100] =	vst v63  }
0x5f: {  	(v2sf) =	vpush v29, $0x2;
	s0 =	sand.u32 $0xFFFFF80, s30  }
0x60: {  	s0 =	sadd.s32 s1, s0  }
0x61: {  	[tilespmem:s3], [sflag:$0x2] =	stream.linear.gather [hbm4b:s0+s4], $0x400, $0x38;
	[tilespmem:$0x13100] =	vst v63  }
0x62: {  	s31 =	sadd.s32 $0xF4280, s0  }
0x63: {  	[tilespmem:s6], [sflag:$0x2] =	stream.linear.gather [hbm4b:s31+s4], $0x400, $0x38;
	[tilespmem:$0x13100] =	vst v63  }
0x64: {  	s3 =	sadd.s32 $0x1E8500, s0  }
0x65: {  	[tilespmem:s7], [sflag:$0x2] =	stream.linear.gather [hbm4b:s3+s4], $0x400, $0x38;
	[tilespmem:$0x13100] =	vst v63  }
0x66: {  	s5 =	sadd.s32 $0x2DC780, s0  }
0x67: {  	[tilespmem:s9], [sflag:$0x2] =	stream.linear.gather [hbm4b:s5+s4], $0x400, $0x38;
	[tilespmem:$0x13100] =	vst v63  }
0x68: {  	s6 =	sadd.s32 $0x3D0A00, s0  }
0x69: {  	[tilespmem:s10], [sflag:$0x2] =	stream.linear.gather [hbm4b:s6+s4], $0x400, $0x38;
	[tilespmem:$0x13100] =	vst v63  }
0x6a: {  	s7 =	sadd.s32 $0x4C4C80, s0  }
0x6b: {  	[tilespmem:s11], [sflag:$0x2] =	stream.linear.gather [hbm4b:s7+s4], $0x400, $0x38;
	[tilespmem:$0x13100] =	vst v63  }
0x6c: {  	s9 =	sadd.s32 $0x5B8F00, s0  }
0x6d: {  	[tilespmem:s12], [sflag:$0x2] =	stream.linear.gather [hbm4b:s9+s4], $0x400, $0x38;
	[tilespmem:$0x13100] =	vst v63  }
0x6e: {  	s0 =	sadd.s32 $0x6AD180, s0;
	s10 =	spop (v2sf)  }
0x6f: {  	[tilespmem:s15], [sflag:$0x2] =	stream.linear.gather [hbm4b:s0+s4], $0x400, $0x38;
	[tilespmem:$0x13100] =	vst v63  }
0x70: {  	(v2sf) =	vpush v29, $0x3;
	s0 =	sand.u32 $0xFFFFF80, s10  }
0x71: {  	s0 =	sadd.s32 s1, s0  }
0x72: {  	[tilespmem:s13], [sflag:$0x3] =	stream.linear.gather [hbm4b:s0+s4], $0x400, $0x38;
	[tilespmem:$0x13100] =	vst v63  }
0x73: {  	s11 =	sadd.s32 $0xF4280, s0  }
0x74: {  	[tilespmem:s14], [sflag:$0x3] =	stream.linear.gather [hbm4b:s11+s4], $0x400, $0x38;
	[tilespmem:$0x13100] =	vst v63  }
0x75: {  	s12 =	sadd.s32 $0x1E8500, s0  }
0x76: {  	[tilespmem:s25], [sflag:$0x3] =	stream.linear.gather [hbm4b:s12+s4], $0x400, $0x38;
	[tilespmem:$0x13100] =	vst v63  }
0x77: {  	s13 =	sadd.s32 $0x2DC780, s0;
	s14 =	simm.s32 $0x7900  }
0x78: {  	[tilespmem:s14], [sflag:$0x3] =	stream.linear.gather [hbm4b:s13+s4], $0x400, $0x38;
	[tilespmem:$0x13100] =	vst v63  }
0x79: {  	s18 =	simm.s32 $0x9900;
	s15 =	sadd.s32 $0x3D0A00, s0  }
0x7a: {  	[tilespmem:s18], [sflag:$0x3] =	stream.linear.gather [hbm4b:s15+s4], $0x400, $0x38;
	[tilespmem:$0x13100] =	vst v63  }
0x7b: {  	s29 =	simm.s32 $0xB900;
	s25 =	sadd.s32 $0x4C4C80, s0  }
0x7c: {  	[tilespmem:s29], [sflag:$0x3] =	stream.linear.gather [hbm4b:s25+s4], $0x400, $0x38;
	[tilespmem:$0x13100] =	vst v63  }
0x7d: {  	s31 =	simm.s32 $0xD900;
	s30 =	sadd.s32 $0x5B8F00, s0  }
0x7e: {  	[tilespmem:s31], [sflag:$0x3] =	stream.linear.gather [hbm4b:s30+s4], $0x400, $0x38;
	[tilespmem:$0x13100] =	vst v63  }
0x7f: {  	s5 =	simm.s32 $0xF900;
	s6 =	spop (v2sf);
	s0 =	sadd.s32 $0x6AD180, s0  }
0x80: {  	[tilespmem:s5], [sflag:$0x3] =	stream.linear.gather [hbm4b:s0+s4], $0x400, $0x38;
	[tilespmem:$0x13100] =	vst v63  }
0x81: {  	(v2sf) =	vpush v29, $0x4;
	s0 =	sand.u32 $0xFFFFF80, s6  }
0x82: {  	s7 =	simm.s32 $0x1D00;
	s0 =	sadd.s32 s1, s0  }
0x83: {  	[tilespmem:s7], [sflag:$0x4] =	stream.linear.gather [hbm4b:s0+s4], $0x400, $0x38;
	[tilespmem:$0x13100] =	vst v63  }
0x84: {  	s10 =	simm.s32 $0x3D00;
	s9 =	sadd.s32 $0xF4280, s0  }
0x85: {  	[tilespmem:s10], [sflag:$0x4] =	stream.linear.gather [hbm4b:s9+s4], $0x400, $0x38;
	[tilespmem:$0x13100] =	vst v63  }
0x86: {  	s12 =	simm.s32 $0x5D00;
	s11 =	sadd.s32 $0x1E8500, s0  }
0x87: {  	[tilespmem:s12], [sflag:$0x4] =	stream.linear.gather [hbm4b:s11+s4], $0x400, $0x38;
	[tilespmem:$0x13100] =	vst v63  }
0x88: {  	s14 =	simm.s32 $0x7D00;
	s13 =	sadd.s32 $0x2DC780, s0  }
0x89: {  	[tilespmem:s14], [sflag:$0x4] =	stream.linear.gather [hbm4b:s13+s4], $0x400, $0x38;
	[tilespmem:$0x13100] =	vst v63  }
0x8a: {  	s18 =	simm.s32 $0x9D00;
	s15 =	sadd.s32 $0x3D0A00, s0  }
0x8b: {  	[tilespmem:s18], [sflag:$0x4] =	stream.linear.gather [hbm4b:s15+s4], $0x400, $0x38;
	[tilespmem:$0x13100] =	vst v63  }
0x8c: {  	s29 =	simm.s32 $0xBD00;
	s25 =	sadd.s32 $0x4C4C80, s0  }
0x8d: {  	[tilespmem:s29], [sflag:$0x4] =	stream.linear.gather [hbm4b:s25+s4], $0x400, $0x38;
	[tilespmem:$0x13100] =	vst v63  }
0x8e: {  	s31 =	simm.s32 $0xDD00;
	s30 =	sadd.s32 $0x5B8F00, s0  }
0x8f: {  	[tilespmem:s31], [sflag:$0x4] =	stream.linear.gather [hbm4b:s30+s4], $0x400, $0x38;
	[tilespmem:$0x13100] =	vst v63  }
0x90: {  	s5 =	simm.s32 $0xFD00;
	s6 =	spop (v2sf);
	s0 =	sadd.s32 $0x6AD180, s0  }
0x91: {  	[tilespmem:s5], [sflag:$0x4] =	stream.linear.gather [hbm4b:s0+s4], $0x400, $0x38;
	[tilespmem:$0x13100] =	vst v63  }
0x92: {  	(v2sf) =	vpush v29, $0x5;
	s0 =	sand.u32 $0xFFFFF80, s6  }
0x93: {  	s7 =	simm.s32 $0x2100;
	s0 =	sadd.s32 s1, s0  }
0x94: {  	[tilespmem:s7], [sflag:$0x5] =	stream.linear.gather [hbm4b:s0+s4], $0x400, $0x38;
	[tilespmem:$0x13100] =	vst v63  }
0x95: {  	s10 =	simm.s32 $0x4100;
	s9 =	sadd.s32 $0xF4280, s0  }
0x96: {  	[tilespmem:s10], [sflag:$0x5] =	stream.linear.gather [hbm4b:s9+s4], $0x400, $0x38;
	[tilespmem:$0x13100] =	vst v63  }
0x97: {  	s12 =	simm.s32 $0x6100;
	s11 =	sadd.s32 $0x1E8500, s0  }
0x98: {  	[tilespmem:s12], [sflag:$0x5] =	stream.linear.gather [hbm4b:s11+s4], $0x400, $0x38;
	[tilespmem:$0x13100] =	vst v63  }
0x99: {  	s14 =	simm.s32 $0x8100;
	s13 =	sadd.s32 $0x2DC780, s0  }
0x9a: {  	[tilespmem:s14], [sflag:$0x5] =	stream.linear.gather [hbm4b:s13+s4], $0x400, $0x38;
	[tilespmem:$0x13100] =	vst v63  }
0x9b: {  	s18 =	simm.s32 $0xA100;
	s15 =	sadd.s32 $0x3D0A00, s0  }
0x9c: {  	[tilespmem:s18], [sflag:$0x5] =	stream.linear.gather [hbm4b:s15+s4], $0x400, $0x38;
	[tilespmem:$0x13100] =	vst v63  }
0x9d: {  	s29 =	simm.s32 $0xC100;
	s25 =	sadd.s32 $0x4C4C80, s0  }
0x9e: {  	[tilespmem:s29], [sflag:$0x5] =	stream.linear.gather [hbm4b:s25+s4], $0x400, $0x38;
	[tilespmem:$0x13100] =	vst v63  }
0x9f: {  	s31 =	simm.s32 $0xE100;
	s30 =	sadd.s32 $0x5B8F00, s0  }
0xa0: {  	[tilespmem:s31], [sflag:$0x5] =	stream.linear.gather [hbm4b:s30+s4], $0x400, $0x38;
	[tilespmem:$0x13100] =	vst v63  }
0xa1: {  	s5 =	simm.s32 $0x10100;
	s6 =	spop (v2sf);
	s0 =	sadd.s32 $0x6AD180, s0  }
0xa2: {  	[tilespmem:s5], [sflag:$0x5] =	stream.linear.gather [hbm4b:s0+s4], $0x400, $0x38;
	[tilespmem:$0x13100] =	vst v63  }
0xa3: {  	(v2sf) =	vpush v29, $0x6;
	s0 =	sand.u32 $0xFFFFF80, s6  }
0xa4: {  	s7 =	simm.s32 $0x2500;
	s0 =	sadd.s32 s1, s0  }
0xa5: {  	[tilespmem:s7], [sflag:$0x6] =	stream.linear.gather [hbm4b:s0+s4], $0x400, $0x38;
	[tilespmem:$0x13100] =	vst v63  }
0xa6: {  	s10 =	simm.s32 $0x4500;
	s9 =	sadd.s32 $0xF4280, s0  }
0xa7: {  	[tilespmem:s10], [sflag:$0x6] =	stream.linear.gather [hbm4b:s9+s4], $0x400, $0x38;
	[tilespmem:$0x13100] =	vst v63  }
0xa8: {  	s12 =	simm.s32 $0x6500;
	s11 =	sadd.s32 $0x1E8500, s0  }
0xa9: {  	[tilespmem:s12], [sflag:$0x6] =	stream.linear.gather [hbm4b:s11+s4], $0x400, $0x38;
	[tilespmem:$0x13100] =	vst v63  }
0xaa: {  	s14 =	simm.s32 $0x8500;
	s13 =	sadd.s32 $0x2DC780, s0  }
0xab: {  	[tilespmem:s14], [sflag:$0x6] =	stream.linear.gather [hbm4b:s13+s4], $0x400, $0x38;
	[tilespmem:$0x13100] =	vst v63  }
0xac: {  	s18 =	simm.s32 $0xA500;
	s15 =	sadd.s32 $0x3D0A00, s0  }
0xad: {  	[tilespmem:s18], [sflag:$0x6] =	stream.linear.gather [hbm4b:s15+s4], $0x400, $0x38;
	[tilespmem:$0x13100] =	vst v63  }
0xae: {  	s29 =	simm.s32 $0xC500;
	s25 =	sadd.s32 $0x4C4C80, s0  }
0xaf: {  	[tilespmem:s29], [sflag:$0x6] =	stream.linear.gather [hbm4b:s25+s4], $0x400, $0x38;
	[tilespmem:$0x13100] =	vst v63  }
0xb0: {  	s31 =	simm.s32 $0xE500;
	s30 =	sadd.s32 $0x5B8F00, s0  }
0xb1: {  	[tilespmem:s31], [sflag:$0x6] =	stream.linear.gather [hbm4b:s30+s4], $0x400, $0x38;
	[tilespmem:$0x13100] =	vst v63  }
0xb2: {  	s3 =	simm.s32 $0x10500;
	s5 =	spop (v2sf);
	s0 =	sadd.s32 $0x6AD180, s0  }
0xb3: {  	[tilespmem:s3], [sflag:$0x6] =	stream.linear.gather [hbm4b:s0+s4], $0x400, $0x38;
	[tilespmem:$0x13100] =	vst v63  }
0xb4: {  	(v2sf) =	vpush v29, $0x7;
	s0 =	sand.u32 $0xFFFFF80, s5  }
0xb5: {  	s6 =	simm.s32 $0x2900;
	s0 =	sadd.s32 s1, s0  }
0xb6: {  	[tilespmem:s6], [sflag:$0x7] =	stream.linear.gather [hbm4b:s0+s4], $0x400, $0x38;
	[tilespmem:$0x13100] =	vst v63  }
0xb7: {  	s9 =	simm.s32 $0x4900;
	s7 =	sadd.s32 $0xF4280, s0  }
0xb8: {  	[tilespmem:s9], [sflag:$0x7] =	stream.linear.gather [hbm4b:s7+s4], $0x400, $0x38;
	[tilespmem:$0x13100] =	vst v63  }
0xb9: {  	s11 =	simm.s32 $0x6900;
	s10 =	sadd.s32 $0x1E8500, s0  }
0xba: {  	[tilespmem:s11], [sflag:$0x7] =	stream.linear.gather [hbm4b:s10+s4], $0x400, $0x38;
	[tilespmem:$0x13100] =	vst v63  }
0xbb: {  	s13 =	simm.s32 $0x8900;
	s12 =	sadd.s32 $0x2DC780, s0  }
0xbc: {  	[tilespmem:s13], [sflag:$0x7] =	stream.linear.gather [hbm4b:s12+s4], $0x400, $0x38;
	[tilespmem:$0x13100] =	vst v63  }
0xbd: {  	s15 =	simm.s32 $0xA900;
	s14 =	sadd.s32 $0x3D0A00, s0  }
0xbe: {  	[tilespmem:s15], [sflag:$0x7] =	stream.linear.gather [hbm4b:s14+s4], $0x400, $0x38;
	[tilespmem:$0x13100] =	vst v63  }
0xbf: {  	s25 =	simm.s32 $0xC900;
	s18 =	sadd.s32 $0x4C4C80, s0  }
0xc0: {  	[tilespmem:s25], [sflag:$0x7] =	stream.linear.gather [hbm4b:s18+s4], $0x400, $0x38;
	[tilespmem:$0x13100] =	vst v63  }
0xc1: {  	s30 =	simm.s32 $0xE900;
	s29 =	sadd.s32 $0x5B8F00, s0  }
0xc2: {  	[tilespmem:s30], [sflag:$0x7] =	stream.linear.gather [hbm4b:s29+s4], $0x400, $0x38;
	[tilespmem:$0x13100] =	vst v63  }
0xc3: {  	s2 =	spop (v2sf);
	s31 =	simm.s32 $0x10900;
	s0 =	sadd.s32 $0x6AD180, s0  }
0xc4: {  	[tilespmem:s31], [sflag:$0x7] =	stream.linear.gather [hbm4b:s0+s4], $0x400, $0x38;
	[tilespmem:$0x13100] =	vst v63  }
0xc5: {  	s0 =	sand.u32 $0xFFFFF80, s2  }
0xc6: {  	s3 =	simm.s32 $0x2D00;
	s0 =	sadd.s32 s1, s0  }
0xc7: {  	[tilespmem:s3], [sflag:$0x8] =	stream.linear.gather [hbm4b:s0+s4], $0x400, $0x38;
	[tilespmem:$0x13100] =	vst v63  }
0xc8: {  	s6 =	simm.s32 $0x4D00;
	s5 =	sadd.s32 $0xF4280, s0  }
0xc9: {  	[tilespmem:s6], [sflag:$0x8] =	stream.linear.gather [hbm4b:s5+s4], $0x400, $0x38;
	[tilespmem:$0x13100] =	vst v63  }
0xca: {  	s9 =	simm.s32 $0x6D00;
	s7 =	sadd.s32 $0x1E8500, s0  }
0xcb: {  	[tilespmem:s9], [sflag:$0x8] =	stream.linear.gather [hbm4b:s7+s4], $0x400, $0x38;
	[tilespmem:$0x13100] =	vst v63  }
0xcc: {  	s11 =	simm.s32 $0x8D00;
	s10 =	sadd.s32 $0x2DC780, s0  }
0xcd: {  	[tilespmem:s11], [sflag:$0x8] =	stream.linear.gather [hbm4b:s10+s4], $0x400, $0x38;
	[tilespmem:$0x13100] =	vst v63  }
0xce: {  	s13 =	simm.s32 $0xAD00;
	s12 =	sadd.s32 $0x3D0A00, s0  }
0xcf: {  	[tilespmem:s13], [sflag:$0x8] =	stream.linear.gather [hbm4b:s12+s4], $0x400, $0x38;
	[tilespmem:$0x13100] =	vst v63  }
0xd0: {  	s15 =	simm.s32 $0xCD00;
	s14 =	sadd.s32 $0x4C4C80, s0  }
0xd1: {  	[tilespmem:s15], [sflag:$0x8] =	stream.linear.gather [hbm4b:s14+s4], $0x400, $0x38;
	[tilespmem:$0x13100] =	vst v63  }
0xd2: {  	s25 =	simm.s32 $0xED00;
	s18 =	sadd.s32 $0x5B8F00, s0  }
0xd3: {  	[tilespmem:s25], [sflag:$0x8] =	stream.linear.gather [hbm4b:s18+s4], $0x400, $0x38;
	[tilespmem:$0x13100] =	vst v63  }
0xd4: {  	s29 =	simm.s32 $0x10D00;
	s30 =	simm.s32 $0x1080;
	s0 =	sadd.s32 $0x6AD180, s0  }
0xd5: {  	[tilespmem:s29], [sflag:$0x8] =	stream.linear.gather [hbm4b:s0+s4], $0x400, $0x38;
	[tilespmem:$0x13100] =	vst v63  }
0xd6: {  	s31 =	simm.s32 $0x1008;
	v29 =	vld [tilespmem:s30+$0x0]  }
0xd7: {  	v30 =	vld [tilespmem:s31+$0x0];
	_ =	sdelay $0x3  }
0xd8: {  	v31 =	vbroadcast v29, $0x0;
	(v2sf) =	vpush v29, $0x1  }
0xd9: {  	(v2sf) =	vpush v30, $0x0  }
0xda: {  	v32 =	vshll.u32 v31, $0x3;
	(v2sf) =	vpush v30, $0x1  }
0xdb: {  	v31 =	vand.u32 $0x7F, v31;
	v32 =	vand.u32 $0xFFFFFC00, v32;
	(v2sf) =	vpush v29, $0x2  }
0xdc: {  	v31 =	vor.u32 v31, v32;
	(v2sf) =	vpush v30, $0x2  }
0xdd: {  	v32 =	vadd.s32 v5, v31;
	(v2sf) =	vpush v29, $0x3  }
0xde: {  	s2 =	simm.s32 $0x1;
	(v2sf) =	vpush v30, $0x3  }
0xdf: {  	_ =	swait.ge [sflag:s2], $0x2000  }
0xe0: {  	[sflag:s2] =	ssyncset.done $0x0  }
0xe1: {  	s3 =	simm.s32 $0x0;
	[sflag:s2] =	ssyncadd.s32 $0xFFFFE000  }
0xe2: {  	v33 =	vor.u32 s3, v0;
	v32 =	vld.idx.msk [tilespmem:v32+s8+$0x0], $0xffff  }
0xe3: {  	v34 =	vadd.s32 v6, v31;
	_ =	sdelay $0x3  }
0xe4: {  	[tilespmem:v33+s17+$0x0] =	vst.idx.msk $0xffff, v32  }
0xe5: {  	v46 =	vor.u32 s3, v7;
	v32 =	vld.idx.msk [tilespmem:v34+s8+$0x0], $0xffff  }
0xe6: {  	v47 =	vadd.s32 v8, v31  }
0xe7: {  	(v2sf) =	vpush v29, $0x4;
	_ =	sdelay $0x1  }
0xe8: {  	(v2sf) =	vpush v30, $0x4  }
0xe9: {  	[tilespmem:v46+s17+$0x0] =	vst.idx.msk $0xffff, v32  }
0xea: {  	v48 =	vor.u32 s3, v9;
	(v2sf) =	vpush v29, $0x5;
	v32 =	vld.idx.msk [tilespmem:v47+s8+$0x0], $0xffff  }
0xeb: {  	v31 =	vadd.s32 v10, v31  }
0xec: {  	(v2sf) =	vpush v30, $0x5;
	_ =	sdelay $0x1  }
0xed: {  	(v2sf) =	vpush v29, $0x6;
	s2 =	spop (v2sf)  }
0xee: {  	s5 =	spop (v2sf);
	[tilespmem:v48+s17+$0x0] =	vst.idx.msk $0xffff, v32  }
0xef: {  	v49 =	vor.u32 s3, v11;
	s15 =	spop (v2sf);
	v31 =	vld.idx.msk [tilespmem:v31+s8+$0x0], $0xffff  }
0xf0: {  	(v2sf) =	vpush v30, $0x6;
	s14 =	spop (v2sf)  }
0xf1: {  	s13 =	spop (v2sf)  }
0xf2: {  	(v2sf) =	vpush v29, $0x7;
	s12 =	spop (v2sf)  }
0xf3: {  	s6 =	sand.u32 $0xFFFFF80, s5;
	s11 =	spop (v2sf)  }
0xf4: {  	(v2sf) =	vpush v30, $0x7;
	s25 =	sadd.s32 s1, s6;
	s10 =	spop (v2sf);
	[tilespmem:v49+s17+$0x0] =	vst.idx.msk $0xffff, v31  }
0xf5: {  	[tilespmem:s8], [sflag:$0x1] =	stream.linear.gather [hbm4b:s25+s4], $0x400, $0x38;
	[tilespmem:$0x13100] =	vst v63  }
0xf6: {  	s29 =	sadd.s32 $0xF4280, s25;
	s18 =	spop (v2sf)  }
0xf7: {  	[tilespmem:s16], [sflag:$0x1] =	stream.linear.gather [hbm4b:s29+s4], $0x400, $0x38;
	[tilespmem:$0x13100] =	vst v63  }
0xf8: {  	s28 =	simm.s32 $0x9100;
	s30 =	sadd.s32 $0x1E8500, s25;
	s16 =	spop (v2sf)  }
0xf9: {  	[tilespmem:s26], [sflag:$0x1] =	stream.linear.gather [hbm4b:s30+s4], $0x400, $0x38;
	[tilespmem:$0x13100] =	vst v63  }
0xfa: {  	s3 =	simm.s32 $0x7100;
	s0 =	sadd.s32 $0x2DC780, s25;
	s26 =	spop (v2sf)  }
0xfb: {  	[tilespmem:s3], [sflag:$0x1] =	stream.linear.gather [hbm4b:s0+s4], $0x400, $0x38;
	[tilespmem:$0x13100] =	vst v63  }
0xfc: {  	s5 =	simm.s32 $0xB100;
	[dreg:$0x8] =	wrdreg s18;
	s3 =	spop (v2sf)  }
0xfd: {  	s0 =	sadd.s32 $0x80, s2;
	[dreg:$0x7] =	wrdreg s3;
	s3 =	sadd.s32 $0x3D0A00, s25  }
0xfe: {  	[tilespmem:s28], [sflag:$0x1] =	stream.linear.gather [hbm4b:s3+s4], $0x400, $0x38;
	[tilespmem:$0x13100] =	vst v63  }
0xff: {  	s18 =	simm.s32 $0xD100;
	v29 =	vmov s0;
	s2 =	spop (v2sf);
	s3 =	sadd.s32 $0x4C4C80, s25  }
0x100: {  	v30 =	vshll.u32 v29, $0x3;
	[tilespmem:s5], [sflag:$0x1] =	stream.linear.gather [hbm4b:s3+s4], $0x400, $0x38;
	[tilespmem:$0x13100] =	vst v63  }
0x101: {  	s29 =	simm.s32 $0xF100;
	v29 =	vand.u32 $0x7F, v29;
	s28 =	spop (v2sf);
	v30 =	vand.u32 $0xFFFFFC00, v30;
	s5 =	sadd.s32 $0x5B8F00, s25  }
0x102: {  	v29 =	vor.u32 v29, v30;
	[tilespmem:s18], [sflag:$0x1] =	stream.linear.gather [hbm4b:s5+s4], $0x400, $0x38;
	[tilespmem:$0x13100] =	vst v63  }
0x103: {  	s0 =	spop (v2sf);
	s25 =	sadd.s32 $0x6AD180, s25;
	s3 =	simm.s32 $0x2;
	v30 =	vadd.s32 v5, v29  }
0x104: {  	[tilespmem:s29], [sflag:$0x1] =	stream.linear.gather [hbm4b:s25+s4], $0x400, $0x38;
	[tilespmem:$0x13100] =	vst v63  }
0x105: {  	_ =	swait.ge [sflag:s3], $0x2000  }
0x106: {  	[sflag:s3] =	ssyncset.done $0x0  }
0x107: {  	s5 =	simm.s32 $0x80;
	[sflag:s3] =	ssyncadd.s32 $0xFFFFE000  }
0x108: {  	v31 =	vor.u32 s5, v0;
	v30 =	vld.idx.msk [tilespmem:v30+s8+$0x0], $0xffff  }
0x109: {  	v50 =	vadd.s32 v6, v29;
	_ =	sdelay $0x3  }
0x10a: {  	[tilespmem:v31+s17+$0x0] =	vst.idx.msk $0xffff, v30  }
0x10b: {  	v31 =	vor.u32 s5, v7;
	v30 =	vld.idx.msk [tilespmem:v50+s8+$0x0], $0xffff  }
0x10c: {  	v51 =	vadd.s32 v8, v29;
	_ =	sdelay $0x3  }
0x10d: {  	[tilespmem:v31+s17+$0x0] =	vst.idx.msk $0xffff, v30  }
0x10e: {  	v31 =	vor.u32 s5, v9;
	v30 =	vld.idx.msk [tilespmem:v51+s8+$0x0], $0xffff  }
0x10f: {  	v29 =	vadd.s32 v10, v29;
	_ =	sdelay $0x3  }
0x110: {  	[tilespmem:v31+s17+$0x0] =	vst.idx.msk $0xffff, v30  }
0x111: {  	v30 =	vor.u32 s5, v11;
	v29 =	vld.idx.msk [tilespmem:v29+s8+$0x0], $0xffff;
	_ =	sdelay $0x3  }
0x112: {  	s15 =	sand.u32 $0xFFFFF80, s15  }
0x113: {  	s9 =	simm.s32 $0x1500;
	s15 =	sadd.s32 s1, s15;
	[tilespmem:v30+s17+$0x0] =	vst.idx.msk $0xffff, v29  }
0x114: {  	[tilespmem:s9], [sflag:$0x2] =	stream.linear.gather [hbm4b:s15+s4], $0x400, $0x38;
	[tilespmem:$0x13100] =	vst v63  }
0x115: {  	s30 =	simm.s32 $0x3500;
	s29 =	sadd.s32 $0xF4280, s15  }
0x116: {  	[tilespmem:s30], [sflag:$0x2] =	stream.linear.gather [hbm4b:s29+s4], $0x400, $0x38;
	[tilespmem:$0x13100] =	vst v63  }
0x117: {  	s31 =	simm.s32 $0x5500;
	s30 =	sadd.s32 $0x1E8500, s15  }
0x118: {  	[tilespmem:s31], [sflag:$0x2] =	stream.linear.gather [hbm4b:s30+s4], $0x400, $0x38;
	[tilespmem:$0x13100] =	vst v63  }
0x119: {  	s6 =	simm.s32 $0x7500;
	s3 =	sadd.s32 $0x2DC780, s15  }
0x11a: {  	[tilespmem:s6], [sflag:$0x2] =	stream.linear.gather [hbm4b:s3+s4], $0x400, $0x38;
	[tilespmem:$0x13100] =	vst v63  }
0x11b: {  	s7 =	simm.s32 $0x9500;
	s14 =	sadd.s32 $0x100, s14;
	s5 =	sadd.s32 $0x3D0A00, s15  }
0x11c: {  	[tilespmem:s7], [sflag:$0x2] =	stream.linear.gather [hbm4b:s5+s4], $0x400, $0x38;
	[tilespmem:$0x13100] =	vst v63  }
0x11d: {  	v29 =	vmov s14;
	s6 =	sadd.s32 $0x4C4C80, s15;
	s7 =	simm.s32 $0xB500  }
0x11e: {  	v30 =	vshll.u32 v29, $0x3;
	[tilespmem:s7], [sflag:$0x2] =	stream.linear.gather [hbm4b:s6+s4], $0x400, $0x38;
	[tilespmem:$0x13100] =	vst v63  }
0x11f: {  	s18 =	simm.s32 $0xD500;
	v29 =	vand.u32 $0x7F, v29;
	s9 =	sadd.s32 $0x5B8F00, s15;
	v30 =	vand.u32 $0xFFFFFC00, v30  }
0x120: {  	v29 =	vor.u32 v29, v30;
	[tilespmem:s18], [sflag:$0x2] =	stream.linear.gather [hbm4b:s9+s4], $0x400, $0x38;
	[tilespmem:$0x13100] =	vst v63  }
0x121: {  	s25 =	sadd.s32 $0x6AD180, s15;
	s29 =	simm.s32 $0xF500;
	v30 =	vadd.s32 v5, v29  }
0x122: {  	[tilespmem:s29], [sflag:$0x2] =	stream.linear.gather [hbm4b:s25+s4], $0x400, $0x38;
	[tilespmem:$0x13100] =	vst v63  }
0x123: {  	_ =	swait.ge [sflag:s19], $0x2000  }
0x124: {  	[sflag:s19] =	ssyncset.done $0x0  }
0x125: {  	s30 =	simm.s32 $0x100;
	[sflag:s19] =	ssyncadd.s32 $0xFFFFE000  }
0x126: {  	v31 =	vor.u32 s30, v0;
	v30 =	vld.idx.msk [tilespmem:v30+s8+$0x0], $0xffff  }
0x127: {  	v52 =	vadd.s32 v6, v29;
	_ =	sdelay $0x3  }
0x128: {  	[tilespmem:v31+s17+$0x0] =	vst.idx.msk $0xffff, v30  }
0x129: {  	v31 =	vor.u32 s30, v7;
	v30 =	vld.idx.msk [tilespmem:v52+s8+$0x0], $0xffff  }
0x12a: {  	v53 =	vadd.s32 v8, v29;
	_ =	sdelay $0x3  }
0x12b: {  	[tilespmem:v31+s17+$0x0] =	vst.idx.msk $0xffff, v30  }
0x12c: {  	v31 =	vor.u32 s30, v9;
	v30 =	vld.idx.msk [tilespmem:v53+s8+$0x0], $0xffff  }
0x12d: {  	v29 =	vadd.s32 v10, v29;
	_ =	sdelay $0x3  }
0x12e: {  	[tilespmem:v31+s17+$0x0] =	vst.idx.msk $0xffff, v30  }
0x12f: {  	v30 =	vor.u32 s30, v11;
	v29 =	vld.idx.msk [tilespmem:v29+s8+$0x0], $0xffff;
	_ =	sdelay $0x3  }
0x130: {  	s13 =	sand.u32 $0xFFFFF80, s13  }
0x131: {  	s13 =	sadd.s32 s1, s13;
	s31 =	simm.s32 $0x1900;
	[tilespmem:v30+s17+$0x0] =	vst.idx.msk $0xffff, v29  }
0x132: {  	[tilespmem:s31], [sflag:$0x3] =	stream.linear.gather [hbm4b:s13+s4], $0x400, $0x38;
	[tilespmem:$0x13100] =	vst v63  }
0x133: {  	s5 =	sadd.s32 $0xF4280, s13;
	s6 =	simm.s32 $0x3900  }
0x134: {  	[tilespmem:s6], [sflag:$0x3] =	stream.linear.gather [hbm4b:s5+s4], $0x400, $0x38;
	[tilespmem:$0x13100] =	vst v63  }
0x135: {  	s7 =	sadd.s32 $0x1E8500, s13;
	s9 =	simm.s32 $0x5900  }
0x136: {  	[tilespmem:s9], [sflag:$0x3] =	stream.linear.gather [hbm4b:s7+s4], $0x400, $0x38;
	[tilespmem:$0x13100] =	vst v63  }
0x137: {  	s15 =	sadd.s32 $0x2DC780, s13;
	s18 =	simm.s32 $0x7900  }
0x138: {  	[tilespmem:s18], [sflag:$0x3] =	stream.linear.gather [hbm4b:s15+s4], $0x400, $0x38;
	[tilespmem:$0x13100] =	vst v63  }
0x139: {  	s12 =	sadd.s32 $0x180, s12;
	s25 =	sadd.s32 $0x3D0A00, s13;
	s29 =	simm.s32 $0x9900  }
0x13a: {  	[tilespmem:s29], [sflag:$0x3] =	stream.linear.gather [hbm4b:s25+s4], $0x400, $0x38;
	[tilespmem:$0x13100] =	vst v63  }
0x13b: {  	s30 =	sadd.s32 $0x4C4C80, s13;
	v29 =	vmov s12;
	s31 =	simm.s32 $0xB900  }
0x13c: {  	v30 =	vshll.u32 v29, $0x3;
	[tilespmem:s31], [sflag:$0x3] =	stream.linear.gather [hbm4b:s30+s4], $0x400, $0x38;
	[tilespmem:$0x13100] =	vst v63  }
0x13d: {  	s3 =	sadd.s32 $0x5B8F00, s13;
	v29 =	vand.u32 $0x7F, v29;
	v30 =	vand.u32 $0xFFFFFC00, v30;
	s5 =	simm.s32 $0xD900  }
0x13e: {  	v29 =	vor.u32 v29, v30;
	[tilespmem:s5], [sflag:$0x3] =	stream.linear.gather [hbm4b:s3+s4], $0x400, $0x38;
	[tilespmem:$0x13100] =	vst v63  }
0x13f: {  	s6 =	sadd.s32 $0x6AD180, s13;
	v30 =	vadd.s32 v5, v29;
	s7 =	simm.s32 $0xF900  }
0x140: {  	[tilespmem:s7], [sflag:$0x3] =	stream.linear.gather [hbm4b:s6+s4], $0x400, $0x38;
	[tilespmem:$0x13100] =	vst v63  }
0x141: {  	_ =	swait.ge [sflag:s20], $0x2000  }
0x142: {  	[sflag:s20] =	ssyncset.done $0x0  }
0x143: {  	s9 =	simm.s32 $0x180;
	[sflag:s20] =	ssyncadd.s32 $0xFFFFE000  }
0x144: {  	v31 =	vor.u32 s9, v0;
	v30 =	vld.idx.msk [tilespmem:v30+s8+$0x0], $0xffff  }
0x145: {  	v54 =	vadd.s32 v6, v29;
	_ =	sdelay $0x3  }
0x146: {  	[tilespmem:v31+s17+$0x0] =	vst.idx.msk $0xffff, v30  }
0x147: {  	v31 =	vor.u32 s9, v7;
	v30 =	vld.idx.msk [tilespmem:v54+s8+$0x0], $0xffff  }
0x148: {  	v55 =	vadd.s32 v8, v29;
	_ =	sdelay $0x3  }
0x149: {  	[tilespmem:v31+s17+$0x0] =	vst.idx.msk $0xffff, v30  }
0x14a: {  	v31 =	vor.u32 s9, v9;
	v30 =	vld.idx.msk [tilespmem:v55+s8+$0x0], $0xffff  }
0x14b: {  	v29 =	vadd.s32 v10, v29;
	_ =	sdelay $0x3  }
0x14c: {  	[tilespmem:v31+s17+$0x0] =	vst.idx.msk $0xffff, v30  }
0x14d: {  	v30 =	vor.u32 s9, v11;
	v29 =	vld.idx.msk [tilespmem:v29+s8+$0x0], $0xffff;
	_ =	sdelay $0x3  }
0x14e: {  	s11 =	sand.u32 $0xFFFFF80, s11  }
0x14f: {  	s11 =	sadd.s32 s1, s11;
	s12 =	simm.s32 $0x1D00;
	[tilespmem:v30+s17+$0x0] =	vst.idx.msk $0xffff, v29  }
0x150: {  	[tilespmem:s12], [sflag:$0x4] =	stream.linear.gather [hbm4b:s11+s4], $0x400, $0x38;
	[tilespmem:$0x13100] =	vst v63  }
0x151: {  	s14 =	simm.s32 $0x3D00;
	s13 =	sadd.s32 $0xF4280, s11  }
0x152: {  	[tilespmem:s14], [sflag:$0x4] =	stream.linear.gather [hbm4b:s13+s4], $0x400, $0x38;
	[tilespmem:$0x13100] =	vst v63  }
0x153: {  	s15 =	sadd.s32 $0x1E8500, s11;
	s18 =	simm.s32 $0x5D00  }
0x154: {  	[tilespmem:s18], [sflag:$0x4] =	stream.linear.gather [hbm4b:s15+s4], $0x400, $0x38;
	[tilespmem:$0x13100] =	vst v63  }
0x155: {  	s25 =	sadd.s32 $0x2DC780, s11;
	s29 =	simm.s32 $0x7D00  }
0x156: {  	[tilespmem:s29], [sflag:$0x4] =	stream.linear.gather [hbm4b:s25+s4], $0x400, $0x38;
	[tilespmem:$0x13100] =	vst v63  }
0x157: {  	s10 =	sadd.s32 $0x200, s10;
	s30 =	sadd.s32 $0x3D0A00, s11;
	s31 =	simm.s32 $0x9D00  }
0x158: {  	[tilespmem:s31], [sflag:$0x4] =	stream.linear.gather [hbm4b:s30+s4], $0x400, $0x38;
	[tilespmem:$0x13100] =	vst v63  }
0x159: {  	s5 =	sadd.s32 $0x4C4C80, s11;
	s6 =	simm.s32 $0xBD00;
	v29 =	vmov s10  }
0x15a: {  	v30 =	vshll.u32 v29, $0x3;
	[tilespmem:s6], [sflag:$0x4] =	stream.linear.gather [hbm4b:s5+s4], $0x400, $0x38;
	[tilespmem:$0x13100] =	vst v63  }
0x15b: {  	s7 =	sadd.s32 $0x5B8F00, s11;
	s9 =	simm.s32 $0xDD00;
	v29 =	vand.u32 $0x7F, v29;
	v30 =	vand.u32 $0xFFFFFC00, v30  }
0x15c: {  	v29 =	vor.u32 v29, v30;
	[tilespmem:s9], [sflag:$0x4] =	stream.linear.gather [hbm4b:s7+s4], $0x400, $0x38;
	[tilespmem:$0x13100] =	vst v63  }
0x15d: {  	s11 =	sadd.s32 $0x6AD180, s11;
	s12 =	simm.s32 $0xFD00;
	v30 =	vadd.s32 v5, v29  }
0x15e: {  	[tilespmem:s12], [sflag:$0x4] =	stream.linear.gather [hbm4b:s11+s4], $0x400, $0x38;
	[tilespmem:$0x13100] =	vst v63  }
0x15f: {  	_ =	swait.ge [sflag:s21], $0x2000  }
0x160: {  	[sflag:s21] =	ssyncset.done $0x0  }
0x161: {  	s13 =	simm.s32 $0x200;
	[sflag:s21] =	ssyncadd.s32 $0xFFFFE000  }
0x162: {  	v31 =	vor.u32 s13, v0;
	v30 =	vld.idx.msk [tilespmem:v30+s8+$0x0], $0xffff  }
0x163: {  	v56 =	vadd.s32 v6, v29;
	_ =	sdelay $0x3  }
0x164: {  	[tilespmem:v31+s17+$0x0] =	vst.idx.msk $0xffff, v30  }
0x165: {  	v31 =	vor.u32 s13, v7;
	v30 =	vld.idx.msk [tilespmem:v56+s8+$0x0], $0xffff  }
0x166: {  	v57 =	vadd.s32 v8, v29;
	_ =	sdelay $0x3  }
0x167: {  	[tilespmem:v31+s17+$0x0] =	vst.idx.msk $0xffff, v30  }
0x168: {  	v31 =	vor.u32 s13, v9;
	v30 =	vld.idx.msk [tilespmem:v57+s8+$0x0], $0xffff  }
0x169: {  	v29 =	vadd.s32 v10, v29;
	_ =	sdelay $0x3  }
0x16a: {  	[tilespmem:v31+s17+$0x0] =	vst.idx.msk $0xffff, v30  }
0x16b: {  	v30 =	vor.u32 s13, v11;
	v29 =	vld.idx.msk [tilespmem:v29+s8+$0x0], $0xffff;
	_ =	sdelay $0x2  }
0x16c: {  	s14 =	rddreg [dreg:$0x8]  }
0x16d: {  	s15 =	sand.u32 $0xFFFFF80, s14  }
0x16e: {  	s18 =	simm.s32 $0x2100;
	s9 =	sadd.s32 s1, s15;
	[tilespmem:v30+s17+$0x0] =	vst.idx.msk $0xffff, v29  }
0x16f: {  	[tilespmem:s18], [sflag:$0x5] =	stream.linear.gather [hbm4b:s9+s4], $0x400, $0x38;
	[tilespmem:$0x13100] =	vst v63  }
0x170: {  	s29 =	simm.s32 $0x4100;
	s25 =	sadd.s32 $0xF4280, s9  }
0x171: {  	[tilespmem:s29], [sflag:$0x5] =	stream.linear.gather [hbm4b:s25+s4], $0x400, $0x38;
	[tilespmem:$0x13100] =	vst v63  }
0x172: {  	s31 =	simm.s32 $0x6100;
	s30 =	sadd.s32 $0x1E8500, s9  }
0x173: {  	[tilespmem:s31], [sflag:$0x5] =	stream.linear.gather [hbm4b:s30+s4], $0x400, $0x38;
	[tilespmem:$0x13100] =	vst v63  }
0x174: {  	s6 =	simm.s32 $0x8100;
	s5 =	sadd.s32 $0x2DC780, s9  }
0x175: {  	[tilespmem:s6], [sflag:$0x5] =	stream.linear.gather [hbm4b:s5+s4], $0x400, $0x38;
	[tilespmem:$0x13100] =	vst v63  }
0x176: {  	s11 =	simm.s32 $0xA100;
	s12 =	sadd.s32 $0x280, s16;
	s7 =	sadd.s32 $0x3D0A00, s9  }
0x177: {  	[tilespmem:s11], [sflag:$0x5] =	stream.linear.gather [hbm4b:s7+s4], $0x400, $0x38;
	[tilespmem:$0x13100] =	vst v63  }
0x178: {  	s14 =	simm.s32 $0xC100;
	s13 =	sadd.s32 $0x4C4C80, s9;
	v29 =	vmov s12  }
0x179: {  	v30 =	vshll.u32 v29, $0x3;
	[tilespmem:s14], [sflag:$0x5] =	stream.linear.gather [hbm4b:s13+s4], $0x400, $0x38;
	[tilespmem:$0x13100] =	vst v63  }
0x17a: {  	s16 =	simm.s32 $0xE100;
	s15 =	sadd.s32 $0x5B8F00, s9;
	v29 =	vand.u32 $0x7F, v29;
	v30 =	vand.u32 $0xFFFFFC00, v30  }
0x17b: {  	v29 =	vor.u32 v29, v30;
	[tilespmem:s16], [sflag:$0x5] =	stream.linear.gather [hbm4b:s15+s4], $0x400, $0x38;
	[tilespmem:$0x13100] =	vst v63  }
0x17c: {  	s18 =	sadd.s32 $0x6AD180, s9;
	s25 =	simm.s32 $0x10100;
	v30 =	vadd.s32 v5, v29  }
0x17d: {  	[tilespmem:s25], [sflag:$0x5] =	stream.linear.gather [hbm4b:s18+s4], $0x400, $0x38;
	[tilespmem:$0x13100] =	vst v63  }
0x17e: {  	_ =	swait.ge [sflag:s22], $0x2000  }
0x17f: {  	[sflag:s22] =	ssyncset.done $0x0  }
0x180: {  	s29 =	simm.s32 $0x280;
	[sflag:s22] =	ssyncadd.s32 $0xFFFFE000  }
0x181: {  	v31 =	vor.u32 s29, v0;
	v30 =	vld.idx.msk [tilespmem:v30+s8+$0x0], $0xffff  }
0x182: {  	v58 =	vadd.s32 v6, v29;
	_ =	sdelay $0x3  }
0x183: {  	[tilespmem:v31+s17+$0x0] =	vst.idx.msk $0xffff, v30  }
0x184: {  	v31 =	vor.u32 s29, v7;
	v30 =	vld.idx.msk [tilespmem:v58+s8+$0x0], $0xffff  }
0x185: {  	v59 =	vadd.s32 v8, v29;
	_ =	sdelay $0x3  }
0x186: {  	[tilespmem:v31+s17+$0x0] =	vst.idx.msk $0xffff, v30  }
0x187: {  	v31 =	vor.u32 s29, v9;
	v30 =	vld.idx.msk [tilespmem:v59+s8+$0x0], $0xffff  }
0x188: {  	v29 =	vadd.s32 v10, v29;
	_ =	sdelay $0x3  }
0x189: {  	[tilespmem:v31+s17+$0x0] =	vst.idx.msk $0xffff, v30  }
0x18a: {  	v30 =	vor.u32 s29, v11;
	v29 =	vld.idx.msk [tilespmem:v29+s8+$0x0], $0xffff;
	_ =	sdelay $0x3  }
0x18b: {  	s30 =	sand.u32 $0xFFFFF80, s26  }
0x18c: {  	s31 =	simm.s32 $0x2500;
	s6 =	sadd.s32 s1, s30;
	[tilespmem:v30+s17+$0x0] =	vst.idx.msk $0xffff, v29  }
0x18d: {  	[tilespmem:s31], [sflag:$0x6] =	stream.linear.gather [hbm4b:s6+s4], $0x400, $0x38;
	[tilespmem:$0x13100] =	vst v63  }
0x18e: {  	s5 =	simm.s32 $0x4500;
	s3 =	sadd.s32 $0xF4280, s6  }
0x18f: {  	[tilespmem:s5], [sflag:$0x6] =	stream.linear.gather [hbm4b:s3+s4], $0x400, $0x38;
	[tilespmem:$0x13100] =	vst v63  }
0x190: {  	s10 =	simm.s32 $0x6500;
	s9 =	sadd.s32 $0x1E8500, s6  }
0x191: {  	[tilespmem:s10], [sflag:$0x6] =	stream.linear.gather [hbm4b:s9+s4], $0x400, $0x38;
	[tilespmem:$0x13100] =	vst v63  }
0x192: {  	s12 =	simm.s32 $0x8500;
	s11 =	sadd.s32 $0x2DC780, s6;
	s15 =	rddreg [dreg:$0x7]  }
0x193: {  	[tilespmem:s12], [sflag:$0x6] =	stream.linear.gather [hbm4b:s11+s4], $0x400, $0x38;
	[tilespmem:$0x13100] =	vst v63  }
0x194: {  	s13 =	sadd.s32 $0x3D0A00, s6;
	s14 =	simm.s32 $0xA500;
	s16 =	sadd.s32 $0x300, s15  }
0x195: {  	[tilespmem:s14], [sflag:$0x6] =	stream.linear.gather [hbm4b:s13+s4], $0x400, $0x38;
	[tilespmem:$0x13100] =	vst v63  }
0x196: {  	s18 =	sadd.s32 $0x4C4C80, s6;
	s25 =	simm.s32 $0xC500;
	v29 =	vmov s16  }
0x197: {  	v30 =	vshll.u32 v29, $0x3;
	[tilespmem:s25], [sflag:$0x6] =	stream.linear.gather [hbm4b:s18+s4], $0x400, $0x38;
	[tilespmem:$0x13100] =	vst v63  }
0x198: {  	s26 =	sadd.s32 $0x5B8F00, s6;
	s29 =	simm.s32 $0xE500;
	v29 =	vand.u32 $0x7F, v29;
	v30 =	vand.u32 $0xFFFFFC00, v30  }
0x199: {  	v29 =	vor.u32 v29, v30;
	[tilespmem:s29], [sflag:$0x6] =	stream.linear.gather [hbm4b:s26+s4], $0x400, $0x38;
	[tilespmem:$0x13100] =	vst v63  }
0x19a: {  	s30 =	sadd.s32 $0x6AD180, s6;
	s31 =	simm.s32 $0x10500;
	v30 =	vadd.s32 v5, v29  }
0x19b: {  	[tilespmem:s31], [sflag:$0x6] =	stream.linear.gather [hbm4b:s30+s4], $0x400, $0x38;
	[tilespmem:$0x13100] =	vst v63  }
0x19c: {  	_ =	swait.ge [sflag:s23], $0x2000  }
0x19d: {  	[sflag:s23] =	ssyncset.done $0x0  }
0x19e: {  	s6 =	simm.s32 $0x300;
	[sflag:s23] =	ssyncadd.s32 $0xFFFFE000  }
0x19f: {  	v31 =	vor.u32 s6, v0;
	v30 =	vld.idx.msk [tilespmem:v30+s8+$0x0], $0xffff  }
0x1a0: {  	v60 =	vadd.s32 v6, v29;
	_ =	sdelay $0x3  }
0x1a1: {  	[tilespmem:v31+s17+$0x0] =	vst.idx.msk $0xffff, v30  }
0x1a2: {  	v31 =	vor.u32 s6, v7;
	v30 =	vld.idx.msk [tilespmem:v60+s8+$0x0], $0xffff  }
0x1a3: {  	v61 =	vadd.s32 v8, v29;
	_ =	sdelay $0x3  }
0x1a4: {  	[tilespmem:v31+s17+$0x0] =	vst.idx.msk $0xffff, v30  }
0x1a5: {  	v31 =	vor.u32 s6, v9;
	v30 =	vld.idx.msk [tilespmem:v61+s8+$0x0], $0xffff  }
0x1a6: {  	v29 =	vadd.s32 v10, v29;
	_ =	sdelay $0x3  }
0x1a7: {  	[tilespmem:v31+s17+$0x0] =	vst.idx.msk $0xffff, v30  }
0x1a8: {  	v30 =	vor.u32 s6, v11;
	v29 =	vld.idx.msk [tilespmem:v29+s8+$0x0], $0xffff;
	_ =	sdelay $0x3  }
0x1a9: {  	s7 =	sand.u32 $0xFFFFF80, s2  }
0x1aa: {  	s3 =	sadd.s32 s1, s7;
	s9 =	simm.s32 $0x2900;
	[tilespmem:v30+s17+$0x0] =	vst.idx.msk $0xffff, v29  }
0x1ab: {  	[tilespmem:s9], [sflag:$0x7] =	stream.linear.gather [hbm4b:s3+s4], $0x400, $0x38;
	[tilespmem:$0x13100] =	vst v63  }
0x1ac: {  	s10 =	sadd.s32 $0xF4280, s3;
	s11 =	simm.s32 $0x4900  }
0x1ad: {  	[tilespmem:s11], [sflag:$0x7] =	stream.linear.gather [hbm4b:s10+s4], $0x400, $0x38;
	[tilespmem:$0x13100] =	vst v63  }
0x1ae: {  	s12 =	sadd.s32 $0x1E8500, s3;
	s13 =	simm.s32 $0x6900  }
0x1af: {  	[tilespmem:s13], [sflag:$0x7] =	stream.linear.gather [hbm4b:s12+s4], $0x400, $0x38;
	[tilespmem:$0x13100] =	vst v63  }
0x1b0: {  	s15 =	simm.s32 $0x8900;
	s14 =	sadd.s32 $0x2DC780, s3  }
0x1b1: {  	[tilespmem:s15], [sflag:$0x7] =	stream.linear.gather [hbm4b:s14+s4], $0x400, $0x38;
	[tilespmem:$0x13100] =	vst v63  }
0x1b2: {  	s16 =	sadd.s32 $0x380, s28;
	s18 =	sadd.s32 $0x3D0A00, s3;
	s25 =	simm.s32 $0xA900  }
0x1b3: {  	[tilespmem:s25], [sflag:$0x7] =	stream.linear.gather [hbm4b:s18+s4], $0x400, $0x38;
	[tilespmem:$0x13100] =	vst v63  }
0x1b4: {  	s26 =	sadd.s32 $0x4C4C80, s3;
	s29 =	simm.s32 $0xC900;
	v29 =	vmov s16  }
0x1b5: {  	v30 =	vshll.u32 v29, $0x3;
	[tilespmem:s29], [sflag:$0x7] =	stream.linear.gather [hbm4b:s26+s4], $0x400, $0x38;
	[tilespmem:$0x13100] =	vst v63  }
0x1b6: {  	s30 =	sadd.s32 $0x5B8F00, s3;
	s31 =	simm.s32 $0xE900;
	v29 =	vand.u32 $0x7F, v29;
	v30 =	vand.u32 $0xFFFFFC00, v30  }
0x1b7: {  	v29 =	vor.u32 v29, v30;
	[tilespmem:s31], [sflag:$0x7] =	stream.linear.gather [hbm4b:s30+s4], $0x400, $0x38;
	[tilespmem:$0x13100] =	vst v63  }
0x1b8: {  	s7 =	simm.s32 $0x10900;
	s6 =	sadd.s32 $0x6AD180, s3;
	v30 =	vadd.s32 v5, v29  }
0x1b9: {  	[tilespmem:s7], [sflag:$0x7] =	stream.linear.gather [hbm4b:s6+s4], $0x400, $0x38;
	[tilespmem:$0x13100] =	vst v63  }
0x1ba: {  	_ =	swait.ge [sflag:s24], $0x2000  }
0x1bb: {  	[sflag:s24] =	ssyncset.done $0x0  }
0x1bc: {  	s9 =	simm.s32 $0x380;
	[sflag:s24] =	ssyncadd.s32 $0xFFFFE000  }
0x1bd: {  	v31 =	vor.u32 s9, v0;
	v30 =	vld.idx.msk [tilespmem:v30+s8+$0x0], $0xffff  }
0x1be: {  	v62 =	vadd.s32 v6, v29;
	_ =	sdelay $0x3  }
0x1bf: {  	[tilespmem:v31+s17+$0x0] =	vst.idx.msk $0xffff, v30  }
0x1c0: {  	v31 =	vor.u32 s9, v7;
	v30 =	vld.idx.msk [tilespmem:v62+s8+$0x0], $0xffff  }
0x1c1: {  	v63 =	vadd.s32 v8, v29;
	_ =	sdelay $0x3  }
0x1c2: {  	[tilespmem:v31+s17+$0x0] =	vst.idx.msk $0xffff, v30  }
0x1c3: {  	v31 =	vor.u32 s9, v9;
	v30 =	vld.idx.msk [tilespmem:v63+s8+$0x0], $0xffff  }
0x1c4: {  	v29 =	vadd.s32 v10, v29;
	_ =	sdelay $0x3  }
0x1c5: {  	[tilespmem:v31+s17+$0x0] =	vst.idx.msk $0xffff, v30  }
0x1c6: {  	v30 =	vor.u32 s9, v11;
	v29 =	vld.idx.msk [tilespmem:v29+s8+$0x0], $0xffff;
	_ =	sdelay $0x3  }
0x1c7: {  	s0 =	sand.u32 $0xFFFFF80, s0  }
0x1c8: {  	s0 =	sadd.s32 s1, s0;
	s10 =	simm.s32 $0x2D00;
	[tilespmem:v30+s17+$0x0] =	vst.idx.msk $0xffff, v29  }
0x1c9: {  	[tilespmem:s10], [sflag:$0x8] =	stream.linear.gather [hbm4b:s0+s4], $0x400, $0x38;
	[tilespmem:$0x13100] =	vst v63  }
0x1ca: {  	s11 =	sadd.s32 $0xF4280, s0;
	s12 =	simm.s32 $0x4D00  }
0x1cb: {  	[tilespmem:s12], [sflag:$0x8] =	stream.linear.gather [hbm4b:s11+s4], $0x400, $0x38;
	[tilespmem:$0x13100] =	vst v63  }
0x1cc: {  	s16 =	simm.s32 $0x8D00;
	s13 =	sadd.s32 $0x1E8500, s0;
	s14 =	simm.s32 $0x6D00  }
0x1cd: {  	[tilespmem:s14], [sflag:$0x8] =	stream.linear.gather [hbm4b:s13+s4], $0x400, $0x38;
	[tilespmem:$0x13100] =	vst v63  }
0x1ce: {  	s15 =	sadd.s32 $0x2DC780, s0;
	s18 =	sadd.s32 $0x3D0A00, s0  }
0x1cf: {  	[tilespmem:s16], [sflag:$0x8] =	stream.linear.gather [hbm4b:s15+s4], $0x400, $0x38;
	[tilespmem:$0x13100] =	vst v63  }
0x1d0: {  	s28 =	simm.s32 $0x1088;
	s25 =	simm.s32 $0xAD00;
	s26 =	sadd.s32 $0x4C4C80, s0  }
0x1d1: {  	[tilespmem:s25], [sflag:$0x8] =	stream.linear.gather [hbm4b:s18+s4], $0x400, $0x38;
	[tilespmem:$0x13100] =	vst v63  }
0x1d2: {  	s29 =	simm.s32 $0xCD00;
	s30 =	sadd.s32 $0x5B8F00, s0;
	s31 =	simm.s32 $0xED00  }
0x1d3: {  	[tilespmem:s29], [sflag:$0x8] =	stream.linear.gather [hbm4b:s26+s4], $0x400, $0x38;
	[tilespmem:$0x13100] =	vst v63  }
0x1d4: {  	s0 =	sadd.s32 $0x6AD180, s0;
	s25 =	simm.s32 $0xF;
	s26 =	simm.s32 $0x1010  }
0x1d5: {  	[tilespmem:s31], [sflag:$0x8] =	stream.linear.gather [hbm4b:s30+s4], $0x400, $0x38;
	[tilespmem:$0x13100] =	vst v63  }
.LBB2_2:
0x1d6: {  	s2 =	simm.s32 $0x10D00  }
0x1d7: {  	[tilespmem:s2], [sflag:$0x8] =	stream.linear.gather [hbm4b:s0+s4], $0x400, $0x38;
	[tilespmem:$0x13100] =	vst v63  }
0x1d8: {  	p0 =	sne.s32 s25, $0x37;
	s0 =	smov.u32 s25;
	s25 =	sadd.s32 $0x8, s25;
	v29 =	vld [tilespmem:s28+$0x0]  }
0x1d9: {  	v30 =	vld [tilespmem:s26+$0x0];
	_ =	sdelay $0x3  }
0x1da: {  	v31 =	vbroadcast v29, $0x0;
	(v2sf) =	vpush v29, $0x1  }
0x1db: {  	(v2sf) =	vpush v30, $0x0  }
0x1dc: {  	v32 =	vshll.u32 v31, $0x3;
	(v2sf) =	vpush v30, $0x1  }
0x1dd: {  	v31 =	vand.u32 $0x7F, v31;
	v32 =	vand.u32 $0xFFFFFC00, v32;
	(v2sf) =	vpush v29, $0x2  }
0x1de: {  	v31 =	vor.u32 v31, v32;
	(v2sf) =	vpush v30, $0x2  }
0x1df: {  	v32 =	vadd.s32 v5, v31;
	(v2sf) =	vpush v29, $0x3  }
0x1e0: {  	s2 =	simm.s32 $0x1;
	(v2sf) =	vpush v30, $0x3  }
0x1e1: {  	_ =	swait.ge [sflag:s2], $0x2000  }
0x1e2: {  	(v2sf) =	vpush v29, $0x4  }
0x1e3: {  	[sflag:s2] =	ssyncset.done $0x0;
	(v2sf) =	vpush v30, $0x4  }
0x1e4: {  	s29 =	sshll.u32 s0, $0x7;
	[sflag:s2] =	ssyncadd.s32 $0xFFFFE000;
	(v2sf) =	vpush v29, $0x5  }
0x1e5: {  	s14 =	sadd.s32 $0xFFFFFC80, s29;
	s12 =	sadd.s32 $0xFFFFFD00, s29;
	s10 =	sadd.s32 $0xFFFFFD80, s29;
	v32 =	vld.idx.msk [tilespmem:v32+s8+$0x0], $0xffff;
	(v2sf) =	vpush v30, $0x5  }
0x1e6: {  	s7 =	sadd.s32 $0xFFFFFE00, s29;
	s5 =	sadd.s32 $0xFFFFFE80, s29;
	s0 =	sadd.s32 $0xFFFFFF00, s29;
	v33 =	vor.u32 s14, v0;
	(v2sf) =	vpush v29, $0x6  }
0x1e7: {  	s30 =	sadd.s32 $0xFFFFFF80, s29;
	v34 =	vadd.s32 v6, v31;
	(v2sf) =	vpush v30, $0x6  }
0x1e8: {  	(v2sf) =	vpush v29, $0x7  }
0x1e9: {  	(v2sf) =	vpush v30, $0x7  }
0x1ea: {  	s2 =	spop (v2sf)  }
0x1eb: {  	[tilespmem:v33+s17+$0x0] =	vst.idx.msk $0xffff, v32;
	s2 =	sadd.s32 $0x80, s2;
	s3 =	spop (v2sf)  }
0x1ec: {  	v29 =	vld.idx.msk [tilespmem:v34+s8+$0x0], $0xffff;
	s15 =	sand.u32 $0xFFFFF80, s3;
	v30 =	vmov s2;
	s2 =	spop (v2sf)  }
0x1ed: {  	v32 =	vor.u32 s14, v7;
	v33 =	vshll.u32 v30, $0x3;
	s13 =	sand.u32 $0xFFFFF80, s2;
	s2 =	spop (v2sf)  }
0x1ee: {  	v36 =	vadd.s32 v8, v31;
	v30 =	vand.u32 $0x7F, v30;
	v33 =	vand.u32 $0xFFFFFC00, v33;
	s2 =	sadd.s32 $0x100, s2;
	s3 =	spop (v2sf)  }
0x1ef: {  	v35 =	vor.u32 v30, v33;
	v30 =	vmov s2;
	s11 =	sand.u32 $0xFFFFF80, s3;
	s2 =	spop (v2sf)  }
0x1f0: {  	v33 =	vshll.u32 v30, $0x3;
	s2 =	sadd.s32 $0x180, s2;
	s3 =	spop (v2sf)  }
0x1f1: {  	v30 =	vand.u32 $0x7F, v30;
	v33 =	vand.u32 $0xFFFFFC00, v33;
	v37 =	vmov s2;
	s9 =	sand.u32 $0xFFFFF80, s3;
	s2 =	spop (v2sf)  }
0x1f2: {  	[tilespmem:v32+s17+$0x0] =	vst.idx.msk $0xffff, v29;
	v34 =	vor.u32 v30, v33;
	v29 =	vshll.u32 v37, $0x3;
	s2 =	sadd.s32 $0x200, s2;
	s3 =	spop (v2sf)  }
0x1f3: {  	v32 =	vand.u32 $0x7F, v37;
	v30 =	vld.idx.msk [tilespmem:v36+s8+$0x0], $0xffff;
	v29 =	vand.u32 $0xFFFFFC00, v29;
	v36 =	vmov s2;
	s6 =	sand.u32 $0xFFFFF80, s3;
	s2 =	spop (v2sf)  }
0x1f4: {  	v37 =	vor.u32 s14, v9;
	v33 =	vor.u32 v32, v29;
	v29 =	vshll.u32 v36, $0x3;
	s3 =	sadd.s32 $0x280, s2;
	s2 =	spop (v2sf)  }
0x1f5: {  	v38 =	vadd.s32 v10, v31;
	v31 =	vand.u32 $0x7F, v36;
	v29 =	vand.u32 $0xFFFFFC00, v29;
	s2 =	sand.u32 $0xFFFFF80, s2;
	s31 =	spop (v2sf)  }
0x1f6: {  	v32 =	vor.u32 v31, v29;
	v29 =	vmov s3;
	s3 =	sadd.s32 $0x300, s31;
	s31 =	spop (v2sf)  }
0x1f7: {  	v31 =	vshll.u32 v29, $0x3;
	v36 =	vmov s3;
	s3 =	sand.u32 $0xFFFFF80, s31;
	s31 =	spop (v2sf)  }
0x1f8: {  	v29 =	vand.u32 $0x7F, v29;
	v31 =	vand.u32 $0xFFFFFC00, v31;
	v39 =	vshll.u32 v36, $0x3;
	s16 =	sadd.s32 $0x380, s31;
	s31 =	spop (v2sf)  }
0x1f9: {  	[tilespmem:v37+s17+$0x0] =	vst.idx.msk $0xffff, v30;
	v31 =	vor.u32 v29, v31;
	v29 =	vand.u32 $0x7F, v36;
	v30 =	vand.u32 $0xFFFFFC00, v39;
	s31 =	sand.u32 $0xFFFFF80, s31  }
0x1fa: {  	v36 =	vld.idx.msk [tilespmem:v38+s8+$0x0], $0xffff;
	v30 =	vor.u32 v29, v30;
	v29 =	vmov s16;
	s16 =	simm.s32 $0x3100  }
0x1fb: {  	v37 =	vor.u32 s14, v11;
	v38 =	vshll.u32 v29, $0x3  }
0x1fc: {  	v29 =	vand.u32 $0x7F, v29;
	v38 =	vand.u32 $0xFFFFFC00, v38  }
0x1fd: {  	v29 =	vor.u32 v29, v38;
	_ =	sdelay $0x2  }
0x1fe: {  	s14 =	sadd.s32 s1, s15;
	[tilespmem:v37+s17+$0x0] =	vst.idx.msk $0xffff, v36  }
0x1ff: {  	[tilespmem:s8], [sflag:$0x1] =	stream.linear.gather [hbm4b:s14+s4], $0x400, $0x38;
	[tilespmem:$0x13100] =	vst v63  }
0x200: {  	s15 =	sadd.s32 $0xF4280, s14  }
0x201: {  	[tilespmem:s16], [sflag:$0x1] =	stream.linear.gather [hbm4b:s15+s4], $0x400, $0x38;
	[tilespmem:$0x13100] =	vst v63  }
0x202: {  	s18 =	simm.s32 $0x5100;
	s15 =	sadd.s32 $0x1E8500, s14  }
0x203: {  	[tilespmem:s18], [sflag:$0x1] =	stream.linear.gather [hbm4b:s15+s4], $0x400, $0x38;
	[tilespmem:$0x13100] =	vst v63  }
0x204: {  	s15 =	sadd.s32 $0x2DC780, s14;
	s18 =	simm.s32 $0x7100  }
0x205: {  	[tilespmem:s18], [sflag:$0x1] =	stream.linear.gather [hbm4b:s15+s4], $0x400, $0x38;
	[tilespmem:$0x13100] =	vst v63  }
0x206: {  	s15 =	sadd.s32 $0x3D0A00, s14;
	s18 =	simm.s32 $0x9100  }
0x207: {  	[tilespmem:s18], [sflag:$0x1] =	stream.linear.gather [hbm4b:s15+s4], $0x400, $0x38;
	[tilespmem:$0x13100] =	vst v63  }
0x208: {  	s15 =	sadd.s32 $0x4C4C80, s14;
	s18 =	simm.s32 $0xB100  }
0x209: {  	[tilespmem:s18], [sflag:$0x1] =	stream.linear.gather [hbm4b:s15+s4], $0x400, $0x38;
	[tilespmem:$0x13100] =	vst v63  }
0x20a: {  	s15 =	sadd.s32 $0x5B8F00, s14;
	s18 =	simm.s32 $0xD100  }
0x20b: {  	[tilespmem:s18], [sflag:$0x1] =	stream.linear.gather [hbm4b:s15+s4], $0x400, $0x38;
	[tilespmem:$0x13100] =	vst v63  }
0x20c: {  	s15 =	simm.s32 $0xF500  }
0x20d: {  	v36 =	vadd.s32 v5, v35;
	s14 =	sadd.s32 $0x6AD180, s14;
	s18 =	simm.s32 $0xF100  }
0x20e: {  	[tilespmem:s18], [sflag:$0x1] =	stream.linear.gather [hbm4b:s14+s4], $0x400, $0x38;
	[tilespmem:$0x13100] =	vst v63  }
0x20f: {  	s14 =	simm.s32 $0x2  }
0x210: {  	_ =	swait.ge [sflag:s14], $0x2000  }
0x211: {  	[sflag:s14] =	ssyncset.done $0x0  }
0x212: {  	[sflag:s14] =	ssyncadd.s32 $0xFFFFE000  }
0x213: {  	v36 =	vld.idx.msk [tilespmem:v36+s8+$0x0], $0xffff  }
0x214: {  	v37 =	vor.u32 s12, v0  }
0x215: {  	v38 =	vadd.s32 v6, v35;
	_ =	sdelay $0x3  }
0x216: {  	[tilespmem:v37+s17+$0x0] =	vst.idx.msk $0xffff, v36  }
0x217: {  	v36 =	vld.idx.msk [tilespmem:v38+s8+$0x0], $0xffff  }
0x218: {  	v37 =	vor.u32 s12, v7  }
0x219: {  	v38 =	vadd.s32 v8, v35;
	_ =	sdelay $0x3  }
0x21a: {  	[tilespmem:v37+s17+$0x0] =	vst.idx.msk $0xffff, v36  }
0x21b: {  	v36 =	vld.idx.msk [tilespmem:v38+s8+$0x0], $0xffff  }
0x21c: {  	v37 =	vor.u32 s12, v9  }
0x21d: {  	v35 =	vadd.s32 v10, v35;
	_ =	sdelay $0x3  }
0x21e: {  	[tilespmem:v37+s17+$0x0] =	vst.idx.msk $0xffff, v36  }
0x21f: {  	v35 =	vld.idx.msk [tilespmem:v35+s8+$0x0], $0xffff  }
0x220: {  	v36 =	vor.u32 s12, v11;
	_ =	sdelay $0x4  }
0x221: {  	s12 =	sadd.s32 s1, s13;
	s13 =	simm.s32 $0x1500;
	[tilespmem:v36+s17+$0x0] =	vst.idx.msk $0xffff, v35  }
0x222: {  	[tilespmem:s13], [sflag:$0x2] =	stream.linear.gather [hbm4b:s12+s4], $0x400, $0x38;
	[tilespmem:$0x13100] =	vst v63  }
0x223: {  	s14 =	simm.s32 $0x3500;
	s13 =	sadd.s32 $0xF4280, s12  }
0x224: {  	[tilespmem:s14], [sflag:$0x2] =	stream.linear.gather [hbm4b:s13+s4], $0x400, $0x38;
	[tilespmem:$0x13100] =	vst v63  }
0x225: {  	s13 =	sadd.s32 $0x1E8500, s12;
	s14 =	simm.s32 $0x5500  }
0x226: {  	[tilespmem:s14], [sflag:$0x2] =	stream.linear.gather [hbm4b:s13+s4], $0x400, $0x38;
	[tilespmem:$0x13100] =	vst v63  }
0x227: {  	s13 =	sadd.s32 $0x2DC780, s12;
	s14 =	simm.s32 $0x7500  }
0x228: {  	[tilespmem:s14], [sflag:$0x2] =	stream.linear.gather [hbm4b:s13+s4], $0x400, $0x38;
	[tilespmem:$0x13100] =	vst v63  }
0x229: {  	s13 =	sadd.s32 $0x3D0A00, s12;
	s14 =	simm.s32 $0x9500  }
0x22a: {  	[tilespmem:s14], [sflag:$0x2] =	stream.linear.gather [hbm4b:s13+s4], $0x400, $0x38;
	[tilespmem:$0x13100] =	vst v63  }
0x22b: {  	s13 =	sadd.s32 $0x4C4C80, s12;
	s14 =	simm.s32 $0xB500  }
0x22c: {  	[tilespmem:s14], [sflag:$0x2] =	stream.linear.gather [hbm4b:s13+s4], $0x400, $0x38;
	[tilespmem:$0x13100] =	vst v63  }
0x22d: {  	s13 =	sadd.s32 $0x5B8F00, s12;
	s14 =	simm.s32 $0xD500  }
0x22e: {  	[tilespmem:s14], [sflag:$0x2] =	stream.linear.gather [hbm4b:s13+s4], $0x400, $0x38;
	[tilespmem:$0x13100] =	vst v63  }
0x22f: {  	v35 =	vadd.s32 v5, v34;
	s12 =	sadd.s32 $0x6AD180, s12  }
0x230: {  	[tilespmem:s15], [sflag:$0x2] =	stream.linear.gather [hbm4b:s12+s4], $0x400, $0x38;
	[tilespmem:$0x13100] =	vst v63  }
0x231: {  	_ =	swait.ge [sflag:s19], $0x2000  }
0x232: {  	[sflag:s19] =	ssyncset.done $0x0  }
0x233: {  	[sflag:s19] =	ssyncadd.s32 $0xFFFFE000  }
0x234: {  	v35 =	vld.idx.msk [tilespmem:v35+s8+$0x0], $0xffff  }
0x235: {  	v36 =	vor.u32 s10, v0  }
0x236: {  	v37 =	vadd.s32 v6, v34;
	_ =	sdelay $0x3  }
0x237: {  	[tilespmem:v36+s17+$0x0] =	vst.idx.msk $0xffff, v35  }
0x238: {  	v35 =	vld.idx.msk [tilespmem:v37+s8+$0x0], $0xffff  }
0x239: {  	v36 =	vor.u32 s10, v7  }
0x23a: {  	v37 =	vadd.s32 v8, v34;
	_ =	sdelay $0x3  }
0x23b: {  	[tilespmem:v36+s17+$0x0] =	vst.idx.msk $0xffff, v35  }
0x23c: {  	v35 =	vld.idx.msk [tilespmem:v37+s8+$0x0], $0xffff  }
0x23d: {  	v36 =	vor.u32 s10, v9  }
0x23e: {  	v34 =	vadd.s32 v10, v34;
	_ =	sdelay $0x3  }
0x23f: {  	[tilespmem:v36+s17+$0x0] =	vst.idx.msk $0xffff, v35  }
0x240: {  	v34 =	vld.idx.msk [tilespmem:v34+s8+$0x0], $0xffff  }
0x241: {  	v35 =	vor.u32 s10, v11;
	_ =	sdelay $0x4  }
0x242: {  	s10 =	sadd.s32 s1, s11;
	s11 =	simm.s32 $0x1900;
	[tilespmem:v35+s17+$0x0] =	vst.idx.msk $0xffff, v34  }
0x243: {  	[tilespmem:s11], [sflag:$0x3] =	stream.linear.gather [hbm4b:s10+s4], $0x400, $0x38;
	[tilespmem:$0x13100] =	vst v63  }
0x244: {  	s12 =	simm.s32 $0x3900;
	s11 =	sadd.s32 $0xF4280, s10  }
0x245: {  	[tilespmem:s12], [sflag:$0x3] =	stream.linear.gather [hbm4b:s11+s4], $0x400, $0x38;
	[tilespmem:$0x13100] =	vst v63  }
0x246: {  	s11 =	sadd.s32 $0x1E8500, s10;
	s12 =	simm.s32 $0x5900  }
0x247: {  	[tilespmem:s12], [sflag:$0x3] =	stream.linear.gather [hbm4b:s11+s4], $0x400, $0x38;
	[tilespmem:$0x13100] =	vst v63  }
0x248: {  	s11 =	sadd.s32 $0x2DC780, s10;
	s12 =	simm.s32 $0x7900  }
0x249: {  	[tilespmem:s12], [sflag:$0x3] =	stream.linear.gather [hbm4b:s11+s4], $0x400, $0x38;
	[tilespmem:$0x13100] =	vst v63  }
0x24a: {  	s11 =	sadd.s32 $0x3D0A00, s10;
	s12 =	simm.s32 $0x9900  }
0x24b: {  	[tilespmem:s12], [sflag:$0x3] =	stream.linear.gather [hbm4b:s11+s4], $0x400, $0x38;
	[tilespmem:$0x13100] =	vst v63  }
0x24c: {  	s11 =	sadd.s32 $0x4C4C80, s10;
	s12 =	simm.s32 $0xB900  }
0x24d: {  	[tilespmem:s12], [sflag:$0x3] =	stream.linear.gather [hbm4b:s11+s4], $0x400, $0x38;
	[tilespmem:$0x13100] =	vst v63  }
0x24e: {  	s11 =	sadd.s32 $0x5B8F00, s10;
	s12 =	simm.s32 $0xD900  }
0x24f: {  	[tilespmem:s12], [sflag:$0x3] =	stream.linear.gather [hbm4b:s11+s4], $0x400, $0x38;
	[tilespmem:$0x13100] =	vst v63  }
0x250: {  	v34 =	vadd.s32 v5, v33;
	s10 =	sadd.s32 $0x6AD180, s10;
	s11 =	simm.s32 $0xF900  }
0x251: {  	[tilespmem:s11], [sflag:$0x3] =	stream.linear.gather [hbm4b:s10+s4], $0x400, $0x38;
	[tilespmem:$0x13100] =	vst v63  }
0x252: {  	_ =	swait.ge [sflag:s20], $0x2000  }
0x253: {  	[sflag:s20] =	ssyncset.done $0x0  }
0x254: {  	[sflag:s20] =	ssyncadd.s32 $0xFFFFE000  }
0x255: {  	v34 =	vld.idx.msk [tilespmem:v34+s8+$0x0], $0xffff  }
0x256: {  	v35 =	vor.u32 s7, v0  }
0x257: {  	v36 =	vadd.s32 v6, v33;
	_ =	sdelay $0x3  }
0x258: {  	[tilespmem:v35+s17+$0x0] =	vst.idx.msk $0xffff, v34  }
0x259: {  	v34 =	vld.idx.msk [tilespmem:v36+s8+$0x0], $0xffff  }
0x25a: {  	v35 =	vor.u32 s7, v7  }
0x25b: {  	v36 =	vadd.s32 v8, v33;
	_ =	sdelay $0x3  }
0x25c: {  	[tilespmem:v35+s17+$0x0] =	vst.idx.msk $0xffff, v34  }
0x25d: {  	v34 =	vld.idx.msk [tilespmem:v36+s8+$0x0], $0xffff  }
0x25e: {  	v35 =	vor.u32 s7, v9  }
0x25f: {  	v33 =	vadd.s32 v10, v33;
	_ =	sdelay $0x3  }
0x260: {  	[tilespmem:v35+s17+$0x0] =	vst.idx.msk $0xffff, v34  }
0x261: {  	v33 =	vld.idx.msk [tilespmem:v33+s8+$0x0], $0xffff  }
0x262: {  	v34 =	vor.u32 s7, v11;
	_ =	sdelay $0x4  }
0x263: {  	s7 =	sadd.s32 s1, s9;
	s9 =	simm.s32 $0x1D00;
	[tilespmem:v34+s17+$0x0] =	vst.idx.msk $0xffff, v33  }
0x264: {  	[tilespmem:s9], [sflag:$0x4] =	stream.linear.gather [hbm4b:s7+s4], $0x400, $0x38;
	[tilespmem:$0x13100] =	vst v63  }
0x265: {  	s10 =	simm.s32 $0x3D00;
	s9 =	sadd.s32 $0xF4280, s7  }
0x266: {  	[tilespmem:s10], [sflag:$0x4] =	stream.linear.gather [hbm4b:s9+s4], $0x400, $0x38;
	[tilespmem:$0x13100] =	vst v63  }
0x267: {  	s9 =	sadd.s32 $0x1E8500, s7;
	s10 =	simm.s32 $0x5D00  }
0x268: {  	[tilespmem:s10], [sflag:$0x4] =	stream.linear.gather [hbm4b:s9+s4], $0x400, $0x38;
	[tilespmem:$0x13100] =	vst v63  }
0x269: {  	s9 =	sadd.s32 $0x2DC780, s7;
	s10 =	simm.s32 $0x7D00  }
0x26a: {  	[tilespmem:s10], [sflag:$0x4] =	stream.linear.gather [hbm4b:s9+s4], $0x400, $0x38;
	[tilespmem:$0x13100] =	vst v63  }
0x26b: {  	s9 =	sadd.s32 $0x3D0A00, s7;
	s10 =	simm.s32 $0x9D00  }
0x26c: {  	[tilespmem:s10], [sflag:$0x4] =	stream.linear.gather [hbm4b:s9+s4], $0x400, $0x38;
	[tilespmem:$0x13100] =	vst v63  }
0x26d: {  	s9 =	sadd.s32 $0x4C4C80, s7;
	s10 =	simm.s32 $0xBD00  }
0x26e: {  	[tilespmem:s10], [sflag:$0x4] =	stream.linear.gather [hbm4b:s9+s4], $0x400, $0x38;
	[tilespmem:$0x13100] =	vst v63  }
0x26f: {  	s9 =	sadd.s32 $0x5B8F00, s7;
	s10 =	simm.s32 $0xDD00  }
0x270: {  	[tilespmem:s10], [sflag:$0x4] =	stream.linear.gather [hbm4b:s9+s4], $0x400, $0x38;
	[tilespmem:$0x13100] =	vst v63  }
0x271: {  	v33 =	vadd.s32 v5, v32;
	s7 =	sadd.s32 $0x6AD180, s7;
	s9 =	simm.s32 $0xFD00  }
0x272: {  	[tilespmem:s9], [sflag:$0x4] =	stream.linear.gather [hbm4b:s7+s4], $0x400, $0x38;
	[tilespmem:$0x13100] =	vst v63  }
0x273: {  	_ =	swait.ge [sflag:s21], $0x2000  }
0x274: {  	[sflag:s21] =	ssyncset.done $0x0  }
0x275: {  	[sflag:s21] =	ssyncadd.s32 $0xFFFFE000  }
0x276: {  	v33 =	vld.idx.msk [tilespmem:v33+s8+$0x0], $0xffff  }
0x277: {  	v34 =	vor.u32 s5, v0  }
0x278: {  	v35 =	vadd.s32 v6, v32;
	_ =	sdelay $0x3  }
0x279: {  	[tilespmem:v34+s17+$0x0] =	vst.idx.msk $0xffff, v33  }
0x27a: {  	v33 =	vld.idx.msk [tilespmem:v35+s8+$0x0], $0xffff  }
0x27b: {  	v34 =	vor.u32 s5, v7  }
0x27c: {  	v35 =	vadd.s32 v8, v32;
	_ =	sdelay $0x3  }
0x27d: {  	[tilespmem:v34+s17+$0x0] =	vst.idx.msk $0xffff, v33  }
0x27e: {  	v33 =	vld.idx.msk [tilespmem:v35+s8+$0x0], $0xffff  }
0x27f: {  	v34 =	vor.u32 s5, v9  }
0x280: {  	v32 =	vadd.s32 v10, v32;
	_ =	sdelay $0x3  }
0x281: {  	[tilespmem:v34+s17+$0x0] =	vst.idx.msk $0xffff, v33  }
0x282: {  	v32 =	vld.idx.msk [tilespmem:v32+s8+$0x0], $0xffff  }
0x283: {  	v33 =	vor.u32 s5, v11;
	_ =	sdelay $0x4  }
0x284: {  	s5 =	sadd.s32 s1, s6;
	s6 =	simm.s32 $0x2100;
	[tilespmem:v33+s17+$0x0] =	vst.idx.msk $0xffff, v32  }
0x285: {  	[tilespmem:s6], [sflag:$0x5] =	stream.linear.gather [hbm4b:s5+s4], $0x400, $0x38;
	[tilespmem:$0x13100] =	vst v63  }
0x286: {  	s7 =	simm.s32 $0x4100;
	s6 =	sadd.s32 $0xF4280, s5  }
0x287: {  	[tilespmem:s7], [sflag:$0x5] =	stream.linear.gather [hbm4b:s6+s4], $0x400, $0x38;
	[tilespmem:$0x13100] =	vst v63  }
0x288: {  	s6 =	sadd.s32 $0x1E8500, s5;
	s7 =	simm.s32 $0x6100  }
0x289: {  	[tilespmem:s7], [sflag:$0x5] =	stream.linear.gather [hbm4b:s6+s4], $0x400, $0x38;
	[tilespmem:$0x13100] =	vst v63  }
0x28a: {  	s6 =	sadd.s32 $0x2DC780, s5;
	s7 =	simm.s32 $0x8100  }
0x28b: {  	[tilespmem:s7], [sflag:$0x5] =	stream.linear.gather [hbm4b:s6+s4], $0x400, $0x38;
	[tilespmem:$0x13100] =	vst v63  }
0x28c: {  	s6 =	sadd.s32 $0x3D0A00, s5;
	s7 =	simm.s32 $0xA100  }
0x28d: {  	[tilespmem:s7], [sflag:$0x5] =	stream.linear.gather [hbm4b:s6+s4], $0x400, $0x38;
	[tilespmem:$0x13100] =	vst v63  }
0x28e: {  	s6 =	sadd.s32 $0x4C4C80, s5;
	s7 =	simm.s32 $0xC100  }
0x28f: {  	[tilespmem:s7], [sflag:$0x5] =	stream.linear.gather [hbm4b:s6+s4], $0x400, $0x38;
	[tilespmem:$0x13100] =	vst v63  }
0x290: {  	s6 =	sadd.s32 $0x5B8F00, s5;
	s7 =	simm.s32 $0xE100  }
0x291: {  	[tilespmem:s7], [sflag:$0x5] =	stream.linear.gather [hbm4b:s6+s4], $0x400, $0x38;
	[tilespmem:$0x13100] =	vst v63  }
0x292: {  	v32 =	vadd.s32 v5, v31;
	s5 =	sadd.s32 $0x6AD180, s5;
	s6 =	simm.s32 $0x10100  }
0x293: {  	[tilespmem:s6], [sflag:$0x5] =	stream.linear.gather [hbm4b:s5+s4], $0x400, $0x38;
	[tilespmem:$0x13100] =	vst v63  }
0x294: {  	_ =	swait.ge [sflag:s22], $0x2000  }
0x295: {  	[sflag:s22] =	ssyncset.done $0x0  }
0x296: {  	[sflag:s22] =	ssyncadd.s32 $0xFFFFE000  }
0x297: {  	v32 =	vld.idx.msk [tilespmem:v32+s8+$0x0], $0xffff  }
0x298: {  	v33 =	vor.u32 s0, v0  }
0x299: {  	v34 =	vadd.s32 v6, v31;
	_ =	sdelay $0x3  }
0x29a: {  	[tilespmem:v33+s17+$0x0] =	vst.idx.msk $0xffff, v32  }
0x29b: {  	v32 =	vld.idx.msk [tilespmem:v34+s8+$0x0], $0xffff  }
0x29c: {  	v33 =	vor.u32 s0, v7  }
0x29d: {  	v34 =	vadd.s32 v8, v31;
	_ =	sdelay $0x3  }
0x29e: {  	[tilespmem:v33+s17+$0x0] =	vst.idx.msk $0xffff, v32  }
0x29f: {  	v32 =	vld.idx.msk [tilespmem:v34+s8+$0x0], $0xffff  }
0x2a0: {  	v33 =	vor.u32 s0, v9  }
0x2a1: {  	v31 =	vadd.s32 v10, v31;
	_ =	sdelay $0x3  }
0x2a2: {  	[tilespmem:v33+s17+$0x0] =	vst.idx.msk $0xffff, v32  }
0x2a3: {  	v31 =	vld.idx.msk [tilespmem:v31+s8+$0x0], $0xffff  }
0x2a4: {  	v32 =	vor.u32 s0, v11;
	_ =	sdelay $0x4  }
0x2a5: {  	s0 =	sadd.s32 s1, s2;
	s2 =	simm.s32 $0x2500;
	[tilespmem:v32+s17+$0x0] =	vst.idx.msk $0xffff, v31  }
0x2a6: {  	[tilespmem:s2], [sflag:$0x6] =	stream.linear.gather [hbm4b:s0+s4], $0x400, $0x38;
	[tilespmem:$0x13100] =	vst v63  }
0x2a7: {  	s5 =	simm.s32 $0x4500;
	s2 =	sadd.s32 $0xF4280, s0  }
0x2a8: {  	[tilespmem:s5], [sflag:$0x6] =	stream.linear.gather [hbm4b:s2+s4], $0x400, $0x38;
	[tilespmem:$0x13100] =	vst v63  }
0x2a9: {  	s2 =	sadd.s32 $0x1E8500, s0;
	s5 =	simm.s32 $0x6500  }
0x2aa: {  	[tilespmem:s5], [sflag:$0x6] =	stream.linear.gather [hbm4b:s2+s4], $0x400, $0x38;
	[tilespmem:$0x13100] =	vst v63  }
0x2ab: {  	s2 =	sadd.s32 $0x2DC780, s0;
	s5 =	simm.s32 $0x8500  }
0x2ac: {  	[tilespmem:s5], [sflag:$0x6] =	stream.linear.gather [hbm4b:s2+s4], $0x400, $0x38;
	[tilespmem:$0x13100] =	vst v63  }
0x2ad: {  	s2 =	sadd.s32 $0x3D0A00, s0;
	s5 =	simm.s32 $0xA500  }
0x2ae: {  	[tilespmem:s5], [sflag:$0x6] =	stream.linear.gather [hbm4b:s2+s4], $0x400, $0x38;
	[tilespmem:$0x13100] =	vst v63  }
0x2af: {  	s2 =	sadd.s32 $0x4C4C80, s0;
	s5 =	simm.s32 $0xC500  }
0x2b0: {  	[tilespmem:s5], [sflag:$0x6] =	stream.linear.gather [hbm4b:s2+s4], $0x400, $0x38;
	[tilespmem:$0x13100] =	vst v63  }
0x2b1: {  	s2 =	sadd.s32 $0x5B8F00, s0;
	s5 =	simm.s32 $0xE500  }
0x2b2: {  	[tilespmem:s5], [sflag:$0x6] =	stream.linear.gather [hbm4b:s2+s4], $0x400, $0x38;
	[tilespmem:$0x13100] =	vst v63  }
0x2b3: {  	v31 =	vadd.s32 v5, v30;
	s0 =	sadd.s32 $0x6AD180, s0;
	s2 =	simm.s32 $0x10500  }
0x2b4: {  	[tilespmem:s2], [sflag:$0x6] =	stream.linear.gather [hbm4b:s0+s4], $0x400, $0x38;
	[tilespmem:$0x13100] =	vst v63  }
0x2b5: {  	_ =	swait.ge [sflag:s23], $0x2000  }
0x2b6: {  	[sflag:s23] =	ssyncset.done $0x0  }
0x2b7: {  	[sflag:s23] =	ssyncadd.s32 $0xFFFFE000  }
0x2b8: {  	v31 =	vld.idx.msk [tilespmem:v31+s8+$0x0], $0xffff  }
0x2b9: {  	v32 =	vor.u32 s30, v0  }
0x2ba: {  	v33 =	vadd.s32 v6, v30;
	_ =	sdelay $0x3  }
0x2bb: {  	[tilespmem:v32+s17+$0x0] =	vst.idx.msk $0xffff, v31  }
0x2bc: {  	v31 =	vld.idx.msk [tilespmem:v33+s8+$0x0], $0xffff  }
0x2bd: {  	v32 =	vor.u32 s30, v7  }
0x2be: {  	v33 =	vadd.s32 v8, v30;
	_ =	sdelay $0x3  }
0x2bf: {  	[tilespmem:v32+s17+$0x0] =	vst.idx.msk $0xffff, v31  }
0x2c0: {  	v31 =	vld.idx.msk [tilespmem:v33+s8+$0x0], $0xffff  }
0x2c1: {  	v32 =	vor.u32 s30, v9  }
0x2c2: {  	v30 =	vadd.s32 v10, v30;
	_ =	sdelay $0x3  }
0x2c3: {  	[tilespmem:v32+s17+$0x0] =	vst.idx.msk $0xffff, v31  }
0x2c4: {  	v30 =	vld.idx.msk [tilespmem:v30+s8+$0x0], $0xffff  }
0x2c5: {  	v31 =	vor.u32 s30, v11;
	_ =	sdelay $0x4  }
0x2c6: {  	s0 =	sadd.s32 s1, s3;
	s2 =	simm.s32 $0x2900;
	[tilespmem:v31+s17+$0x0] =	vst.idx.msk $0xffff, v30  }
0x2c7: {  	[tilespmem:s2], [sflag:$0x7] =	stream.linear.gather [hbm4b:s0+s4], $0x400, $0x38;
	[tilespmem:$0x13100] =	vst v63  }
0x2c8: {  	s3 =	simm.s32 $0x4900;
	s2 =	sadd.s32 $0xF4280, s0  }
0x2c9: {  	[tilespmem:s3], [sflag:$0x7] =	stream.linear.gather [hbm4b:s2+s4], $0x400, $0x38;
	[tilespmem:$0x13100] =	vst v63  }
0x2ca: {  	s2 =	sadd.s32 $0x1E8500, s0;
	s3 =	simm.s32 $0x6900  }
0x2cb: {  	[tilespmem:s3], [sflag:$0x7] =	stream.linear.gather [hbm4b:s2+s4], $0x400, $0x38;
	[tilespmem:$0x13100] =	vst v63  }
0x2cc: {  	s2 =	sadd.s32 $0x2DC780, s0;
	s3 =	simm.s32 $0x8900  }
0x2cd: {  	[tilespmem:s3], [sflag:$0x7] =	stream.linear.gather [hbm4b:s2+s4], $0x400, $0x38;
	[tilespmem:$0x13100] =	vst v63  }
0x2ce: {  	s2 =	sadd.s32 $0x3D0A00, s0;
	s3 =	simm.s32 $0xA900  }
0x2cf: {  	[tilespmem:s3], [sflag:$0x7] =	stream.linear.gather [hbm4b:s2+s4], $0x400, $0x38;
	[tilespmem:$0x13100] =	vst v63  }
0x2d0: {  	s2 =	sadd.s32 $0x4C4C80, s0;
	s3 =	simm.s32 $0xC900  }
0x2d1: {  	[tilespmem:s3], [sflag:$0x7] =	stream.linear.gather [hbm4b:s2+s4], $0x400, $0x38;
	[tilespmem:$0x13100] =	vst v63  }
0x2d2: {  	s2 =	sadd.s32 $0x5B8F00, s0;
	s3 =	simm.s32 $0xE900  }
0x2d3: {  	[tilespmem:s3], [sflag:$0x7] =	stream.linear.gather [hbm4b:s2+s4], $0x400, $0x38;
	[tilespmem:$0x13100] =	vst v63  }
0x2d4: {  	v30 =	vadd.s32 v5, v29;
	s0 =	sadd.s32 $0x6AD180, s0;
	s2 =	simm.s32 $0x10900  }
0x2d5: {  	[tilespmem:s2], [sflag:$0x7] =	stream.linear.gather [hbm4b:s0+s4], $0x400, $0x38;
	[tilespmem:$0x13100] =	vst v63  }
0x2d6: {  	_ =	swait.ge [sflag:s24], $0x2000  }
0x2d7: {  	[sflag:s24] =	ssyncset.done $0x0  }
0x2d8: {  	[sflag:s24] =	ssyncadd.s32 $0xFFFFE000  }
0x2d9: {  	v30 =	vld.idx.msk [tilespmem:v30+s8+$0x0], $0xffff  }
0x2da: {  	v31 =	vor.u32 s29, v0  }
0x2db: {  	v32 =	vadd.s32 v6, v29;
	_ =	sdelay $0x3  }
0x2dc: {  	[tilespmem:v31+s17+$0x0] =	vst.idx.msk $0xffff, v30  }
0x2dd: {  	v30 =	vld.idx.msk [tilespmem:v32+s8+$0x0], $0xffff  }
0x2de: {  	v31 =	vor.u32 s29, v7  }
0x2df: {  	v32 =	vadd.s32 v8, v29;
	_ =	sdelay $0x3  }
0x2e0: {  	[tilespmem:v31+s17+$0x0] =	vst.idx.msk $0xffff, v30  }
0x2e1: {  	v30 =	vld.idx.msk [tilespmem:v32+s8+$0x0], $0xffff  }
0x2e2: {  	v31 =	vor.u32 s29, v9  }
0x2e3: {  	v29 =	vadd.s32 v10, v29;
	_ =	sdelay $0x3  }
0x2e4: {  	[tilespmem:v31+s17+$0x0] =	vst.idx.msk $0xffff, v30  }
0x2e5: {  	v29 =	vld.idx.msk [tilespmem:v29+s8+$0x0], $0xffff  }
0x2e6: {  	v30 =	vor.u32 s29, v11;
	_ =	sdelay $0x4  }
0x2e7: {  	s0 =	sadd.s32 s1, s31;
	s2 =	simm.s32 $0x2D00;
	[tilespmem:v30+s17+$0x0] =	vst.idx.msk $0xffff, v29  }
0x2e8: {  	[tilespmem:s2], [sflag:$0x8] =	stream.linear.gather [hbm4b:s0+s4], $0x400, $0x38;
	[tilespmem:$0x13100] =	vst v63  }
0x2e9: {  	s3 =	simm.s32 $0x4D00;
	s2 =	sadd.s32 $0xF4280, s0  }
0x2ea: {  	[tilespmem:s3], [sflag:$0x8] =	stream.linear.gather [hbm4b:s2+s4], $0x400, $0x38;
	[tilespmem:$0x13100] =	vst v63  }
0x2eb: {  	s2 =	sadd.s32 $0x1E8500, s0;
	s3 =	simm.s32 $0x6D00  }
0x2ec: {  	[tilespmem:s3], [sflag:$0x8] =	stream.linear.gather [hbm4b:s2+s4], $0x400, $0x38;
	[tilespmem:$0x13100] =	vst v63  }
0x2ed: {  	s2 =	sadd.s32 $0x2DC780, s0;
	s3 =	simm.s32 $0x8D00  }
0x2ee: {  	[tilespmem:s3], [sflag:$0x8] =	stream.linear.gather [hbm4b:s2+s4], $0x400, $0x38;
	[tilespmem:$0x13100] =	vst v63  }
0x2ef: {  	s2 =	sadd.s32 $0x3D0A00, s0;
	s3 =	simm.s32 $0xAD00  }
0x2f0: {  	[tilespmem:s3], [sflag:$0x8] =	stream.linear.gather [hbm4b:s2+s4], $0x400, $0x38;
	[tilespmem:$0x13100] =	vst v63  }
.Ltmp0:
0x2f1: {  	s2 =	sadd.s32 $0x4C4C80, s0;
	s3 =	simm.s32 $0xCD00;
	(pc) =	sbr.rel @p0 .LBB2_2-.Ltmp0, $4  }
0x2f2: {  	[tilespmem:s3], [sflag:$0x8] =	stream.linear.gather [hbm4b:s2+s4], $0x400, $0x38;
	[tilespmem:$0x13100] =	vst v63  }
0x2f3: {  	s2 =	sadd.s32 $0x5B8F00, s0;
	s3 =	simm.s32 $0xED00  }
0x2f4: {  	[tilespmem:s3], [sflag:$0x8] =	stream.linear.gather [hbm4b:s2+s4], $0x400, $0x38;
	[tilespmem:$0x13100] =	vst v63  }
0x2f5: {  	s28 =	sadd.s32 $0x8, s28;
	s26 =	sadd.s32 $0x8, s26;
	s0 =	sadd.s32 $0x6AD180, s0  }
0x2f6: {  	s2 =	simm.s32 $0x10D00  }
0x2f7: {  	[tilespmem:s2], [sflag:$0x8] =	stream.linear.gather [hbm4b:s0+s4], $0x400, $0x38;
	[tilespmem:$0x13100] =	vst v63  }
0x2f8: {  	v29 =	vld [tilespmem:$0x10B8];
	_ =	sdelay $0x4  }
0x2f9: {  	v30 =	vbroadcast v29, $0x0;
	_ =	sdelay $0x1  }
0x2fa: {  	v31 =	vshll.u32 v30, $0x3  }
0x2fb: {  	v30 =	vand.u32 $0x7F, v30;
	v31 =	vand.u32 $0xFFFFFC00, v31  }
0x2fc: {  	v30 =	vor.u32 v30, v31  }
0x2fd: {  	v31 =	vadd.s32 v5, v30  }
0x2fe: {  	s7 =	simm.s32 $0x1  }
0x2ff: {  	_ =	swait.ge [sflag:s7], $0x2000  }
0x300: {  	[sflag:s7] =	ssyncset.done $0x0  }
0x301: {  	[sflag:s7] =	ssyncadd.s32 $0xFFFFE000  }
0x302: {  	v31 =	vld.idx.msk [tilespmem:v31+s8+$0x0], $0xffff  }
0x303: {  	v32 =	vadd.s32 v6, v30;
	_ =	sdelay $0x3  }
0x304: {  	[tilespmem:v12+s17+$0x0] =	vst.idx.msk $0xffff, v31  }
0x305: {  	v31 =	vld.idx.msk [tilespmem:v32+s8+$0x0], $0xffff  }
0x306: {  	v42 =	vadd.s32 v8, v30;
	_ =	sdelay $0x3  }
0x307: {  	[tilespmem:v13+s17+$0x0] =	vst.idx.msk $0xffff, v31  }
0x308: {  	v31 =	vld.idx.msk [tilespmem:v42+s8+$0x0], $0xffff  }
0x309: {  	v30 =	vadd.s32 v10, v30;
	_ =	sdelay $0x3  }
0x30a: {  	[tilespmem:v14+s17+$0x0] =	vst.idx.msk $0xffff, v31  }
0x30b: {  	v30 =	vld.idx.msk [tilespmem:v30+s8+$0x0], $0xffff;
	_ =	sdelay $0x4  }
0x30c: {  	s9 =	simm.s32 $0x2;
	[tilespmem:v15+s17+$0x0] =	vst.idx.msk $0xffff, v30  }
0x30d: {  	_ =	swait.ge [sflag:s9], $0x2000  }
0x30e: {  	(v2sf) =	vpush v29, $0x1;
	_ =	sdelay $0xe  }
0x30f: {  	s10 =	spop (v2sf)  }
0x310: {  	s0 =	sadd.s32 $0x80, s10  }
0x311: {  	v30 =	vmov s0  }
0x312: {  	v31 =	vshll.u32 v30, $0x3  }
0x313: {  	v30 =	vand.u32 $0x7F, v30;
	v31 =	vand.u32 $0xFFFFFC00, v31  }
0x314: {  	v30 =	vor.u32 v30, v31  }
0x315: {  	v31 =	vadd.s32 v5, v30;
	_ =	sdelay $0x2  }
0x316: {  	[sflag:s9] =	ssyncset.done $0x0  }
0x317: {  	[sflag:s9] =	ssyncadd.s32 $0xFFFFE000  }
0x318: {  	v31 =	vld.idx.msk [tilespmem:v31+s8+$0x0], $0xffff  }
0x319: {  	v43 =	vadd.s32 v6, v30;
	_ =	sdelay $0x3  }
0x31a: {  	[tilespmem:v16+s17+$0x0] =	vst.idx.msk $0xffff, v31  }
0x31b: {  	v31 =	vld.idx.msk [tilespmem:v43+s8+$0x0], $0xffff  }
0x31c: {  	v44 =	vadd.s32 v8, v30;
	_ =	sdelay $0x3  }
0x31d: {  	[tilespmem:v17+s17+$0x0] =	vst.idx.msk $0xffff, v31  }
0x31e: {  	v31 =	vld.idx.msk [tilespmem:v44+s8+$0x0], $0xffff  }
0x31f: {  	v30 =	vadd.s32 v10, v30;
	_ =	sdelay $0x3  }
0x320: {  	[tilespmem:v18+s17+$0x0] =	vst.idx.msk $0xffff, v31  }
0x321: {  	v30 =	vld.idx.msk [tilespmem:v30+s8+$0x0], $0xffff;
	_ =	sdelay $0x4  }
0x322: {  	[tilespmem:v19+s17+$0x0] =	vst.idx.msk $0xffff, v30  }
0x323: {  	_ =	swait.ge [sflag:s19], $0x2000  }
0x324: {  	(v2sf) =	vpush v29, $0x2;
	_ =	sdelay $0xe  }
0x325: {  	s11 =	spop (v2sf)  }
0x326: {  	s0 =	sadd.s32 $0x100, s11  }
0x327: {  	v30 =	vmov s0  }
0x328: {  	v31 =	vshll.u32 v30, $0x3  }
0x329: {  	v30 =	vand.u32 $0x7F, v30;
	v31 =	vand.u32 $0xFFFFFC00, v31  }
0x32a: {  	v30 =	vor.u32 v30, v31  }
0x32b: {  	v31 =	vadd.s32 v5, v30;
	_ =	sdelay $0x2  }
0x32c: {  	[sflag:s19] =	ssyncset.done $0x0  }
0x32d: {  	[sflag:s19] =	ssyncadd.s32 $0xFFFFE000  }
0x32e: {  	v31 =	vld.idx.msk [tilespmem:v31+s8+$0x0], $0xffff  }
0x32f: {  	v45 =	vadd.s32 v6, v30;
	_ =	sdelay $0x3  }
0x330: {  	[tilespmem:v20+s17+$0x0] =	vst.idx.msk $0xffff, v31  }
0x331: {  	v31 =	vld.idx.msk [tilespmem:v45+s8+$0x0], $0xffff  }
0x332: {  	v46 =	vadd.s32 v8, v30;
	_ =	sdelay $0x3  }
0x333: {  	[tilespmem:v21+s17+$0x0] =	vst.idx.msk $0xffff, v31  }
0x334: {  	v31 =	vld.idx.msk [tilespmem:v46+s8+$0x0], $0xffff  }
0x335: {  	v30 =	vadd.s32 v10, v30;
	_ =	sdelay $0x3  }
0x336: {  	[tilespmem:v22+s17+$0x0] =	vst.idx.msk $0xffff, v31  }
0x337: {  	v30 =	vld.idx.msk [tilespmem:v30+s8+$0x0], $0xffff;
	_ =	sdelay $0x4  }
0x338: {  	[tilespmem:v23+s17+$0x0] =	vst.idx.msk $0xffff, v30  }
0x339: {  	_ =	swait.ge [sflag:s20], $0x2000  }
0x33a: {  	(v2sf) =	vpush v29, $0x3;
	_ =	sdelay $0xe  }
0x33b: {  	s12 =	spop (v2sf)  }
0x33c: {  	s0 =	sadd.s32 $0x180, s12  }
0x33d: {  	v30 =	vmov s0  }
0x33e: {  	v31 =	vshll.u32 v30, $0x3  }
0x33f: {  	v30 =	vand.u32 $0x7F, v30;
	v31 =	vand.u32 $0xFFFFFC00, v31  }
0x340: {  	v30 =	vor.u32 v30, v31  }
0x341: {  	v31 =	vadd.s32 v5, v30;
	_ =	sdelay $0x2  }
0x342: {  	[sflag:s20] =	ssyncset.done $0x0  }
0x343: {  	[sflag:s20] =	ssyncadd.s32 $0xFFFFE000  }
0x344: {  	v31 =	vld.idx.msk [tilespmem:v31+s8+$0x0], $0xffff  }
0x345: {  	v47 =	vadd.s32 v6, v30;
	_ =	sdelay $0x3  }
0x346: {  	[tilespmem:v24+s17+$0x0] =	vst.idx.msk $0xffff, v31  }
0x347: {  	v31 =	vld.idx.msk [tilespmem:v47+s8+$0x0], $0xffff  }
0x348: {  	v48 =	vadd.s32 v8, v30;
	_ =	sdelay $0x3  }
0x349: {  	[tilespmem:v25+s17+$0x0] =	vst.idx.msk $0xffff, v31  }
0x34a: {  	v31 =	vld.idx.msk [tilespmem:v48+s8+$0x0], $0xffff  }
0x34b: {  	v30 =	vadd.s32 v10, v30;
	_ =	sdelay $0x3  }
0x34c: {  	[tilespmem:v26+s17+$0x0] =	vst.idx.msk $0xffff, v31  }
0x34d: {  	v30 =	vld.idx.msk [tilespmem:v30+s8+$0x0], $0xffff;
	_ =	sdelay $0x4  }
0x34e: {  	[tilespmem:v27+s17+$0x0] =	vst.idx.msk $0xffff, v30  }
0x34f: {  	_ =	swait.ge [sflag:s21], $0x2000  }
0x350: {  	(v2sf) =	vpush v29, $0x4;
	_ =	sdelay $0xe  }
0x351: {  	s13 =	spop (v2sf)  }
0x352: {  	s0 =	sadd.s32 $0x200, s13  }
0x353: {  	v30 =	vmov s0  }
0x354: {  	v31 =	vshll.u32 v30, $0x3  }
0x355: {  	v30 =	vand.u32 $0x7F, v30;
	v31 =	vand.u32 $0xFFFFFC00, v31  }
0x356: {  	v30 =	vor.u32 v30, v31  }
0x357: {  	v31 =	vadd.s32 v5, v30;
	_ =	sdelay $0x2  }
0x358: {  	[sflag:s21] =	ssyncset.done $0x0  }
0x359: {  	[sflag:s21] =	ssyncadd.s32 $0xFFFFE000  }
0x35a: {  	v31 =	vld.idx.msk [tilespmem:v31+s8+$0x0], $0xffff  }
0x35b: {  	v49 =	vadd.s32 v6, v30;
	_ =	sdelay $0x3  }
0x35c: {  	[tilespmem:v28+s17+$0x0] =	vst.idx.msk $0xffff, v31  }
0x35d: {  	v50 =	vor.u32 $0x1E10, v0;
	v31 =	vld.idx.msk [tilespmem:v49+s8+$0x0], $0xffff  }
0x35e: {  	v33 =	vadd.s32 v8, v30;
	_ =	sdelay $0x3  }
0x35f: {  	[tilespmem:v50+s17+$0x0] =	vst.idx.msk $0xffff, v31  }
0x360: {  	v51 =	vor.u32 $0x1E20, v0;
	v31 =	vld.idx.msk [tilespmem:v33+s8+$0x0], $0xffff  }
0x361: {  	v30 =	vadd.s32 v10, v30;
	_ =	sdelay $0x3  }
0x362: {  	[tilespmem:v51+s17+$0x0] =	vst.idx.msk $0xffff, v31  }
0x363: {  	v31 =	vor.u32 $0x1E30, v0;
	v30 =	vld.idx.msk [tilespmem:v30+s8+$0x0], $0xffff;
	_ =	sdelay $0x4  }
0x364: {  	[tilespmem:v31+s17+$0x0] =	vst.idx.msk $0xffff, v30  }
0x365: {  	_ =	swait.ge [sflag:s22], $0x2000  }
0x366: {  	(v2sf) =	vpush v29, $0x5;
	_ =	sdelay $0xe  }
0x367: {  	s14 =	spop (v2sf)  }
0x368: {  	s0 =	sadd.s32 $0x280, s14  }
0x369: {  	v30 =	vmov s0  }
0x36a: {  	v31 =	vshll.u32 v30, $0x3  }
0x36b: {  	v30 =	vand.u32 $0x7F, v30;
	v31 =	vand.u32 $0xFFFFFC00, v31  }
0x36c: {  	v30 =	vor.u32 v30, v31  }
0x36d: {  	v31 =	vadd.s32 v5, v30;
	_ =	sdelay $0x2  }
0x36e: {  	[sflag:s22] =	ssyncset.done $0x0  }
0x36f: {  	[sflag:s22] =	ssyncadd.s32 $0xFFFFE000  }
0x370: {  	v52 =	vor.u32 $0x1E80, v0;
	v31 =	vld.idx.msk [tilespmem:v31+s8+$0x0], $0xffff  }
0x371: {  	v53 =	vadd.s32 v6, v30;
	_ =	sdelay $0x3  }
0x372: {  	[tilespmem:v52+s17+$0x0] =	vst.idx.msk $0xffff, v31  }
0x373: {  	v54 =	vor.u32 $0x1E90, v0;
	v31 =	vld.idx.msk [tilespmem:v53+s8+$0x0], $0xffff  }
0x374: {  	v55 =	vadd.s32 v8, v30;
	_ =	sdelay $0x3  }
0x375: {  	[tilespmem:v54+s17+$0x0] =	vst.idx.msk $0xffff, v31  }
0x376: {  	v56 =	vor.u32 $0x1EA0, v0;
	v31 =	vld.idx.msk [tilespmem:v55+s8+$0x0], $0xffff  }
0x377: {  	v30 =	vadd.s32 v10, v30;
	_ =	sdelay $0x3  }
0x378: {  	[tilespmem:v56+s17+$0x0] =	vst.idx.msk $0xffff, v31  }
0x379: {  	v31 =	vor.u32 $0x1EB0, v0;
	v30 =	vld.idx.msk [tilespmem:v30+s8+$0x0], $0xffff;
	_ =	sdelay $0x4  }
0x37a: {  	[tilespmem:v31+s17+$0x0] =	vst.idx.msk $0xffff, v30  }
0x37b: {  	_ =	swait.ge [sflag:s23], $0x2000  }
0x37c: {  	(v2sf) =	vpush v29, $0x6;
	_ =	sdelay $0xe  }
0x37d: {  	s18 =	spop (v2sf)  }
0x37e: {  	s0 =	sadd.s32 $0x300, s18  }
0x37f: {  	v30 =	vmov s0  }
0x380: {  	v31 =	vshll.u32 v30, $0x3  }
0x381: {  	v30 =	vand.u32 $0x7F, v30;
	v31 =	vand.u32 $0xFFFFFC00, v31  }
0x382: {  	v30 =	vor.u32 v30, v31  }
0x383: {  	v31 =	vadd.s32 v5, v30;
	_ =	sdelay $0x2  }
0x384: {  	[sflag:s23] =	ssyncset.done $0x0  }
0x385: {  	[sflag:s23] =	ssyncadd.s32 $0xFFFFE000  }
0x386: {  	v57 =	vor.u32 $0x1F00, v0;
	v31 =	vld.idx.msk [tilespmem:v31+s8+$0x0], $0xffff  }
0x387: {  	v58 =	vadd.s32 v6, v30;
	_ =	sdelay $0x3  }
0x388: {  	[tilespmem:v57+s17+$0x0] =	vst.idx.msk $0xffff, v31  }
0x389: {  	v59 =	vor.u32 $0x1F10, v0;
	v31 =	vld.idx.msk [tilespmem:v58+s8+$0x0], $0xffff  }
0x38a: {  	v60 =	vadd.s32 v8, v30;
	_ =	sdelay $0x3  }
0x38b: {  	[tilespmem:v59+s17+$0x0] =	vst.idx.msk $0xffff, v31  }
0x38c: {  	v61 =	vor.u32 $0x1F20, v0;
	v31 =	vld.idx.msk [tilespmem:v60+s8+$0x0], $0xffff  }
0x38d: {  	v30 =	vadd.s32 v10, v30;
	_ =	sdelay $0x3  }
0x38e: {  	[tilespmem:v61+s17+$0x0] =	vst.idx.msk $0xffff, v31  }
0x38f: {  	v31 =	vor.u32 $0x1F30, v0;
	v30 =	vld.idx.msk [tilespmem:v30+s8+$0x0], $0xffff;
	_ =	sdelay $0x4  }
0x390: {  	[tilespmem:v31+s17+$0x0] =	vst.idx.msk $0xffff, v30  }
0x391: {  	_ =	swait.ge [sflag:s24], $0x2000  }
0x392: {  	(v2sf) =	vpush v29, $0x7;
	_ =	sdelay $0xe  }
0x393: {  	s25 =	spop (v2sf)  }
0x394: {  	s0 =	sadd.s32 $0x380, s25  }
0x395: {  	v29 =	vmov s0  }
0x396: {  	v30 =	vshll.u32 v29, $0x3  }
0x397: {  	v29 =	vand.u32 $0x7F, v29;
	v30 =	vand.u32 $0xFFFFFC00, v30  }
0x398: {  	v29 =	vor.u32 v29, v30  }
0x399: {  	v30 =	vadd.s32 v5, v29;
	_ =	sdelay $0x2  }
0x39a: {  	[sflag:s24] =	ssyncset.done $0x0  }
0x39b: {  	[sflag:s24] =	ssyncadd.s32 $0xFFFFE000  }
0x39c: {  	v31 =	vor.u32 $0x1F80, v0;
	v30 =	vld.idx.msk [tilespmem:v30+s8+$0x0], $0xffff  }
0x39d: {  	v62 =	vadd.s32 v6, v29;
	_ =	sdelay $0x3  }
0x39e: {  	[tilespmem:v31+s17+$0x0] =	vst.idx.msk $0xffff, v30  }
0x39f: {  	v31 =	vor.u32 $0x1F90, v0;
	v30 =	vld.idx.msk [tilespmem:v62+s8+$0x0], $0xffff  }
0x3a0: {  	v63 =	vadd.s32 v8, v29;
	_ =	sdelay $0x3  }
0x3a1: {  	[tilespmem:v31+s17+$0x0] =	vst.idx.msk $0xffff, v30  }
0x3a2: {  	v31 =	vor.u32 $0x1FA0, v0;
	v30 =	vld.idx.msk [tilespmem:v63+s8+$0x0], $0xffff  }
0x3a3: {  	v29 =	vadd.s32 v10, v29;
	_ =	sdelay $0x3  }
0x3a4: {  	[tilespmem:v31+s17+$0x0] =	vst.idx.msk $0xffff, v30  }
0x3a5: {  	v30 =	vor.u32 $0x1FB0, v0;
	v29 =	vld.idx.msk [tilespmem:v29+s8+$0x0], $0xffff;
	_ =	sdelay $0x4  }
0x3a6: {  	s2 =	simm.s32 $0x9;
	s26 =	rddreg [dreg:$0x4];
	[tilespmem:v30+s17+$0x0] =	vst.idx.msk $0xffff, v29  }
0x3a7: {  	[hbm4b:s26+s4] =	stream.linear.scatter [tilespmem:s17], [sflag:$0x9], $0x2000, $0x38;
	[tilespmem:$0x13100] =	vst v63  }
0x3a8: {  	_ =	swait.ge [sflag:s2], $0x2000  }
0x3a9: {  	s5 =	simm.s32 $0x7100;
	s29 =	simm.s32 $0x9100;
	s3 =	rddreg [dreg:$0x6]  }
0x3aa: {  	s28 =	simm.s32 $0xB100;
	s31 =	rddreg [dreg:$0x5];
	s3 =	sadd.s32 $0x1, s3  }
0x3ab: {  	s30 =	simm.s32 $0xD100;
	s6 =	simm.s32 $0x3500;
	p0 =	sne.s32 s3, s31  }
.Ltmp1:
0x3ac: {  	s7 =	simm.s32 $0x5500;
	s9 =	simm.s32 $0x7500;
	(pc) =	sbr.rel @p0 .LBB2_1-.Ltmp1, $4  }
0x3ad: {  	s10 =	simm.s32 $0x9500;
	s11 =	simm.s32 $0xB500;
	s12 =	simm.s32 $0xD500  }
0x3ae: {  	s13 =	simm.s32 $0x1900;
	s14 =	simm.s32 $0x3900;
	s18 =	simm.s32 $0xF100  }
0x3af: {  	s25 =	simm.s32 $0x5900;
	s26 =	simm.s32 $0x5100;
	[sflag:s2] =	ssyncset.done $0x0  }
0x3b0: {  	[sflag:s2] =	ssyncadd.s32 $0xFFFFE000;
	[dreg:$0x6] =	wrdreg s3;
	s3 =	simm.s32 $0x1500  }
0x3b1: {  	_ =	sfence.sel $0x180000  }
0x3b2: {  	[bflag:$0x0] =	sbarrier.arrive $0xFFFF  }
0x3b3: {  	_ =	strace $0x90000047  }
0x3b4: {  	s0 =	stileid.u32;
	[bflag:$0x2] =	sbarrier.arrive $0xFFFF  }
0x3b5: {  	p0 =	sne.s32 s0, $0x0;
	s0 =	rddreg [dreg:$0x3]  }
0x3b6: {  	s0 =	sadd.s32 @!p0 $0x100000, s0  }
0x3b7: {  	[sflag:s0] =	ssyncadd.tile.s32 @!p0 $0x1;
	_ =	shalt  }
.Lfunc_end2:
_tile_overlayer_lowered:
.L_overlay_start_2:
0x3b8: {  	(tag) =	ssettag $0x2  }
0x3b9: {  	s0 =	rddreg [dreg:$0x0];
	s2 =	stileid.u32  }
0x3ba: {  	s1 =	rddreg [dreg:$0x1];
	p0 =	sne.s32 s2, $0x0  }
0x3bb: {  	s3 =	rddreg [dreg:$0x2];
	[bflag:$0x3] =	sbarrier.arrive $0xFFFF;
	s2 =	simm.s32 @!p0 $0x1C09  }
0x3bc: {  	[timem:s3], [sflag:s2] =	dma.local @!p0 [hbm:s0], s1  }
0x3bd: {  	s0 =	simm.s32 @!p0 $0x9  }
0x3be: {  	_ =	swait.ge @!p0 [sflag:s0], s1  }
0x3bf: {  	s1 =	ssub.s32 @!p0 $0x0, s1;
	[sflag:s0] =	ssyncset.done @!p0 $0x0  }
0x3c0: {  	[sflag:s0] =	ssyncadd.s32 @!p0 s1  }
0x3c1: {  	[bflag:$0x3] =	sbarrier.arrive $0xFFFF  }
0x3c2: {  	_ =	shalt  }

</sc_bundles>
